<compile_context>
chip_gen: v7x
topology: tpu7x:2x2x1
jax: 0.10.2.dev20260603
libtpu: 0.0.44.dev20260713+nightly
codegen_flags: <defaults>
</compile_context>

<pallas_src>
import functools

import numpy as np
import jax
import jax.numpy as jnp
from jax import lax
from jax.experimental import pallas as pl
from jax.experimental.pallas import tpu as pltpu
from jax.experimental.pallas import tpu_sc as plsc

B, L, D, H = 16, 64, 1024, 512
N = 2 * L - 1
P = N - L
G4 = 4 * H

_jk = np.outer(np.arange(H, dtype=np.float64), np.arange(H, dtype=np.float64))
_ang = (2.0 * np.pi / H) * _jk
_COS = np.cos(_ang)
_SIN = np.sin(_ang)
_FMAT = np.concatenate([_COS, -_SIN], axis=1).astype(np.float32)
_GMAT = (np.concatenate([_COS, -_SIN], axis=0) / H).astype(np.float32)

def _perm(rows, inner):
    outer = rows // inner
    p = np.zeros((rows, rows), np.float32)
    i = np.arange(rows)
    p[i, (i % inner) * outer + i // inner] = 1.0
    return p

_PW = _perm(B * L, L)
_PP = _perm(B * P, P)
_PIN = _perm(B * L, B)


def _dotg(a, b):
    return jax.lax.dot_general(a, b, (((1,), (1,)), ((), ())),
                               preferred_element_type=jnp.float32)


def _xproj_body(x_ref, pin_ref, wf_ref, wb_ref, bf_ref, bb_ref,
                of_ref, ob_ref, xt_s):
    @pl.when(pl.program_id(0) == 0)
    def _():
        xt_s[...] = jnp.dot(pin_ref[...], x_ref[...],
                            preferred_element_type=jnp.float32)

    of_ref[...] = _dotg(xt_s[...], wf_ref[...]) + bf_ref[...]
    ob_ref[...] = _dotg(xt_s[...], wb_ref[...]) + bb_ref[...]


def _xproj(x_bl, pin, w_ih_f, w_ih_b, b_f, b_b):
    nblk = 4
    bn = G4 // nblk
    return pl.pallas_call(
        _xproj_body,
        grid=(nblk,),
        in_specs=[
            pl.BlockSpec((B * L, D), lambda j: (0, 0)),
            pl.BlockSpec((B * L, B * L), lambda j: (0, 0)),
            pl.BlockSpec((bn, D), lambda j: (j, 0)),
            pl.BlockSpec((bn, D), lambda j: (j, 0)),
            pl.BlockSpec((1, bn), lambda j: (0, j)),
            pl.BlockSpec((1, bn), lambda j: (0, j)),
        ],
        out_specs=[
            pl.BlockSpec((B * L, bn), lambda j: (0, j)),
            pl.BlockSpec((B * L, bn), lambda j: (0, j)),
        ],
        out_shape=[
            jax.ShapeDtypeStruct((B * L, G4), jnp.float32),
            jax.ShapeDtypeStruct((B * L, G4), jnp.float32),
        ],
        scratch_shapes=[pltpu.VMEM((B * L, D), jnp.float32)],
    )(x_bl, pin, w_ih_f, w_ih_b, b_f, b_b)


def _main_body(xf_ref, xb_ref, wf_ref, wb_ref, w1t_ref, w2t_ref, fmat_ref,
               ww_ref, bw_ref, pw_ref,
               word_out, spec_out,
               hf_s, cf_s, hb_s, cb_s, hfall, hball):
    t = pl.program_id(0)

    @pl.when(t == 0)
    def _():
        hf_s[...] = jnp.zeros_like(hf_s)
        cf_s[...] = jnp.zeros_like(cf_s)
        hb_s[...] = jnp.zeros_like(hb_s)
        cb_s[...] = jnp.zeros_like(cb_s)

    @pl.when(t < L)
    def _():
        def step(x_ref, w_ref, h_s, c_s, hall, pos):
            g = x_ref[0] + _dotg(h_s[...], w_ref[...])
            i = jax.nn.sigmoid(g[:, 0:H])
            f = jax.nn.sigmoid(g[:, H:2 * H])
            gg = jnp.tanh(g[:, 2 * H:3 * H])
            o = jax.nn.sigmoid(g[:, 3 * H:4 * H])
            c = f * c_s[...] + i * gg
            h = o * jnp.tanh(c)
            c_s[...] = c
            h_s[...] = h
            hall[pl.ds(pos, 1)] = h[None]

        step(xf_ref, wf_ref, hf_s, cf_s, hfall, t)
        step(xb_ref, wb_ref, hb_s, cb_s, hball, L - 1 - t)

    @pl.when(t == L)
    def _():
        comb = (_dotg(hfall[...].reshape(L * B, H), w1t_ref[...])
                + _dotg(hball[...].reshape(L * B, H), w2t_ref[...]))
        comb = jnp.where(comb > 0, comb, 0.01 * comb)
        ss0 = jnp.sum(comb * comb, axis=1, keepdims=True)
        leaves = comb * jax.lax.rsqrt(jnp.maximum(ss0, 1e-24))
        word_lb = _dotg(leaves, ww_ref[...]) + bw_ref[...]
        word_out[...] = jnp.dot(pw_ref[...], word_lb,
                                preferred_element_type=jnp.float32)
        leaf_spec = jnp.dot(leaves, fmat_ref[...],
                            preferred_element_type=jnp.float32)
        spec_out[...] = jnp.dot(pw_ref[...], leaf_spec,
                                preferred_element_type=jnp.float32)


def _main(xpf, xpb, w_hh_f, w_hh_b, w1, w2, fmat, ww, bw, pw):
    const = lambda s: pl.BlockSpec(s, lambda t: (0,) * len(s))
    return pl.pallas_call(
        _main_body,
        grid=(L + 1,),
        in_specs=[
            pl.BlockSpec((1, B, G4), lambda t: (jnp.minimum(t, L - 1), 0, 0)),
            pl.BlockSpec((1, B, G4), lambda t: (jnp.maximum(L - 1 - t, 0), 0, 0)),
            const((G4, H)), const((G4, H)),
            const((H, H)), const((H, H)),
            const((H, 2 * H)),
            const((H, H)), const((1, H)),
            const((L * B, L * B)),
        ],
        out_specs=[
            const((L * B, H)),
            const((L * B, 2 * H)),
        ],
        out_shape=[
            jax.ShapeDtypeStruct((L * B, H), jnp.float32),
            jax.ShapeDtypeStruct((L * B, 2 * H), jnp.float32),
        ],
        scratch_shapes=[
            pltpu.VMEM((B, H), jnp.float32),
            pltpu.VMEM((B, H), jnp.float32),
            pltpu.VMEM((B, H), jnp.float32),
            pltpu.VMEM((B, H), jnp.float32),
            pltpu.VMEM((L, B, H), jnp.float32),
            pltpu.VMEM((L, B, H), jnp.float32),
        ],
    )(xpf, xpb, w_hh_f, w_hh_b, w1, w2, fmat, ww, bw, pw)


_W2H = 2 * H


def _sc_compose(leaf_bl):
    mesh = plsc.VectorSubcoreMesh(core_axis_name="c", subcore_axis_name="s")

    @functools.partial(
        pl.kernel,
        mesh=mesh,
        out_type=jax.ShapeDtypeStruct((B, P * _W2H), jnp.float32),
        scratch_types=[pltpu.VMEM((L * _W2H,), jnp.float32)],
    )
    def k(leaf_hbm, out_hbm, buf):
        row = lax.axis_index("s") * 2 + lax.axis_index("c")

        @pl.when(row < B)
        def _():
            pltpu.sync_copy(leaf_hbm.at[row], buf)

            def step(s, carry):
                a_base = jnp.where(s == 0, 0, (s - 1) * _W2H)
                b_base = (s + 1) * _W2H
                o_base = s * _W2H
                for k2 in range(H // 16):
                    ar = buf[pl.ds(a_base + k2 * 16, 16)]
                    ai = buf[pl.ds(a_base + H + k2 * 16, 16)]
                    br = buf[pl.ds(b_base + k2 * 16, 16)]
                    bi = buf[pl.ds(b_base + H + k2 * 16, 16)]
                    buf[pl.ds(o_base + k2 * 16, 16)] = ar * br + ai * bi
                    buf[pl.ds(o_base + H + k2 * 16, 16)] = ar * bi - ai * br
                return carry

            lax.fori_loop(0, L - 1, step, 0)
            pltpu.sync_copy(buf.at[pl.ds(0, P * _W2H)], out_hbm.at[row])

    return k(leaf_bl)


def _tail_body(ps_ref, gmat_ref, wp_ref, bp_ref, phrase_out):
    ps = ps_ref[...]
    ph = jnp.dot(ps, gmat_ref[...], preferred_element_type=jnp.float32)
    ssv = jnp.sum(ps * ps, axis=1, keepdims=True) * (1.0 / H)
    ph = ph * jax.lax.rsqrt(jnp.maximum(ssv, 1e-24))
    phrase_out[...] = _dotg(ph, wp_ref[...]) + bp_ref[...]


def _tail(phrspec, gmat, wp, bp):
    full = lambda s: pl.BlockSpec(s, lambda: (0,) * len(s))
    return pl.pallas_call(
        _tail_body,
        in_specs=[full((P * B, 2 * H)), full((2 * H, H)),
                  full((H, H)), full((1, H))],
        out_specs=full((P * B, H)),
        out_shape=jax.ShapeDtypeStruct((P * B, H), jnp.float32),
    )(phrspec, gmat, wp, bp)


def kernel(elmo_rep, num_node, original_pos, composition_info, batch_label,
           W_ih_f, W_hh_f, b_f, W_ih_b, W_hh_b, b_b, W1, W2,
           W_word, b_word, W_phrase, b_phrase):
    x_bl = elmo_rep.reshape(B * L, D)
    fmat = jnp.asarray(_FMAT)
    gmat = jnp.asarray(_GMAT)
    pw = jnp.asarray(_PW)
    pin = jnp.asarray(_PIN)

    xpf, xpb = _xproj(x_bl, pin, W_ih_f, W_ih_b, b_f[None, :], b_b[None, :])
    word_output, leaf_bl = _main(
        xpf.reshape(L, B, G4), xpb.reshape(L, B, G4),
        W_hh_f, W_hh_b, W1, W2, fmat, W_word, b_word[None, :], pw)
    phrspec = _sc_compose(leaf_bl.reshape(B, L * 2 * H))
    phrase_output = _tail(phrspec.reshape(P * B, 2 * H), gmat,
                          W_phrase, b_phrase[None, :])

    word_label = batch_label[:, :L].reshape(-1)
    phrase_label = batch_label[:, L:].reshape(-1)
    return (word_output, phrase_output, word_label, phrase_label)

# --- scband reference (transcript-rebuilt; emitter-appended) ---
"""Pipeline reference for scband-tree-net-51797305590068 (READ-ONLY COPY).

The authoritative reference and input builder live on the scoring server;
editing this copy changes nothing except your own understanding.
"""

import jax, jax.numpy as jnp
import numpy as np

B, L, D, H = 16, 64, 1024, 512
NUM_WORD_CAT, NUM_PHRASE_CAT = 512, 512
N = 2 * L - 1


def _lstm_dir(x, W_ih, W_hh, b, reverse=False):
    def step(carry, xt):
        h, c = carry
        g = xt @ W_ih.T + h @ W_hh.T + b
        i, f, gg, o = jnp.split(g, 4, axis=-1)
        c = jax.nn.sigmoid(f) * c + jax.nn.sigmoid(i) * jnp.tanh(gg)
        h = jax.nn.sigmoid(o) * jnp.tanh(c)
        return (h, c), h
    xs = jnp.swapaxes(x, 0, 1)
    if reverse:
        xs = xs[::-1]
    z = jnp.zeros((x.shape[0], W_hh.shape[1]), x.dtype)
    _, hs = jax.lax.scan(step, (z, z), xs)
    if reverse:
        hs = hs[::-1]
    return jnp.swapaxes(hs, 0, 1)


def _normalize(x, axis=-1, eps=1e-12):
    n = jnp.linalg.norm(x, axis=axis, keepdims=True)
    return x / jnp.maximum(n, eps)


def _circular_correlation(a, b):
    c = jnp.real(jnp.fft.ifft(jnp.conj(jnp.fft.fft(a, axis=-1)) * jnp.fft.fft(b, axis=-1), axis=-1))
    return _normalize(c, axis=-1)


def setup_inputs(seed: int = 0):
    key = jax.random.key(seed)
    ks = jax.random.split(key, 16)
    s = 1.0 / np.sqrt(H)
    inp = {}
    inp['elmo_rep'] = jax.random.normal(ks[0], (B, L, D), jnp.float32)
    inp['num_node'] = jnp.full((B,), N, dtype=jnp.int32)
    pos = jnp.arange(L, dtype=jnp.int32)
    inp['original_pos'] = jnp.broadcast_to(jnp.stack([pos, pos], axis=-1)[None], (B, L, 2))
    steps = []
    for t in range(L - 1):
        left = L + t - 1 if t > 0 else 0
        right = t + 1
        steps.append([2, L + t, left, right])
    ci = jnp.asarray(np.array(steps, dtype=np.int32))
    inp['composition_info'] = jnp.broadcast_to(ci[None], (B, L - 1, 4))
    inp['batch_label'] = jax.random.randint(ks[1], (B, N), 0, NUM_WORD_CAT, dtype=jnp.int32)
    def u(k, shape):
        return jax.random.uniform(k, shape, jnp.float32, -s, s)
    inp['W_ih_f'] = u(ks[2], (4 * H, D))
    inp['W_hh_f'] = u(ks[3], (4 * H, H))
    inp['b_f'] = u(ks[4], (4 * H,))
    inp['W_ih_b'] = u(ks[5], (4 * H, D))
    inp['W_hh_b'] = u(ks[6], (4 * H, H))
    inp['b_b'] = u(ks[7], (4 * H,))
    inp['W1'] = u(ks[8], (H, H))
    inp['W2'] = u(ks[9], (H, H))
    inp['W_word'] = u(ks[10], (NUM_WORD_CAT, H))
    inp['b_word'] = u(ks[11], (NUM_WORD_CAT,))
    inp['W_phrase'] = u(ks[12], (NUM_PHRASE_CAT, H))
    inp['b_phrase'] = u(ks[13], (NUM_PHRASE_CAT,))
    return inp


def reference(elmo_rep, num_node, original_pos, composition_info, batch_label, W_ih_f, W_hh_f, b_f, W_ih_b, W_hh_b, b_b, W1, W2, W_word, b_word, W_phrase, b_phrase):
    # BiLSTM over precomputed (no_grad) ELMo representations
    fwd = _lstm_dir(elmo_rep, W_ih_f, W_hh_f, b_f, reverse=False)
    bwd = _lstm_dir(elmo_rep, W_ih_b, W_hh_b, b_b, reverse=True)
    combined = jax.nn.leaky_relu(fwd @ W1.T + bwd @ W2.T, 0.01)
    # set_leaf_node_vector: scatter leaf reps into node memory, then L2-normalize
    vector = jnp.zeros((B, N, H), combined.dtype)
    bidx = jnp.arange(B)[:, None]
    tgt = original_pos[:, :, 0]
    src = original_pos[:, :, 1]
    gathered = jnp.take_along_axis(combined, src[:, :, None], axis=1)
    vector = vector.at[bidx, tgt].set(gathered)
    vector = _normalize(vector, axis=2)
    # compose: sequential scatter-writes of circular-correlated child vectors
    b = jnp.arange(B)
    for idx in range(composition_info.shape[1]):
        info = composition_info[:, idx]
        par, lch, rch = info[:, 1], info[:, 2], info[:, 3]
        lv = vector[b, lch]
        rv = vector[b, rch]
        vector = vector.at[b, par].set(_circular_correlation(lv, rv))
    # devide_word_phrase: leaves are nodes [0, L), phrases are [L, N)
    word_vector = vector[:, :L].reshape(-1, H)
    phrase_vector = vector[:, L:].reshape(-1, H)
    word_label = batch_label[:, :L].reshape(-1)
    phrase_label = batch_label[:, L:].reshape(-1)
    word_output = word_vector @ W_word.T + b_word
    phrase_output = phrase_vector @ W_phrase.T + b_phrase
    return (word_output, phrase_output, word_label, phrase_label)

if __name__ == "__main__":
    import jax
    _d = setup_inputs()
    print(jax.jit(kernel)(*tuple(_d.values())))

</pallas_src>

<mosaic_0001>
#map = affine_map<(d0, d1) -> (0, 0)>
module attributes {stable_mosaic.version = 14 : i64} {
  func.func @k(%arg0: i32, %arg1: i32, %arg2: memref<16x65536xf32, #tpu.memory_space<hbm>>, %arg3: memref<16x64512xf32, #tpu.memory_space<hbm>>, %arg4: memref<65536xf32, #tpu.memory_space<vmem>>) attributes {dimension_semantics = [#tpu.dimension_semantics<core_parallel>, #tpu.dimension_semantics<subcore_parallel>], iteration_bounds = array<i64: 2, 16>, scalar_prefetch = 0 : i64, scratch_operands = 1 : i64, tpu.core_type = #tpu.core_type<sc_vector_subcore>, window_params = [{transform_indices = #map}, {transform_indices = #map}]} {
    %mul3A = arith.constant 2 : i32
    %mul3A_0 = arith.muli %arg1, %mul3A : i32
    %add3A = arith.addi %mul3A_0, %arg0 : i32
    %lt3A = arith.constant 16 : i32
    %lt3A_1 = arith.cmpi slt, %add3A, %lt3A : i32
    %convert_element_type3A = arith.extui %lt3A_1 : i1 to i32
    %cond3A = arith.constant 0 : i32
    %cond3A_2 = arith.cmpi ne, %convert_element_type3A, %cond3A : i32
    scf.if %cond3A_2 {
      "tpu.region"() ({
        %run_scoped3A = tpu.sem_alloc : memref<!tpu.dma_semaphore, #tpu.memory_space<semaphore_mem>>
        %dma_start3A = arith.constant 0 : i32
        %dma_start3A_8 = tpu.memref_slice %arg2[%add3A, %dma_start3A] : memref<16x65536xf32, #tpu.memory_space<hbm>> -> memref<1x65536xf32, #tpu.memory_space<hbm>>
        %dma_start3A_9 = tpu.memref_squeeze %dma_start3A_8 : memref<1x65536xf32, #tpu.memory_space<hbm>> -> memref<65536xf32, #tpu.memory_space<hbm>>
        %dma_start3A_10 = arith.constant 0 : i32
        %dma_start3A_11 = tpu.memref_slice %arg2[%add3A, %dma_start3A_10] : memref<16x65536xf32, #tpu.memory_space<hbm>> -> memref<1x65536xf32, #tpu.memory_space<hbm>>
        %dma_start3A_12 = tpu.memref_squeeze %dma_start3A_11 : memref<1x65536xf32, #tpu.memory_space<hbm>> -> memref<65536xf32, #tpu.memory_space<hbm>>
        tpu.enqueue_dma source(%dma_start3A_12 : memref<65536xf32, #tpu.memory_space<hbm>>) target(%arg4 : memref<65536xf32, #tpu.memory_space<vmem>>) target_semaphore(%run_scoped3A : memref<!tpu.dma_semaphore, #tpu.memory_space<semaphore_mem>>)
        %dma_wait3A = arith.constant 0 : i32
        %dma_wait3A_13 = tpu.memref_slice %arg2[%add3A, %dma_wait3A] : memref<16x65536xf32, #tpu.memory_space<hbm>> -> memref<1x65536xf32, #tpu.memory_space<hbm>>
        %dma_wait3A_14 = tpu.memref_squeeze %dma_wait3A_13 : memref<1x65536xf32, #tpu.memory_space<hbm>> -> memref<65536xf32, #tpu.memory_space<hbm>>
        %dma_wait3A_15 = arith.constant 0 : i32
        %dma_wait3A_16 = tpu.memref_slice %arg2[%add3A, %dma_wait3A_15] : memref<16x65536xf32, #tpu.memory_space<hbm>> -> memref<1x65536xf32, #tpu.memory_space<hbm>>
        %dma_wait3A_17 = tpu.memref_squeeze %dma_wait3A_16 : memref<1x65536xf32, #tpu.memory_space<hbm>> -> memref<65536xf32, #tpu.memory_space<hbm>>
        tpu.wait_dma2 semaphore(%run_scoped3A : memref<!tpu.dma_semaphore, #tpu.memory_space<semaphore_mem>>) src(%dma_wait3A_17 : memref<65536xf32, #tpu.memory_space<hbm>>) dst(%arg4 : memref<65536xf32, #tpu.memory_space<vmem>>)
        tpu.yield
      }) : () -> ()
      %scan3A = arith.constant 0 : i32
      %scan3A_3 = arith.constant 0 : i32
      %scan3A_4 = arith.constant 63 : i32
      %scan3A_5 = arith.addi %scan3A_3, %scan3A_4 : i32
      %scan3A_6 = arith.constant 1 : i32
      scf.for %scan3A_8 = %scan3A_3 to %scan3A_5 step %scan3A_6  : i32 {
        %eq3A = arith.constant 0 : i32
        %eq3A_9 = arith.cmpi eq, %scan3A_8, %eq3A : i32
        %sub3A = arith.constant 1 : i32
        %sub3A_10 = arith.subi %scan3A_8, %sub3A : i32
        %mul3A_11 = arith.constant 1024 : i32
        %mul3A_12 = arith.muli %sub3A_10, %mul3A_11 : i32
        %jit3A = arith.constant 0 : i32
        %select_n3A = arith.select %eq3A_9, %jit3A, %mul3A_12 : i32
        %add3A_13 = arith.constant 1 : i32
        %add3A_14 = arith.addi %scan3A_8, %add3A_13 : i32
        %mul3A_15 = arith.constant 1024 : i32
        %mul3A_16 = arith.muli %add3A_14, %mul3A_15 : i32
        %mul3A_17 = arith.constant 1024 : i32
        %mul3A_18 = arith.muli %scan3A_8, %mul3A_17 : i32
        %add3A_19 = arith.constant 0 : i32
        %add3A_20 = arith.addi %select_n3A, %add3A_19 : i32
        %get3A = arith.index_cast %add3A_20 : i32 to index
        %get3A_21 = tpu.vector_load %arg4[%get3A] {strides = array<i32>} : memref<65536xf32, #tpu.memory_space<vmem>>, vector<16xf32>,
        %get3A_22 = vector.shape_cast %get3A_21 : vector<16xf32> to vector<16xf32>
        %add3A_23 = arith.constant 512 : i32
        %add3A_24 = arith.addi %select_n3A, %add3A_23 : i32
        %add3A_25 = arith.constant 0 : i32
        %add3A_26 = arith.addi %add3A_24, %add3A_25 : i32
        %get3A_27 = arith.index_cast %add3A_26 : i32 to index
        %get3A_28 = tpu.vector_load %arg4[%get3A_27] {strides = array<i32>} : memref<65536xf32, #tpu.memory_space<vmem>>, vector<16xf32>,
        %get3A_29 = vector.shape_cast %get3A_28 : vector<16xf32> to vector<16xf32>
        %add3A_30 = arith.constant 0 : i32
        %add3A_31 = arith.addi %mul3A_16, %add3A_30 : i32
        %get3A_32 = arith.index_cast %add3A_31 : i32 to index
        %get3A_33 = tpu.vector_load %arg4[%get3A_32] {strides = array<i32>} : memref<65536xf32, #tpu.memory_space<vmem>>, vector<16xf32>,
        %get3A_34 = vector.shape_cast %get3A_33 : vector<16xf32> to vector<16xf32>
        %add3A_35 = arith.constant 512 : i32
        %add3A_36 = arith.addi %mul3A_16, %add3A_35 : i32
        %add3A_37 = arith.constant 0 : i32
        %add3A_38 = arith.addi %add3A_36, %add3A_37 : i32
        %get3A_39 = arith.index_cast %add3A_38 : i32 to index
        %get3A_40 = tpu.vector_load %arg4[%get3A_39] {strides = array<i32>} : memref<65536xf32, #tpu.memory_space<vmem>>, vector<16xf32>,
        %get3A_41 = vector.shape_cast %get3A_40 : vector<16xf32> to vector<16xf32>
        %mul3A_42 = arith.mulf %get3A_22, %get3A_34 : vector<16xf32>
        %mul3A_43 = arith.mulf %get3A_29, %get3A_41 : vector<16xf32>
        %add3A_44 = arith.addf %mul3A_42, %mul3A_43 : vector<16xf32>
        %add3A_45 = arith.constant 0 : i32
        %add3A_46 = arith.addi %mul3A_18, %add3A_45 : i32
        %swap3A = arith.index_cast %add3A_46 : i32 to index
        %swap3A_47 = tpu.vector_load %arg4[%swap3A] {strides = array<i32>} : memref<65536xf32, #tpu.memory_space<vmem>>, vector<16xf32>,
        %swap3A_48 = vector.shape_cast %swap3A_47 : vector<16xf32> to vector<16xf32>
        %swap3A_49 = vector.shape_cast %add3A_44 : vector<16xf32> to vector<16xf32>
        tpu.vector_store %arg4[%swap3A], %swap3A_49 {strides = array<i32>} : memref<65536xf32, #tpu.memory_space<vmem>>, vector<16xf32>,
        %mul3A_50 = arith.mulf %get3A_22, %get3A_41 : vector<16xf32>
        %mul3A_51 = arith.mulf %get3A_29, %get3A_34 : vector<16xf32>
        %sub3A_52 = arith.subf %mul3A_50, %mul3A_51 : vector<16xf32>
        %add3A_53 = arith.constant 512 : i32
        %add3A_54 = arith.addi %mul3A_18, %add3A_53 : i32
        %add3A_55 = arith.constant 0 : i32
        %add3A_56 = arith.addi %add3A_54, %add3A_55 : i32
        %swap3A_57 = arith.index_cast %add3A_56 : i32 to index
        %swap3A_58 = tpu.vector_load %arg4[%swap3A_57] {strides = array<i32>} : memref<65536xf32, #tpu.memory_space<vmem>>, vector<16xf32>,
        %swap3A_59 = vector.shape_cast %swap3A_58 : vector<16xf32> to vector<16xf32>
        %swap3A_60 = vector.shape_cast %sub3A_52 : vector<16xf32> to vector<16xf32>
        tpu.vector_store %arg4[%swap3A_57], %swap3A_60 {strides = array<i32>} : memref<65536xf32, #tpu.memory_space<vmem>>, vector<16xf32>,
        %add3A_61 = arith.constant 16 : i32
        %add3A_62 = arith.addi %select_n3A, %add3A_61 : i32
        %get3A_63 = arith.index_cast %add3A_62 : i32 to index
        %get3A_64 = tpu.vector_load %arg4[%get3A_63] {strides = array<i32>} : memref<65536xf32, #tpu.memory_space<vmem>>, vector<16xf32>,
        %get3A_65 = vector.shape_cast %get3A_64 : vector<16xf32> to vector<16xf32>
        %add3A_66 = arith.constant 512 : i32
        %add3A_67 = arith.addi %select_n3A, %add3A_66 : i32
        %add3A_68 = arith.constant 16 : i32
        %add3A_69 = arith.addi %add3A_67, %add3A_68 : i32
        %get3A_70 = arith.index_cast %add3A_69 : i32 to index
        %get3A_71 = tpu.vector_load %arg4[%get3A_70] {strides = array<i32>} : memref<65536xf32, #tpu.memory_space<vmem>>, vector<16xf32>,
        %get3A_72 = vector.shape_cast %get3A_71 : vector<16xf32> to vector<16xf32>
        %add3A_73 = arith.constant 16 : i32
        %add3A_74 = arith.addi %mul3A_16, %add3A_73 : i32
        %get3A_75 = arith.index_cast %add3A_74 : i32 to index
        %get3A_76 = tpu.vector_load %arg4[%get3A_75] {strides = array<i32>} : memref<65536xf32, #tpu.memory_space<vmem>>, vector<16xf32>,
        %get3A_77 = vector.shape_cast %get3A_76 : vector<16xf32> to vector<16xf32>
        %add3A_78 = arith.constant 512 : i32
        %add3A_79 = arith.addi %mul3A_16, %add3A_78 : i32
        %add3A_80 = arith.constant 16 : i32
        %add3A_81 = arith.addi %add3A_79, %add3A_80 : i32
        %get3A_82 = arith.index_cast %add3A_81 : i32 to index
        %get3A_83 = tpu.vector_load %arg4[%get3A_82] {strides = array<i32>} : memref<65536xf32, #tpu.memory_space<vmem>>, vector<16xf32>,
        %get3A_84 = vector.shape_cast %get3A_83 : vector<16xf32> to vector<16xf32>
        %mul3A_85 = arith.mulf %get3A_65, %get3A_77 : vector<16xf32>
        %mul3A_86 = arith.mulf %get3A_72, %get3A_84 : vector<16xf32>
        %add3A_87 = arith.addf %mul3A_85, %mul3A_86 : vector<16xf32>
        %add3A_88 = arith.constant 16 : i32
        %add3A_89 = arith.addi %mul3A_18, %add3A_88 : i32
        %swap3A_90 = arith.index_cast %add3A_89 : i32 to index
        %swap3A_91 = tpu.vector_load %arg4[%swap3A_90] {strides = array<i32>} : memref<65536xf32, #tpu.memory_space<vmem>>, vector<16xf32>,
        %swap3A_92 = vector.shape_cast %swap3A_91 : vector<16xf32> to vector<16xf32>
        %swap3A_93 = vector.shape_cast %add3A_87 : vector<16xf32> to vector<16xf32>
        tpu.vector_store %arg4[%swap3A_90], %swap3A_93 {strides = array<i32>} : memref<65536xf32, #tpu.memory_space<vmem>>, vector<16xf32>,
        %mul3A_94 = arith.mulf %get3A_65, %get3A_84 : vector<16xf32>
        %mul3A_95 = arith.mulf %get3A_72, %get3A_77 : vector<16xf32>
        %sub3A_96 = arith.subf %mul3A_94, %mul3A_95 : vector<16xf32>
        %add3A_97 = arith.constant 512 : i32
        %add3A_98 = arith.addi %mul3A_18, %add3A_97 : i32
        %add3A_99 = arith.constant 16 : i32
        %add3A_100 = arith.addi %add3A_98, %add3A_99 : i32
        %swap3A_101 = arith.index_cast %add3A_100 : i32 to index
        %swap3A_102 = tpu.vector_load %arg4[%swap3A_101] {strides = array<i32>} : memref<65536xf32, #tpu.memory_space<vmem>>, vector<16xf32>,
        %swap3A_103 = vector.shape_cast %swap3A_102 : vector<16xf32> to vector<16xf32>
        %swap3A_104 = vector.shape_cast %sub3A_96 : vector<16xf32> to vector<16xf32>
        tpu.vector_store %arg4[%swap3A_101], %swap3A_104 {strides = array<i32>} : memref<65536xf32, #tpu.memory_space<vmem>>, vector<16xf32>,
        %add3A_105 = arith.constant 32 : i32
        %add3A_106 = arith.addi %select_n3A, %add3A_105 : i32
        %get3A_107 = arith.index_cast %add3A_106 : i32 to index
        %get3A_108 = tpu.vector_load %arg4[%get3A_107] {strides = array<i32>} : memref<65536xf32, #tpu.memory_space<vmem>>, vector<16xf32>,
        %get3A_109 = vector.shape_cast %get3A_108 : vector<16xf32> to vector<16xf32>
        %add3A_110 = arith.constant 512 : i32
        %add3A_111 = arith.addi %select_n3A, %add3A_110 : i32
        %add3A_112 = arith.constant 32 : i32
        %add3A_113 = arith.addi %add3A_111, %add3A_112 : i32
        %get3A_114 = arith.index_cast %add3A_113 : i32 to index
        %get3A_115 = tpu.vector_load %arg4[%get3A_114] {strides = array<i32>} : memref<65536xf32, #tpu.memory_space<vmem>>, vector<16xf32>,
        %get3A_116 = vector.shape_cast %get3A_115 : vector<16xf32> to vector<16xf32>
        %add3A_117 = arith.constant 32 : i32
        %add3A_118 = arith.addi %mul3A_16, %add3A_117 : i32
        %get3A_119 = arith.index_cast %add3A_118 : i32 to index
        %get3A_120 = tpu.vector_load %arg4[%get3A_119] {strides = array<i32>} : memref<65536xf32, #tpu.memory_space<vmem>>, vector<16xf32>,
        %get3A_121 = vector.shape_cast %get3A_120 : vector<16xf32> to vector<16xf32>
        %add3A_122 = arith.constant 512 : i32
        %add3A_123 = arith.addi %mul3A_16, %add3A_122 : i32
        %add3A_124 = arith.constant 32 : i32
        %add3A_125 = arith.addi %add3A_123, %add3A_124 : i32
        %get3A_126 = arith.index_cast %add3A_125 : i32 to index
        %get3A_127 = tpu.vector_load %arg4[%get3A_126] {strides = array<i32>} : memref<65536xf32, #tpu.memory_space<vmem>>, vector<16xf32>,
        %get3A_128 = vector.shape_cast %get3A_127 : vector<16xf32> to vector<16xf32>
        %mul3A_129 = arith.mulf %get3A_109, %get3A_121 : vector<16xf32>
        %mul3A_130 = arith.mulf %get3A_116, %get3A_128 : vector<16xf32>
        %add3A_131 = arith.addf %mul3A_129, %mul3A_130 : vector<16xf32>
        %add3A_132 = arith.constant 32 : i32
        %add3A_133 = arith.addi %mul3A_18, %add3A_132 : i32
        %swap3A_134 = arith.index_cast %add3A_133 : i32 to index
        %swap3A_135 = tpu.vector_load %arg4[%swap3A_134] {strides = array<i32>} : memref<65536xf32, #tpu.memory_space<vmem>>, vector<16xf32>,
        %swap3A_136 = vector.shape_cast %swap3A_135 : vector<16xf32> to vector<16xf32>
        %swap3A_137 = vector.shape_cast %add3A_131 : vector<16xf32> to vector<16xf32>
        tpu.vector_store %arg4[%swap3A_134], %swap3A_137 {strides = array<i32>} : memref<65536xf32, #tpu.memory_space<vmem>>, vector<16xf32>,
        %mul3A_138 = arith.mulf %get3A_109, %get3A_128 : vector<16xf32>
        %mul3A_139 = arith.mulf %get3A_116, %get3A_121 : vector<16xf32>
        %sub3A_140 = arith.subf %mul3A_138, %mul3A_139 : vector<16xf32>
        %add3A_141 = arith.constant 512 : i32
        %add3A_142 = arith.addi %mul3A_18, %add3A_141 : i32
        %add3A_143 = arith.constant 32 : i32
        %add3A_144 = arith.addi %add3A_142, %add3A_143 : i32
        %swap3A_145 = arith.index_cast %add3A_144 : i32 to index
        %swap3A_146 = tpu.vector_load %arg4[%swap3A_145] {strides = array<i32>} : memref<65536xf32, #tpu.memory_space<vmem>>, vector<16xf32>,
        %swap3A_147 = vector.shape_cast %swap3A_146 : vector<16xf32> to vector<16xf32>
        %swap3A_148 = vector.shape_cast %sub3A_140 : vector<16xf32> to vector<16xf32>
        tpu.vector_store %arg4[%swap3A_145], %swap3A_148 {strides = array<i32>} : memref<65536xf32, #tpu.memory_space<vmem>>, vector<16xf32>,
        %add3A_149 = arith.constant 48 : i32
        %add3A_150 = arith.addi %select_n3A, %add3A_149 : i32
        %get3A_151 = arith.index_cast %add3A_150 : i32 to index
        %get3A_152 = tpu.vector_load %arg4[%get3A_151] {strides = array<i32>} : memref<65536xf32, #tpu.memory_space<vmem>>, vector<16xf32>,
        %get3A_153 = vector.shape_cast %get3A_152 : vector<16xf32> to vector<16xf32>
        %add3A_154 = arith.constant 512 : i32
        %add3A_155 = arith.addi %select_n3A, %add3A_154 : i32
        %add3A_156 = arith.constant 48 : i32
        %add3A_157 = arith.addi %add3A_155, %add3A_156 : i32
        %get3A_158 = arith.index_cast %add3A_157 : i32 to index
        %get3A_159 = tpu.vector_load %arg4[%get3A_158] {strides = array<i32>} : memref<65536xf32, #tpu.memory_space<vmem>>, vector<16xf32>,
        %get3A_160 = vector.shape_cast %get3A_159 : vector<16xf32> to vector<16xf32>
        %add3A_161 = arith.constant 48 : i32
        %add3A_162 = arith.addi %mul3A_16, %add3A_161 : i32
        %get3A_163 = arith.index_cast %add3A_162 : i32 to index
        %get3A_164 = tpu.vector_load %arg4[%get3A_163] {strides = array<i32>} : memref<65536xf32, #tpu.memory_space<vmem>>, vector<16xf32>,
        %get3A_165 = vector.shape_cast %get3A_164 : vector<16xf32> to vector<16xf32>
        %add3A_166 = arith.constant 512 : i32
        %add3A_167 = arith.addi %mul3A_16, %add3A_166 : i32
        %add3A_168 = arith.constant 48 : i32
        %add3A_169 = arith.addi %add3A_167, %add3A_168 : i32
        %get3A_170 = arith.index_cast %add3A_169 : i32 to index
        %get3A_171 = tpu.vector_load %arg4[%get3A_170] {strides = array<i32>} : memref<65536xf32, #tpu.memory_space<vmem>>, vector<16xf32>,
        %get3A_172 = vector.shape_cast %get3A_171 : vector<16xf32> to vector<16xf32>
        %mul3A_173 = arith.mulf %get3A_153, %get3A_165 : vector<16xf32>
        %mul3A_174 = arith.mulf %get3A_160, %get3A_172 : vector<16xf32>
        %add3A_175 = arith.addf %mul3A_173, %mul3A_174 : vector<16xf32>
        %add3A_176 = arith.constant 48 : i32
        %add3A_177 = arith.addi %mul3A_18, %add3A_176 : i32
        %swap3A_178 = arith.index_cast %add3A_177 : i32 to index
        %swap3A_179 = tpu.vector_load %arg4[%swap3A_178] {strides = array<i32>} : memref<65536xf32, #tpu.memory_space<vmem>>, vector<16xf32>,
        %swap3A_180 = vector.shape_cast %swap3A_179 : vector<16xf32> to vector<16xf32>
        %swap3A_181 = vector.shape_cast %add3A_175 : vector<16xf32> to vector<16xf32>
        tpu.vector_store %arg4[%swap3A_178], %swap3A_181 {strides = array<i32>} : memref<65536xf32, #tpu.memory_space<vmem>>, vector<16xf32>,
        %mul3A_182 = arith.mulf %get3A_153, %get3A_172 : vector<16xf32>
        %mul3A_183 = arith.mulf %get3A_160, %get3A_165 : vector<16xf32>
        %sub3A_184 = arith.subf %mul3A_182, %mul3A_183 : vector<16xf32>
        %add3A_185 = arith.constant 512 : i32
        %add3A_186 = arith.addi %mul3A_18, %add3A_185 : i32
        %add3A_187 = arith.constant 48 : i32
        %add3A_188 = arith.addi %add3A_186, %add3A_187 : i32
        %swap3A_189 = arith.index_cast %add3A_188 : i32 to index
        %swap3A_190 = tpu.vector_load %arg4[%swap3A_189] {strides = array<i32>} : memref<65536xf32, #tpu.memory_space<vmem>>, vector<16xf32>,
        %swap3A_191 = vector.shape_cast %swap3A_190 : vector<16xf32> to vector<16xf32>
        %swap3A_192 = vector.shape_cast %sub3A_184 : vector<16xf32> to vector<16xf32>
        tpu.vector_store %arg4[%swap3A_189], %swap3A_192 {strides = array<i32>} : memref<65536xf32, #tpu.memory_space<vmem>>, vector<16xf32>,
        %add3A_193 = arith.constant 64 : i32
        %add3A_194 = arith.addi %select_n3A, %add3A_193 : i32
        %get3A_195 = arith.index_cast %add3A_194 : i32 to index
        %get3A_196 = tpu.vector_load %arg4[%get3A_195] {strides = array<i32>} : memref<65536xf32, #tpu.memory_space<vmem>>, vector<16xf32>,
        %get3A_197 = vector.shape_cast %get3A_196 : vector<16xf32> to vector<16xf32>
        %add3A_198 = arith.constant 512 : i32
        %add3A_199 = arith.addi %select_n3A, %add3A_198 : i32
        %add3A_200 = arith.constant 64 : i32
        %add3A_201 = arith.addi %add3A_199, %add3A_200 : i32
        %get3A_202 = arith.index_cast %add3A_201 : i32 to index
        %get3A_203 = tpu.vector_load %arg4[%get3A_202] {strides = array<i32>} : memref<65536xf32, #tpu.memory_space<vmem>>, vector<16xf32>,
        %get3A_204 = vector.shape_cast %get3A_203 : vector<16xf32> to vector<16xf32>
        %add3A_205 = arith.constant 64 : i32
        %add3A_206 = arith.addi %mul3A_16, %add3A_205 : i32
        %get3A_207 = arith.index_cast %add3A_206 : i32 to index
        %get3A_208 = tpu.vector_load %arg4[%get3A_207] {strides = array<i32>} : memref<65536xf32, #tpu.memory_space<vmem>>, vector<16xf32>,
        %get3A_209 = vector.shape_cast %get3A_208 : vector<16xf32> to vector<16xf32>
        %add3A_210 = arith.constant 512 : i32
        %add3A_211 = arith.addi %mul3A_16, %add3A_210 : i32
        %add3A_212 = arith.constant 64 : i32
        %add3A_213 = arith.addi %add3A_211, %add3A_212 : i32
        %get3A_214 = arith.index_cast %add3A_213 : i32 to index
        %get3A_215 = tpu.vector_load %arg4[%get3A_214] {strides = array<i32>} : memref<65536xf32, #tpu.memory_space<vmem>>, vector<16xf32>,
        %get3A_216 = vector.shape_cast %get3A_215 : vector<16xf32> to vector<16xf32>
        %mul3A_217 = arith.mulf %get3A_197, %get3A_209 : vector<16xf32>
        %mul3A_218 = arith.mulf %get3A_204, %get3A_216 : vector<16xf32>
        %add3A_219 = arith.addf %mul3A_217, %mul3A_218 : vector<16xf32>
        %add3A_220 = arith.constant 64 : i32
        %add3A_221 = arith.addi %mul3A_18, %add3A_220 : i32
        %swap3A_222 = arith.index_cast %add3A_221 : i32 to index
        %swap3A_223 = tpu.vector_load %arg4[%swap3A_222] {strides = array<i32>} : memref<65536xf32, #tpu.memory_space<vmem>>, vector<16xf32>,
        %swap3A_224 = vector.shape_cast %swap3A_223 : vector<16xf32> to vector<16xf32>
        %swap3A_225 = vector.shape_cast %add3A_219 : vector<16xf32> to vector<16xf32>
        tpu.vector_store %arg4[%swap3A_222], %swap3A_225 {strides = array<i32>} : memref<65536xf32, #tpu.memory_space<vmem>>, vector<16xf32>,
        %mul3A_226 = arith.mulf %get3A_197, %get3A_216 : vector<16xf32>
        %mul3A_227 = arith.mulf %get3A_204, %get3A_209 : vector<16xf32>
        %sub3A_228 = arith.subf %mul3A_226, %mul3A_227 : vector<16xf32>
        %add3A_229 = arith.constant 512 : i32
        %add3A_230 = arith.addi %mul3A_18, %add3A_229 : i32
        %add3A_231 = arith.constant 64 : i32
        %add3A_232 = arith.addi %add3A_230, %add3A_231 : i32
        %swap3A_233 = arith.index_cast %add3A_232 : i32 to index
        %swap3A_234 = tpu.vector_load %arg4[%swap3A_233] {strides = array<i32>} : memref<65536xf32, #tpu.memory_space<vmem>>, vector<16xf32>,
        %swap3A_235 = vector.shape_cast %swap3A_234 : vector<16xf32> to vector<16xf32>
        %swap3A_236 = vector.shape_cast %sub3A_228 : vector<16xf32> to vector<16xf32>
        tpu.vector_store %arg4[%swap3A_233], %swap3A_236 {strides = array<i32>} : memref<65536xf32, #tpu.memory_space<vmem>>, vector<16xf32>,
        %add3A_237 = arith.constant 80 : i32
        %add3A_238 = arith.addi %select_n3A, %add3A_237 : i32
        %get3A_239 = arith.index_cast %add3A_238 : i32 to index
        %get3A_240 = tpu.vector_load %arg4[%get3A_239] {strides = array<i32>} : memref<65536xf32, #tpu.memory_space<vmem>>, vector<16xf32>,
        %get3A_241 = vector.shape_cast %get3A_240 : vector<16xf32> to vector<16xf32>
        %add3A_242 = arith.constant 512 : i32
        %add3A_243 = arith.addi %select_n3A, %add3A_242 : i32
        %add3A_244 = arith.constant 80 : i32
        %add3A_245 = arith.addi %add3A_243, %add3A_244 : i32
        %get3A_246 = arith.index_cast %add3A_245 : i32 to index
        %get3A_247 = tpu.vector_load %arg4[%get3A_246] {strides = array<i32>} : memref<65536xf32, #tpu.memory_space<vmem>>, vector<16xf32>,
        %get3A_248 = vector.shape_cast %get3A_247 : vector<16xf32> to vector<16xf32>
        %add3A_249 = arith.constant 80 : i32
        %add3A_250 = arith.addi %mul3A_16, %add3A_249 : i32
        %get3A_251 = arith.index_cast %add3A_250 : i32 to index
        %get3A_252 = tpu.vector_load %arg4[%get3A_251] {strides = array<i32>} : memref<65536xf32, #tpu.memory_space<vmem>>, vector<16xf32>,
        %get3A_253 = vector.shape_cast %get3A_252 : vector<16xf32> to vector<16xf32>
        %add3A_254 = arith.constant 512 : i32
        %add3A_255 = arith.addi %mul3A_16, %add3A_254 : i32
        %add3A_256 = arith.constant 80 : i32
        %add3A_257 = arith.addi %add3A_255, %add3A_256 : i32
        %get3A_258 = arith.index_cast %add3A_257 : i32 to index
        %get3A_259 = tpu.vector_load %arg4[%get3A_258] {strides = array<i32>} : memref<65536xf32, #tpu.memory_space<vmem>>, vector<16xf32>,
        %get3A_260 = vector.shape_cast %get3A_259 : vector<16xf32> to vector<16xf32>
        %mul3A_261 = arith.mulf %get3A_241, %get3A_253 : vector<16xf32>
        %mul3A_262 = arith.mulf %get3A_248, %get3A_260 : vector<16xf32>
        %add3A_263 = arith.addf %mul3A_261, %mul3A_262 : vector<16xf32>
        %add3A_264 = arith.constant 80 : i32
        %add3A_265 = arith.addi %mul3A_18, %add3A_264 : i32
        %swap3A_266 = arith.index_cast %add3A_265 : i32 to index
        %swap3A_267 = tpu.vector_load %arg4[%swap3A_266] {strides = array<i32>} : memref<65536xf32, #tpu.memory_space<vmem>>, vector<16xf32>,
        %swap3A_268 = vector.shape_cast %swap3A_267 : vector<16xf32> to vector<16xf32>
        %swap3A_269 = vector.shape_cast %add3A_263 : vector<16xf32> to vector<16xf32>
        tpu.vector_store %arg4[%swap3A_266], %swap3A_269 {strides = array<i32>} : memref<65536xf32, #tpu.memory_space<vmem>>, vector<16xf32>,
        %mul3A_270 = arith.mulf %get3A_241, %get3A_260 : vector<16xf32>
        %mul3A_271 = arith.mulf %get3A_248, %get3A_253 : vector<16xf32>
        %sub3A_272 = arith.subf %mul3A_270, %mul3A_271 : vector<16xf32>
        %add3A_273 = arith.constant 512 : i32
        %add3A_274 = arith.addi %mul3A_18, %add3A_273 : i32
        %add3A_275 = arith.constant 80 : i32
        %add3A_276 = arith.addi %add3A_274, %add3A_275 : i32
        %swap3A_277 = arith.index_cast %add3A_276 : i32 to index
        %swap3A_278 = tpu.vector_load %arg4[%swap3A_277] {strides = array<i32>} : memref<65536xf32, #tpu.memory_space<vmem>>, vector<16xf32>,
        %swap3A_279 = vector.shape_cast %swap3A_278 : vector<16xf32> to vector<16xf32>
        %swap3A_280 = vector.shape_cast %sub3A_272 : vector<16xf32> to vector<16xf32>
        tpu.vector_store %arg4[%swap3A_277], %swap3A_280 {strides = array<i32>} : memref<65536xf32, #tpu.memory_space<vmem>>, vector<16xf32>,
        %add3A_281 = arith.constant 96 : i32
        %add3A_282 = arith.addi %select_n3A, %add3A_281 : i32
        %get3A_283 = arith.index_cast %add3A_282 : i32 to index
        %get3A_284 = tpu.vector_load %arg4[%get3A_283] {strides = array<i32>} : memref<65536xf32, #tpu.memory_space<vmem>>, vector<16xf32>,
        %get3A_285 = vector.shape_cast %get3A_284 : vector<16xf32> to vector<16xf32>
        %add3A_286 = arith.constant 512 : i32
        %add3A_287 = arith.addi %select_n3A, %add3A_286 : i32
        %add3A_288 = arith.constant 96 : i32
        %add3A_289 = arith.addi %add3A_287, %add3A_288 : i32
        %get3A_290 = arith.index_cast %add3A_289 : i32 to index
        %get3A_291 = tpu.vector_load %arg4[%get3A_290] {strides = array<i32>} : memref<65536xf32, #tpu.memory_space<vmem>>, vector<16xf32>,
        %get3A_292 = vector.shape_cast %get3A_291 : vector<16xf32> to vector<16xf32>
        %add3A_293 = arith.constant 96 : i32
        %add3A_294 = arith.addi %mul3A_16, %add3A_293 : i32
        %get3A_295 = arith.index_cast %add3A_294 : i32 to index
        %get3A_296 = tpu.vector_load %arg4[%get3A_295] {strides = array<i32>} : memref<65536xf32, #tpu.memory_space<vmem>>, vector<16xf32>,
        %get3A_297 = vector.shape_cast %get3A_296 : vector<16xf32> to vector<16xf32>
        %add3A_298 = arith.constant 512 : i32
        %add3A_299 = arith.addi %mul3A_16, %add3A_298 : i32
        %add3A_300 = arith.constant 96 : i32
        %add3A_301 = arith.addi %add3A_299, %add3A_300 : i32
        %get3A_302 = arith.index_cast %add3A_301 : i32 to index
        %get3A_303 = tpu.vector_load %arg4[%get3A_302] {strides = array<i32>} : memref<65536xf32, #tpu.memory_space<vmem>>, vector<16xf32>,
        %get3A_304 = vector.shape_cast %get3A_303 : vector<16xf32> to vector<16xf32>
        %mul3A_305 = arith.mulf %get3A_285, %get3A_297 : vector<16xf32>
        %mul3A_306 = arith.mulf %get3A_292, %get3A_304 : vector<16xf32>
        %add3A_307 = arith.addf %mul3A_305, %mul3A_306 : vector<16xf32>
        %add3A_308 = arith.constant 96 : i32
        %add3A_309 = arith.addi %mul3A_18, %add3A_308 : i32
        %swap3A_310 = arith.index_cast %add3A_309 : i32 to index
        %swap3A_311 = tpu.vector_load %arg4[%swap3A_310] {strides = array<i32>} : memref<65536xf32, #tpu.memory_space<vmem>>, vector<16xf32>,
        %swap3A_312 = vector.shape_cast %swap3A_311 : vector<16xf32> to vector<16xf32>
        %swap3A_313 = vector.shape_cast %add3A_307 : vector<16xf32> to vector<16xf32>
        tpu.vector_store %arg4[%swap3A_310], %swap3A_313 {strides = array<i32>} : memref<65536xf32, #tpu.memory_space<vmem>>, vector<16xf32>,
        %mul3A_314 = arith.mulf %get3A_285, %get3A_304 : vector<16xf32>
        %mul3A_315 = arith.mulf %get3A_292, %get3A_297 : vector<16xf32>
        %sub3A_316 = arith.subf %mul3A_314, %mul3A_315 : vector<16xf32>
        %add3A_317 = arith.constant 512 : i32
        %add3A_318 = arith.addi %mul3A_18, %add3A_317 : i32
        %add3A_319 = arith.constant 96 : i32
        %add3A_320 = arith.addi %add3A_318, %add3A_319 : i32
        %swap3A_321 = arith.index_cast %add3A_320 : i32 to index
        %swap3A_322 = tpu.vector_load %arg4[%swap3A_321] {strides = array<i32>} : memref<65536xf32, #tpu.memory_space<vmem>>, vector<16xf32>,
        %swap3A_323 = vector.shape_cast %swap3A_322 : vector<16xf32> to vector<16xf32>
        %swap3A_324 = vector.shape_cast %sub3A_316 : vector<16xf32> to vector<16xf32>
        tpu.vector_store %arg4[%swap3A_321], %swap3A_324 {strides = array<i32>} : memref<65536xf32, #tpu.memory_space<vmem>>, vector<16xf32>,
        %add3A_325 = arith.constant 112 : i32
        %add3A_326 = arith.addi %select_n3A, %add3A_325 : i32
        %get3A_327 = arith.index_cast %add3A_326 : i32 to index
        %get3A_328 = tpu.vector_load %arg4[%get3A_327] {strides = array<i32>} : memref<65536xf32, #tpu.memory_space<vmem>>, vector<16xf32>,
        %get3A_329 = vector.shape_cast %get3A_328 : vector<16xf32> to vector<16xf32>
        %add3A_330 = arith.constant 512 : i32
        %add3A_331 = arith.addi %select_n3A, %add3A_330 : i32
        %add3A_332 = arith.constant 112 : i32
        %add3A_333 = arith.addi %add3A_331, %add3A_332 : i32
        %get3A_334 = arith.index_cast %add3A_333 : i32 to index
        %get3A_335 = tpu.vector_load %arg4[%get3A_334] {strides = array<i32>} : memref<65536xf32, #tpu.memory_space<vmem>>, vector<16xf32>,
        %get3A_336 = vector.shape_cast %get3A_335 : vector<16xf32> to vector<16xf32>
        %add3A_337 = arith.constant 112 : i32
        %add3A_338 = arith.addi %mul3A_16, %add3A_337 : i32
        %get3A_339 = arith.index_cast %add3A_338 : i32 to index
        %get3A_340 = tpu.vector_load %arg4[%get3A_339] {strides = array<i32>} : memref<65536xf32, #tpu.memory_space<vmem>>, vector<16xf32>,
        %get3A_341 = vector.shape_cast %get3A_340 : vector<16xf32> to vector<16xf32>
        %add3A_342 = arith.constant 512 : i32
        %add3A_343 = arith.addi %mul3A_16, %add3A_342 : i32
        %add3A_344 = arith.constant 112 : i32
        %add3A_345 = arith.addi %add3A_343, %add3A_344 : i32
        %get3A_346 = arith.index_cast %add3A_345 : i32 to index
        %get3A_347 = tpu.vector_load %arg4[%get3A_346] {strides = array<i32>} : memref<65536xf32, #tpu.memory_space<vmem>>, vector<16xf32>,
        %get3A_348 = vector.shape_cast %get3A_347 : vector<16xf32> to vector<16xf32>
        %mul3A_349 = arith.mulf %get3A_329, %get3A_341 : vector<16xf32>
        %mul3A_350 = arith.mulf %get3A_336, %get3A_348 : vector<16xf32>
        %add3A_351 = arith.addf %mul3A_349, %mul3A_350 : vector<16xf32>
        %add3A_352 = arith.constant 112 : i32
        %add3A_353 = arith.addi %mul3A_18, %add3A_352 : i32
        %swap3A_354 = arith.index_cast %add3A_353 : i32 to index
        %swap3A_355 = tpu.vector_load %arg4[%swap3A_354] {strides = array<i32>} : memref<65536xf32, #tpu.memory_space<vmem>>, vector<16xf32>,
        %swap3A_356 = vector.shape_cast %swap3A_355 : vector<16xf32> to vector<16xf32>
        %swap3A_357 = vector.shape_cast %add3A_351 : vector<16xf32> to vector<16xf32>
        tpu.vector_store %arg4[%swap3A_354], %swap3A_357 {strides = array<i32>} : memref<65536xf32, #tpu.memory_space<vmem>>, vector<16xf32>,
        %mul3A_358 = arith.mulf %get3A_329, %get3A_348 : vector<16xf32>
        %mul3A_359 = arith.mulf %get3A_336, %get3A_341 : vector<16xf32>
        %sub3A_360 = arith.subf %mul3A_358, %mul3A_359 : vector<16xf32>
        %add3A_361 = arith.constant 512 : i32
        %add3A_362 = arith.addi %mul3A_18, %add3A_361 : i32
        %add3A_363 = arith.constant 112 : i32
        %add3A_364 = arith.addi %add3A_362, %add3A_363 : i32
        %swap3A_365 = arith.index_cast %add3A_364 : i32 to index
        %swap3A_366 = tpu.vector_load %arg4[%swap3A_365] {strides = array<i32>} : memref<65536xf32, #tpu.memory_space<vmem>>, vector<16xf32>,
        %swap3A_367 = vector.shape_cast %swap3A_366 : vector<16xf32> to vector<16xf32>
        %swap3A_368 = vector.shape_cast %sub3A_360 : vector<16xf32> to vector<16xf32>
        tpu.vector_store %arg4[%swap3A_365], %swap3A_368 {strides = array<i32>} : memref<65536xf32, #tpu.memory_space<vmem>>, vector<16xf32>,
        %add3A_369 = arith.constant 128 : i32
        %add3A_370 = arith.addi %select_n3A, %add3A_369 : i32
        %get3A_371 = arith.index_cast %add3A_370 : i32 to index
        %get3A_372 = tpu.vector_load %arg4[%get3A_371] {strides = array<i32>} : memref<65536xf32, #tpu.memory_space<vmem>>, vector<16xf32>,
        %get3A_373 = vector.shape_cast %get3A_372 : vector<16xf32> to vector<16xf32>
        %add3A_374 = arith.constant 512 : i32
        %add3A_375 = arith.addi %select_n3A, %add3A_374 : i32
        %add3A_376 = arith.constant 128 : i32
        %add3A_377 = arith.addi %add3A_375, %add3A_376 : i32
        %get3A_378 = arith.index_cast %add3A_377 : i32 to index
        %get3A_379 = tpu.vector_load %arg4[%get3A_378] {strides = array<i32>} : memref<65536xf32, #tpu.memory_space<vmem>>, vector<16xf32>,
        %get3A_380 = vector.shape_cast %get3A_379 : vector<16xf32> to vector<16xf32>
        %add3A_381 = arith.constant 128 : i32
        %add3A_382 = arith.addi %mul3A_16, %add3A_381 : i32
        %get3A_383 = arith.index_cast %add3A_382 : i32 to index
        %get3A_384 = tpu.vector_load %arg4[%get3A_383] {strides = array<i32>} : memref<65536xf32, #tpu.memory_space<vmem>>, vector<16xf32>,
        %get3A_385 = vector.shape_cast %get3A_384 : vector<16xf32> to vector<16xf32>
        %add3A_386 = arith.constant 512 : i32
        %add3A_387 = arith.addi %mul3A_16, %add3A_386 : i32
        %add3A_388 = arith.constant 128 : i32
        %add3A_389 = arith.addi %add3A_387, %add3A_388 : i32
        %get3A_390 = arith.index_cast %add3A_389 : i32 to index
        %get3A_391 = tpu.vector_load %arg4[%get3A_390] {strides = array<i32>} : memref<65536xf32, #tpu.memory_space<vmem>>, vector<16xf32>,
        %get3A_392 = vector.shape_cast %get3A_391 : vector<16xf32> to vector<16xf32>
        %mul3A_393 = arith.mulf %get3A_373, %get3A_385 : vector<16xf32>
        %mul3A_394 = arith.mulf %get3A_380, %get3A_392 : vector<16xf32>
        %add3A_395 = arith.addf %mul3A_393, %mul3A_394 : vector<16xf32>
        %add3A_396 = arith.constant 128 : i32
        %add3A_397 = arith.addi %mul3A_18, %add3A_396 : i32
        %swap3A_398 = arith.index_cast %add3A_397 : i32 to index
        %swap3A_399 = tpu.vector_load %arg4[%swap3A_398] {strides = array<i32>} : memref<65536xf32, #tpu.memory_space<vmem>>, vector<16xf32>,
        %swap3A_400 = vector.shape_cast %swap3A_399 : vector<16xf32> to vector<16xf32>
        %swap3A_401 = vector.shape_cast %add3A_395 : vector<16xf32> to vector<16xf32>
        tpu.vector_store %arg4[%swap3A_398], %swap3A_401 {strides = array<i32>} : memref<65536xf32, #tpu.memory_space<vmem>>, vector<16xf32>,
        %mul3A_402 = arith.mulf %get3A_373, %get3A_392 : vector<16xf32>
        %mul3A_403 = arith.mulf %get3A_380, %get3A_385 : vector<16xf32>
        %sub3A_404 = arith.subf %mul3A_402, %mul3A_403 : vector<16xf32>
        %add3A_405 = arith.constant 512 : i32
        %add3A_406 = arith.addi %mul3A_18, %add3A_405 : i32
        %add3A_407 = arith.constant 128 : i32
        %add3A_408 = arith.addi %add3A_406, %add3A_407 : i32
        %swap3A_409 = arith.index_cast %add3A_408 : i32 to index
        %swap3A_410 = tpu.vector_load %arg4[%swap3A_409] {strides = array<i32>} : memref<65536xf32, #tpu.memory_space<vmem>>, vector<16xf32>,
        %swap3A_411 = vector.shape_cast %swap3A_410 : vector<16xf32> to vector<16xf32>
        %swap3A_412 = vector.shape_cast %sub3A_404 : vector<16xf32> to vector<16xf32>
        tpu.vector_store %arg4[%swap3A_409], %swap3A_412 {strides = array<i32>} : memref<65536xf32, #tpu.memory_space<vmem>>, vector<16xf32>,
        %add3A_413 = arith.constant 144 : i32
        %add3A_414 = arith.addi %select_n3A, %add3A_413 : i32
        %get3A_415 = arith.index_cast %add3A_414 : i32 to index
        %get3A_416 = tpu.vector_load %arg4[%get3A_415] {strides = array<i32>} : memref<65536xf32, #tpu.memory_space<vmem>>, vector<16xf32>,
        %get3A_417 = vector.shape_cast %get3A_416 : vector<16xf32> to vector<16xf32>
        %add3A_418 = arith.constant 512 : i32
        %add3A_419 = arith.addi %select_n3A, %add3A_418 : i32
        %add3A_420 = arith.constant 144 : i32
        %add3A_421 = arith.addi %add3A_419, %add3A_420 : i32
        %get3A_422 = arith.index_cast %add3A_421 : i32 to index
        %get3A_423 = tpu.vector_load %arg4[%get3A_422] {strides = array<i32>} : memref<65536xf32, #tpu.memory_space<vmem>>, vector<16xf32>,
        %get3A_424 = vector.shape_cast %get3A_423 : vector<16xf32> to vector<16xf32>
        %add3A_425 = arith.constant 144 : i32
        %add3A_426 = arith.addi %mul3A_16, %add3A_425 : i32
        %get3A_427 = arith.index_cast %add3A_426 : i32 to index
        %get3A_428 = tpu.vector_load %arg4[%get3A_427] {strides = array<i32>} : memref<65536xf32, #tpu.memory_space<vmem>>, vector<16xf32>,
        %get3A_429 = vector.shape_cast %get3A_428 : vector<16xf32> to vector<16xf32>
        %add3A_430 = arith.constant 512 : i32
        %add3A_431 = arith.addi %mul3A_16, %add3A_430 : i32
        %add3A_432 = arith.constant 144 : i32
        %add3A_433 = arith.addi %add3A_431, %add3A_432 : i32
        %get3A_434 = arith.index_cast %add3A_433 : i32 to index
        %get3A_435 = tpu.vector_load %arg4[%get3A_434] {strides = array<i32>} : memref<65536xf32, #tpu.memory_space<vmem>>, vector<16xf32>,
        %get3A_436 = vector.shape_cast %get3A_435 : vector<16xf32> to vector<16xf32>
        %mul3A_437 = arith.mulf %get3A_417, %get3A_429 : vector<16xf32>
        %mul3A_438 = arith.mulf %get3A_424, %get3A_436 : vector<16xf32>
        %add3A_439 = arith.addf %mul3A_437, %mul3A_438 : vector<16xf32>
        %add3A_440 = arith.constant 144 : i32
        %add3A_441 = arith.addi %mul3A_18, %add3A_440 : i32
        %swap3A_442 = arith.index_cast %add3A_441 : i32 to index
        %swap3A_443 = tpu.vector_load %arg4[%swap3A_442] {strides = array<i32>} : memref<65536xf32, #tpu.memory_space<vmem>>, vector<16xf32>,
        %swap3A_444 = vector.shape_cast %swap3A_443 : vector<16xf32> to vector<16xf32>
        %swap3A_445 = vector.shape_cast %add3A_439 : vector<16xf32> to vector<16xf32>
        tpu.vector_store %arg4[%swap3A_442], %swap3A_445 {strides = array<i32>} : memref<65536xf32, #tpu.memory_space<vmem>>, vector<16xf32>,
        %mul3A_446 = arith.mulf %get3A_417, %get3A_436 : vector<16xf32>
        %mul3A_447 = arith.mulf %get3A_424, %get3A_429 : vector<16xf32>
        %sub3A_448 = arith.subf %mul3A_446, %mul3A_447 : vector<16xf32>
        %add3A_449 = arith.constant 512 : i32
        %add3A_450 = arith.addi %mul3A_18, %add3A_449 : i32
        %add3A_451 = arith.constant 144 : i32
        %add3A_452 = arith.addi %add3A_450, %add3A_451 : i32
        %swap3A_453 = arith.index_cast %add3A_452 : i32 to index
        %swap3A_454 = tpu.vector_load %arg4[%swap3A_453] {strides = array<i32>} : memref<65536xf32, #tpu.memory_space<vmem>>, vector<16xf32>,
        %swap3A_455 = vector.shape_cast %swap3A_454 : vector<16xf32> to vector<16xf32>
        %swap3A_456 = vector.shape_cast %sub3A_448 : vector<16xf32> to vector<16xf32>
        tpu.vector_store %arg4[%swap3A_453], %swap3A_456 {strides = array<i32>} : memref<65536xf32, #tpu.memory_space<vmem>>, vector<16xf32>,
        %add3A_457 = arith.constant 160 : i32
        %add3A_458 = arith.addi %select_n3A, %add3A_457 : i32
        %get3A_459 = arith.index_cast %add3A_458 : i32 to index
        %get3A_460 = tpu.vector_load %arg4[%get3A_459] {strides = array<i32>} : memref<65536xf32, #tpu.memory_space<vmem>>, vector<16xf32>,
        %get3A_461 = vector.shape_cast %get3A_460 : vector<16xf32> to vector<16xf32>
        %add3A_462 = arith.constant 512 : i32
        %add3A_463 = arith.addi %select_n3A, %add3A_462 : i32
        %add3A_464 = arith.constant 160 : i32
        %add3A_465 = arith.addi %add3A_463, %add3A_464 : i32
        %get3A_466 = arith.index_cast %add3A_465 : i32 to index
        %get3A_467 = tpu.vector_load %arg4[%get3A_466] {strides = array<i32>} : memref<65536xf32, #tpu.memory_space<vmem>>, vector<16xf32>,
        %get3A_468 = vector.shape_cast %get3A_467 : vector<16xf32> to vector<16xf32>
        %add3A_469 = arith.constant 160 : i32
        %add3A_470 = arith.addi %mul3A_16, %add3A_469 : i32
        %get3A_471 = arith.index_cast %add3A_470 : i32 to index
        %get3A_472 = tpu.vector_load %arg4[%get3A_471] {strides = array<i32>} : memref<65536xf32, #tpu.memory_space<vmem>>, vector<16xf32>,
        %get3A_473 = vector.shape_cast %get3A_472 : vector<16xf32> to vector<16xf32>
        %add3A_474 = arith.constant 512 : i32
        %add3A_475 = arith.addi %mul3A_16, %add3A_474 : i32
        %add3A_476 = arith.constant 160 : i32
        %add3A_477 = arith.addi %add3A_475, %add3A_476 : i32
        %get3A_478 = arith.index_cast %add3A_477 : i32 to index
        %get3A_479 = tpu.vector_load %arg4[%get3A_478] {strides = array<i32>} : memref<65536xf32, #tpu.memory_space<vmem>>, vector<16xf32>,
        %get3A_480 = vector.shape_cast %get3A_479 : vector<16xf32> to vector<16xf32>
        %mul3A_481 = arith.mulf %get3A_461, %get3A_473 : vector<16xf32>
        %mul3A_482 = arith.mulf %get3A_468, %get3A_480 : vector<16xf32>
        %add3A_483 = arith.addf %mul3A_481, %mul3A_482 : vector<16xf32>
        %add3A_484 = arith.constant 160 : i32
        %add3A_485 = arith.addi %mul3A_18, %add3A_484 : i32
        %swap3A_486 = arith.index_cast %add3A_485 : i32 to index
        %swap3A_487 = tpu.vector_load %arg4[%swap3A_486] {strides = array<i32>} : memref<65536xf32, #tpu.memory_space<vmem>>, vector<16xf32>,
        %swap3A_488 = vector.shape_cast %swap3A_487 : vector<16xf32> to vector<16xf32>
        %swap3A_489 = vector.shape_cast %add3A_483 : vector<16xf32> to vector<16xf32>
        tpu.vector_store %arg4[%swap3A_486], %swap3A_489 {strides = array<i32>} : memref<65536xf32, #tpu.memory_space<vmem>>, vector<16xf32>,
        %mul3A_490 = arith.mulf %get3A_461, %get3A_480 : vector<16xf32>
        %mul3A_491 = arith.mulf %get3A_468, %get3A_473 : vector<16xf32>
        %sub3A_492 = arith.subf %mul3A_490, %mul3A_491 : vector<16xf32>
        %add3A_493 = arith.constant 512 : i32
        %add3A_494 = arith.addi %mul3A_18, %add3A_493 : i32
        %add3A_495 = arith.constant 160 : i32
        %add3A_496 = arith.addi %add3A_494, %add3A_495 : i32
        %swap3A_497 = arith.index_cast %add3A_496 : i32 to index
        %swap3A_498 = tpu.vector_load %arg4[%swap3A_497] {strides = array<i32>} : memref<65536xf32, #tpu.memory_space<vmem>>, vector<16xf32>,
        %swap3A_499 = vector.shape_cast %swap3A_498 : vector<16xf32> to vector<16xf32>
        %swap3A_500 = vector.shape_cast %sub3A_492 : vector<16xf32> to vector<16xf32>
        tpu.vector_store %arg4[%swap3A_497], %swap3A_500 {strides = array<i32>} : memref<65536xf32, #tpu.memory_space<vmem>>, vector<16xf32>,
        %add3A_501 = arith.constant 176 : i32
        %add3A_502 = arith.addi %select_n3A, %add3A_501 : i32
        %get3A_503 = arith.index_cast %add3A_502 : i32 to index
        %get3A_504 = tpu.vector_load %arg4[%get3A_503] {strides = array<i32>} : memref<65536xf32, #tpu.memory_space<vmem>>, vector<16xf32>,
        %get3A_505 = vector.shape_cast %get3A_504 : vector<16xf32> to vector<16xf32>
        %add3A_506 = arith.constant 512 : i32
        %add3A_507 = arith.addi %select_n3A, %add3A_506 : i32
        %add3A_508 = arith.constant 176 : i32
        %add3A_509 = arith.addi %add3A_507, %add3A_508 : i32
        %get3A_510 = arith.index_cast %add3A_509 : i32 to index
        %get3A_511 = tpu.vector_load %arg4[%get3A_510] {strides = array<i32>} : memref<65536xf32, #tpu.memory_space<vmem>>, vector<16xf32>,
        %get3A_512 = vector.shape_cast %get3A_511 : vector<16xf32> to vector<16xf32>
        %add3A_513 = arith.constant 176 : i32
        %add3A_514 = arith.addi %mul3A_16, %add3A_513 : i32
        %get3A_515 = arith.index_cast %add3A_514 : i32 to index
        %get3A_516 = tpu.vector_load %arg4[%get3A_515] {strides = array<i32>} : memref<65536xf32, #tpu.memory_space<vmem>>, vector<16xf32>,
        %get3A_517 = vector.shape_cast %get3A_516 : vector<16xf32> to vector<16xf32>
        %add3A_518 = arith.constant 512 : i32
        %add3A_519 = arith.addi %mul3A_16, %add3A_518 : i32
        %add3A_520 = arith.constant 176 : i32
        %add3A_521 = arith.addi %add3A_519, %add3A_520 : i32
        %get3A_522 = arith.index_cast %add3A_521 : i32 to index
        %get3A_523 = tpu.vector_load %arg4[%get3A_522] {strides = array<i32>} : memref<65536xf32, #tpu.memory_space<vmem>>, vector<16xf32>,
        %get3A_524 = vector.shape_cast %get3A_523 : vector<16xf32> to vector<16xf32>
        %mul3A_525 = arith.mulf %get3A_505, %get3A_517 : vector<16xf32>
        %mul3A_526 = arith.mulf %get3A_512, %get3A_524 : vector<16xf32>
        %add3A_527 = arith.addf %mul3A_525, %mul3A_526 : vector<16xf32>
        %add3A_528 = arith.constant 176 : i32
        %add3A_529 = arith.addi %mul3A_18, %add3A_528 : i32
        %swap3A_530 = arith.index_cast %add3A_529 : i32 to index
        %swap3A_531 = tpu.vector_load %arg4[%swap3A_530] {strides = array<i32>} : memref<65536xf32, #tpu.memory_space<vmem>>, vector<16xf32>,
        %swap3A_532 = vector.shape_cast %swap3A_531 : vector<16xf32> to vector<16xf32>
        %swap3A_533 = vector.shape_cast %add3A_527 : vector<16xf32> to vector<16xf32>
        tpu.vector_store %arg4[%swap3A_530], %swap3A_533 {strides = array<i32>} : memref<65536xf32, #tpu.memory_space<vmem>>, vector<16xf32>,
        %mul3A_534 = arith.mulf %get3A_505, %get3A_524 : vector<16xf32>
        %mul3A_535 = arith.mulf %get3A_512, %get3A_517 : vector<16xf32>
        %sub3A_536 = arith.subf %mul3A_534, %mul3A_535 : vector<16xf32>
        %add3A_537 = arith.constant 512 : i32
        %add3A_538 = arith.addi %mul3A_18, %add3A_537 : i32
        %add3A_539 = arith.constant 176 : i32
        %add3A_540 = arith.addi %add3A_538, %add3A_539 : i32
        %swap3A_541 = arith.index_cast %add3A_540 : i32 to index
        %swap3A_542 = tpu.vector_load %arg4[%swap3A_541] {strides = array<i32>} : memref<65536xf32, #tpu.memory_space<vmem>>, vector<16xf32>,
        %swap3A_543 = vector.shape_cast %swap3A_542 : vector<16xf32> to vector<16xf32>
        %swap3A_544 = vector.shape_cast %sub3A_536 : vector<16xf32> to vector<16xf32>
        tpu.vector_store %arg4[%swap3A_541], %swap3A_544 {strides = array<i32>} : memref<65536xf32, #tpu.memory_space<vmem>>, vector<16xf32>,
        %add3A_545 = arith.constant 192 : i32
        %add3A_546 = arith.addi %select_n3A, %add3A_545 : i32
        %get3A_547 = arith.index_cast %add3A_546 : i32 to index
        %get3A_548 = tpu.vector_load %arg4[%get3A_547] {strides = array<i32>} : memref<65536xf32, #tpu.memory_space<vmem>>, vector<16xf32>,
        %get3A_549 = vector.shape_cast %get3A_548 : vector<16xf32> to vector<16xf32>
        %add3A_550 = arith.constant 512 : i32
        %add3A_551 = arith.addi %select_n3A, %add3A_550 : i32
        %add3A_552 = arith.constant 192 : i32
        %add3A_553 = arith.addi %add3A_551, %add3A_552 : i32
        %get3A_554 = arith.index_cast %add3A_553 : i32 to index
        %get3A_555 = tpu.vector_load %arg4[%get3A_554] {strides = array<i32>} : memref<65536xf32, #tpu.memory_space<vmem>>, vector<16xf32>,
        %get3A_556 = vector.shape_cast %get3A_555 : vector<16xf32> to vector<16xf32>
        %add3A_557 = arith.constant 192 : i32
        %add3A_558 = arith.addi %mul3A_16, %add3A_557 : i32
        %get3A_559 = arith.index_cast %add3A_558 : i32 to index
        %get3A_560 = tpu.vector_load %arg4[%get3A_559] {strides = array<i32>} : memref<65536xf32, #tpu.memory_space<vmem>>, vector<16xf32>,
        %get3A_561 = vector.shape_cast %get3A_560 : vector<16xf32> to vector<16xf32>
        %add3A_562 = arith.constant 512 : i32
        %add3A_563 = arith.addi %mul3A_16, %add3A_562 : i32
        %add3A_564 = arith.constant 192 : i32
        %add3A_565 = arith.addi %add3A_563, %add3A_564 : i32
        %get3A_566 = arith.index_cast %add3A_565 : i32 to index
        %get3A_567 = tpu.vector_load %arg4[%get3A_566] {strides = array<i32>} : memref<65536xf32, #tpu.memory_space<vmem>>, vector<16xf32>,
        %get3A_568 = vector.shape_cast %get3A_567 : vector<16xf32> to vector<16xf32>
        %mul3A_569 = arith.mulf %get3A_549, %get3A_561 : vector<16xf32>
        %mul3A_570 = arith.mulf %get3A_556, %get3A_568 : vector<16xf32>
        %add3A_571 = arith.addf %mul3A_569, %mul3A_570 : vector<16xf32>
        %add3A_572 = arith.constant 192 : i32
        %add3A_573 = arith.addi %mul3A_18, %add3A_572 : i32
        %swap3A_574 = arith.index_cast %add3A_573 : i32 to index
        %swap3A_575 = tpu.vector_load %arg4[%swap3A_574] {strides = array<i32>} : memref<65536xf32, #tpu.memory_space<vmem>>, vector<16xf32>,
        %swap3A_576 = vector.shape_cast %swap3A_575 : vector<16xf32> to vector<16xf32>
        %swap3A_577 = vector.shape_cast %add3A_571 : vector<16xf32> to vector<16xf32>
        tpu.vector_store %arg4[%swap3A_574], %swap3A_577 {strides = array<i32>} : memref<65536xf32, #tpu.memory_space<vmem>>, vector<16xf32>,
        %mul3A_578 = arith.mulf %get3A_549, %get3A_568 : vector<16xf32>
        %mul3A_579 = arith.mulf %get3A_556, %get3A_561 : vector<16xf32>
        %sub3A_580 = arith.subf %mul3A_578, %mul3A_579 : vector<16xf32>
        %add3A_581 = arith.constant 512 : i32
        %add3A_582 = arith.addi %mul3A_18, %add3A_581 : i32
        %add3A_583 = arith.constant 192 : i32
        %add3A_584 = arith.addi %add3A_582, %add3A_583 : i32
        %swap3A_585 = arith.index_cast %add3A_584 : i32 to index
        %swap3A_586 = tpu.vector_load %arg4[%swap3A_585] {strides = array<i32>} : memref<65536xf32, #tpu.memory_space<vmem>>, vector<16xf32>,
        %swap3A_587 = vector.shape_cast %swap3A_586 : vector<16xf32> to vector<16xf32>
        %swap3A_588 = vector.shape_cast %sub3A_580 : vector<16xf32> to vector<16xf32>
        tpu.vector_store %arg4[%swap3A_585], %swap3A_588 {strides = array<i32>} : memref<65536xf32, #tpu.memory_space<vmem>>, vector<16xf32>,
        %add3A_589 = arith.constant 208 : i32
        %add3A_590 = arith.addi %select_n3A, %add3A_589 : i32
        %get3A_591 = arith.index_cast %add3A_590 : i32 to index
        %get3A_592 = tpu.vector_load %arg4[%get3A_591] {strides = array<i32>} : memref<65536xf32, #tpu.memory_space<vmem>>, vector<16xf32>,
        %get3A_593 = vector.shape_cast %get3A_592 : vector<16xf32> to vector<16xf32>
        %add3A_594 = arith.constant 512 : i32
        %add3A_595 = arith.addi %select_n3A, %add3A_594 : i32
        %add3A_596 = arith.constant 208 : i32
        %add3A_597 = arith.addi %add3A_595, %add3A_596 : i32
        %get3A_598 = arith.index_cast %add3A_597 : i32 to index
        %get3A_599 = tpu.vector_load %arg4[%get3A_598] {strides = array<i32>} : memref<65536xf32, #tpu.memory_space<vmem>>, vector<16xf32>,
        %get3A_600 = vector.shape_cast %get3A_599 : vector<16xf32> to vector<16xf32>
        %add3A_601 = arith.constant 208 : i32
        %add3A_602 = arith.addi %mul3A_16, %add3A_601 : i32
        %get3A_603 = arith.index_cast %add3A_602 : i32 to index
        %get3A_604 = tpu.vector_load %arg4[%get3A_603] {strides = array<i32>} : memref<65536xf32, #tpu.memory_space<vmem>>, vector<16xf32>,
        %get3A_605 = vector.shape_cast %get3A_604 : vector<16xf32> to vector<16xf32>
        %add3A_606 = arith.constant 512 : i32
        %add3A_607 = arith.addi %mul3A_16, %add3A_606 : i32
        %add3A_608 = arith.constant 208 : i32
        %add3A_609 = arith.addi %add3A_607, %add3A_608 : i32
        %get3A_610 = arith.index_cast %add3A_609 : i32 to index
        %get3A_611 = tpu.vector_load %arg4[%get3A_610] {strides = array<i32>} : memref<65536xf32, #tpu.memory_space<vmem>>, vector<16xf32>,
        %get3A_612 = vector.shape_cast %get3A_611 : vector<16xf32> to vector<16xf32>
        %mul3A_613 = arith.mulf %get3A_593, %get3A_605 : vector<16xf32>
        %mul3A_614 = arith.mulf %get3A_600, %get3A_612 : vector<16xf32>
        %add3A_615 = arith.addf %mul3A_613, %mul3A_614 : vector<16xf32>
        %add3A_616 = arith.constant 208 : i32
        %add3A_617 = arith.addi %mul3A_18, %add3A_616 : i32
        %swap3A_618 = arith.index_cast %add3A_617 : i32 to index
        %swap3A_619 = tpu.vector_load %arg4[%swap3A_618] {strides = array<i32>} : memref<65536xf32, #tpu.memory_space<vmem>>, vector<16xf32>,
        %swap3A_620 = vector.shape_cast %swap3A_619 : vector<16xf32> to vector<16xf32>
        %swap3A_621 = vector.shape_cast %add3A_615 : vector<16xf32> to vector<16xf32>
        tpu.vector_store %arg4[%swap3A_618], %swap3A_621 {strides = array<i32>} : memref<65536xf32, #tpu.memory_space<vmem>>, vector<16xf32>,
        %mul3A_622 = arith.mulf %get3A_593, %get3A_612 : vector<16xf32>
        %mul3A_623 = arith.mulf %get3A_600, %get3A_605 : vector<16xf32>
        %sub3A_624 = arith.subf %mul3A_622, %mul3A_623 : vector<16xf32>
        %add3A_625 = arith.constant 512 : i32
        %add3A_626 = arith.addi %mul3A_18, %add3A_625 : i32
        %add3A_627 = arith.constant 208 : i32
        %add3A_628 = arith.addi %add3A_626, %add3A_627 : i32
        %swap3A_629 = arith.index_cast %add3A_628 : i32 to index
        %swap3A_630 = tpu.vector_load %arg4[%swap3A_629] {strides = array<i32>} : memref<65536xf32, #tpu.memory_space<vmem>>, vector<16xf32>,
        %swap3A_631 = vector.shape_cast %swap3A_630 : vector<16xf32> to vector<16xf32>
        %swap3A_632 = vector.shape_cast %sub3A_624 : vector<16xf32> to vector<16xf32>
        tpu.vector_store %arg4[%swap3A_629], %swap3A_632 {strides = array<i32>} : memref<65536xf32, #tpu.memory_space<vmem>>, vector<16xf32>,
        %add3A_633 = arith.constant 224 : i32
        %add3A_634 = arith.addi %select_n3A, %add3A_633 : i32
        %get3A_635 = arith.index_cast %add3A_634 : i32 to index
        %get3A_636 = tpu.vector_load %arg4[%get3A_635] {strides = array<i32>} : memref<65536xf32, #tpu.memory_space<vmem>>, vector<16xf32>,
        %get3A_637 = vector.shape_cast %get3A_636 : vector<16xf32> to vector<16xf32>
        %add3A_638 = arith.constant 512 : i32
        %add3A_639 = arith.addi %select_n3A, %add3A_638 : i32
        %add3A_640 = arith.constant 224 : i32
        %add3A_641 = arith.addi %add3A_639, %add3A_640 : i32
        %get3A_642 = arith.index_cast %add3A_641 : i32 to index
        %get3A_643 = tpu.vector_load %arg4[%get3A_642] {strides = array<i32>} : memref<65536xf32, #tpu.memory_space<vmem>>, vector<16xf32>,
        %get3A_644 = vector.shape_cast %get3A_643 : vector<16xf32> to vector<16xf32>
        %add3A_645 = arith.constant 224 : i32
        %add3A_646 = arith.addi %mul3A_16, %add3A_645 : i32
        %get3A_647 = arith.index_cast %add3A_646 : i32 to index
        %get3A_648 = tpu.vector_load %arg4[%get3A_647] {strides = array<i32>} : memref<65536xf32, #tpu.memory_space<vmem>>, vector<16xf32>,
        %get3A_649 = vector.shape_cast %get3A_648 : vector<16xf32> to vector<16xf32>
        %add3A_650 = arith.constant 512 : i32
        %add3A_651 = arith.addi %mul3A_16, %add3A_650 : i32
        %add3A_652 = arith.constant 224 : i32
        %add3A_653 = arith.addi %add3A_651, %add3A_652 : i32
        %get3A_654 = arith.index_cast %add3A_653 : i32 to index
        %get3A_655 = tpu.vector_load %arg4[%get3A_654] {strides = array<i32>} : memref<65536xf32, #tpu.memory_space<vmem>>, vector<16xf32>,
        %get3A_656 = vector.shape_cast %get3A_655 : vector<16xf32> to vector<16xf32>
        %mul3A_657 = arith.mulf %get3A_637, %get3A_649 : vector<16xf32>
        %mul3A_658 = arith.mulf %get3A_644, %get3A_656 : vector<16xf32>
        %add3A_659 = arith.addf %mul3A_657, %mul3A_658 : vector<16xf32>
        %add3A_660 = arith.constant 224 : i32
        %add3A_661 = arith.addi %mul3A_18, %add3A_660 : i32
        %swap3A_662 = arith.index_cast %add3A_661 : i32 to index
        %swap3A_663 = tpu.vector_load %arg4[%swap3A_662] {strides = array<i32>} : memref<65536xf32, #tpu.memory_space<vmem>>, vector<16xf32>,
        %swap3A_664 = vector.shape_cast %swap3A_663 : vector<16xf32> to vector<16xf32>
        %swap3A_665 = vector.shape_cast %add3A_659 : vector<16xf32> to vector<16xf32>
        tpu.vector_store %arg4[%swap3A_662], %swap3A_665 {strides = array<i32>} : memref<65536xf32, #tpu.memory_space<vmem>>, vector<16xf32>,
        %mul3A_666 = arith.mulf %get3A_637, %get3A_656 : vector<16xf32>
        %mul3A_667 = arith.mulf %get3A_644, %get3A_649 : vector<16xf32>
        %sub3A_668 = arith.subf %mul3A_666, %mul3A_667 : vector<16xf32>
        %add3A_669 = arith.constant 512 : i32
        %add3A_670 = arith.addi %mul3A_18, %add3A_669 : i32
        %add3A_671 = arith.constant 224 : i32
        %add3A_672 = arith.addi %add3A_670, %add3A_671 : i32
        %swap3A_673 = arith.index_cast %add3A_672 : i32 to index
        %swap3A_674 = tpu.vector_load %arg4[%swap3A_673] {strides = array<i32>} : memref<65536xf32, #tpu.memory_space<vmem>>, vector<16xf32>,
        %swap3A_675 = vector.shape_cast %swap3A_674 : vector<16xf32> to vector<16xf32>
        %swap3A_676 = vector.shape_cast %sub3A_668 : vector<16xf32> to vector<16xf32>
        tpu.vector_store %arg4[%swap3A_673], %swap3A_676 {strides = array<i32>} : memref<65536xf32, #tpu.memory_space<vmem>>, vector<16xf32>,
        %add3A_677 = arith.constant 240 : i32
        %add3A_678 = arith.addi %select_n3A, %add3A_677 : i32
        %get3A_679 = arith.index_cast %add3A_678 : i32 to index
        %get3A_680 = tpu.vector_load %arg4[%get3A_679] {strides = array<i32>} : memref<65536xf32, #tpu.memory_space<vmem>>, vector<16xf32>,
        %get3A_681 = vector.shape_cast %get3A_680 : vector<16xf32> to vector<16xf32>
        %add3A_682 = arith.constant 512 : i32
        %add3A_683 = arith.addi %select_n3A, %add3A_682 : i32
        %add3A_684 = arith.constant 240 : i32
        %add3A_685 = arith.addi %add3A_683, %add3A_684 : i32
        %get3A_686 = arith.index_cast %add3A_685 : i32 to index
        %get3A_687 = tpu.vector_load %arg4[%get3A_686] {strides = array<i32>} : memref<65536xf32, #tpu.memory_space<vmem>>, vector<16xf32>,
        %get3A_688 = vector.shape_cast %get3A_687 : vector<16xf32> to vector<16xf32>
        %add3A_689 = arith.constant 240 : i32
        %add3A_690 = arith.addi %mul3A_16, %add3A_689 : i32
        %get3A_691 = arith.index_cast %add3A_690 : i32 to index
        %get3A_692 = tpu.vector_load %arg4[%get3A_691] {strides = array<i32>} : memref<65536xf32, #tpu.memory_space<vmem>>, vector<16xf32>,
        %get3A_693 = vector.shape_cast %get3A_692 : vector<16xf32> to vector<16xf32>
        %add3A_694 = arith.constant 512 : i32
        %add3A_695 = arith.addi %mul3A_16, %add3A_694 : i32
        %add3A_696 = arith.constant 240 : i32
        %add3A_697 = arith.addi %add3A_695, %add3A_696 : i32
        %get3A_698 = arith.index_cast %add3A_697 : i32 to index
        %get3A_699 = tpu.vector_load %arg4[%get3A_698] {strides = array<i32>} : memref<65536xf32, #tpu.memory_space<vmem>>, vector<16xf32>,
        %get3A_700 = vector.shape_cast %get3A_699 : vector<16xf32> to vector<16xf32>
        %mul3A_701 = arith.mulf %get3A_681, %get3A_693 : vector<16xf32>
        %mul3A_702 = arith.mulf %get3A_688, %get3A_700 : vector<16xf32>
        %add3A_703 = arith.addf %mul3A_701, %mul3A_702 : vector<16xf32>
        %add3A_704 = arith.constant 240 : i32
        %add3A_705 = arith.addi %mul3A_18, %add3A_704 : i32
        %swap3A_706 = arith.index_cast %add3A_705 : i32 to index
        %swap3A_707 = tpu.vector_load %arg4[%swap3A_706] {strides = array<i32>} : memref<65536xf32, #tpu.memory_space<vmem>>, vector<16xf32>,
        %swap3A_708 = vector.shape_cast %swap3A_707 : vector<16xf32> to vector<16xf32>
        %swap3A_709 = vector.shape_cast %add3A_703 : vector<16xf32> to vector<16xf32>
        tpu.vector_store %arg4[%swap3A_706], %swap3A_709 {strides = array<i32>} : memref<65536xf32, #tpu.memory_space<vmem>>, vector<16xf32>,
        %mul3A_710 = arith.mulf %get3A_681, %get3A_700 : vector<16xf32>
        %mul3A_711 = arith.mulf %get3A_688, %get3A_693 : vector<16xf32>
        %sub3A_712 = arith.subf %mul3A_710, %mul3A_711 : vector<16xf32>
        %add3A_713 = arith.constant 512 : i32
        %add3A_714 = arith.addi %mul3A_18, %add3A_713 : i32
        %add3A_715 = arith.constant 240 : i32
        %add3A_716 = arith.addi %add3A_714, %add3A_715 : i32
        %swap3A_717 = arith.index_cast %add3A_716 : i32 to index
        %swap3A_718 = tpu.vector_load %arg4[%swap3A_717] {strides = array<i32>} : memref<65536xf32, #tpu.memory_space<vmem>>, vector<16xf32>,
        %swap3A_719 = vector.shape_cast %swap3A_718 : vector<16xf32> to vector<16xf32>
        %swap3A_720 = vector.shape_cast %sub3A_712 : vector<16xf32> to vector<16xf32>
        tpu.vector_store %arg4[%swap3A_717], %swap3A_720 {strides = array<i32>} : memref<65536xf32, #tpu.memory_space<vmem>>, vector<16xf32>,
        %add3A_721 = arith.constant 256 : i32
        %add3A_722 = arith.addi %select_n3A, %add3A_721 : i32
        %get3A_723 = arith.index_cast %add3A_722 : i32 to index
        %get3A_724 = tpu.vector_load %arg4[%get3A_723] {strides = array<i32>} : memref<65536xf32, #tpu.memory_space<vmem>>, vector<16xf32>,
        %get3A_725 = vector.shape_cast %get3A_724 : vector<16xf32> to vector<16xf32>
        %add3A_726 = arith.constant 512 : i32
        %add3A_727 = arith.addi %select_n3A, %add3A_726 : i32
        %add3A_728 = arith.constant 256 : i32
        %add3A_729 = arith.addi %add3A_727, %add3A_728 : i32
        %get3A_730 = arith.index_cast %add3A_729 : i32 to index
        %get3A_731 = tpu.vector_load %arg4[%get3A_730] {strides = array<i32>} : memref<65536xf32, #tpu.memory_space<vmem>>, vector<16xf32>,
        %get3A_732 = vector.shape_cast %get3A_731 : vector<16xf32> to vector<16xf32>
        %add3A_733 = arith.constant 256 : i32
        %add3A_734 = arith.addi %mul3A_16, %add3A_733 : i32
        %get3A_735 = arith.index_cast %add3A_734 : i32 to index
        %get3A_736 = tpu.vector_load %arg4[%get3A_735] {strides = array<i32>} : memref<65536xf32, #tpu.memory_space<vmem>>, vector<16xf32>,
        %get3A_737 = vector.shape_cast %get3A_736 : vector<16xf32> to vector<16xf32>
        %add3A_738 = arith.constant 512 : i32
        %add3A_739 = arith.addi %mul3A_16, %add3A_738 : i32
        %add3A_740 = arith.constant 256 : i32
        %add3A_741 = arith.addi %add3A_739, %add3A_740 : i32
        %get3A_742 = arith.index_cast %add3A_741 : i32 to index
        %get3A_743 = tpu.vector_load %arg4[%get3A_742] {strides = array<i32>} : memref<65536xf32, #tpu.memory_space<vmem>>, vector<16xf32>,
        %get3A_744 = vector.shape_cast %get3A_743 : vector<16xf32> to vector<16xf32>
        %mul3A_745 = arith.mulf %get3A_725, %get3A_737 : vector<16xf32>
        %mul3A_746 = arith.mulf %get3A_732, %get3A_744 : vector<16xf32>
        %add3A_747 = arith.addf %mul3A_745, %mul3A_746 : vector<16xf32>
        %add3A_748 = arith.constant 256 : i32
        %add3A_749 = arith.addi %mul3A_18, %add3A_748 : i32
        %swap3A_750 = arith.index_cast %add3A_749 : i32 to index
        %swap3A_751 = tpu.vector_load %arg4[%swap3A_750] {strides = array<i32>} : memref<65536xf32, #tpu.memory_space<vmem>>, vector<16xf32>,
        %swap3A_752 = vector.shape_cast %swap3A_751 : vector<16xf32> to vector<16xf32>
        %swap3A_753 = vector.shape_cast %add3A_747 : vector<16xf32> to vector<16xf32>
        tpu.vector_store %arg4[%swap3A_750], %swap3A_753 {strides = array<i32>} : memref<65536xf32, #tpu.memory_space<vmem>>, vector<16xf32>,
        %mul3A_754 = arith.mulf %get3A_725, %get3A_744 : vector<16xf32>
        %mul3A_755 = arith.mulf %get3A_732, %get3A_737 : vector<16xf32>
        %sub3A_756 = arith.subf %mul3A_754, %mul3A_755 : vector<16xf32>
        %add3A_757 = arith.constant 512 : i32
        %add3A_758 = arith.addi %mul3A_18, %add3A_757 : i32
        %add3A_759 = arith.constant 256 : i32
        %add3A_760 = arith.addi %add3A_758, %add3A_759 : i32
        %swap3A_761 = arith.index_cast %add3A_760 : i32 to index
        %swap3A_762 = tpu.vector_load %arg4[%swap3A_761] {strides = array<i32>} : memref<65536xf32, #tpu.memory_space<vmem>>, vector<16xf32>,
        %swap3A_763 = vector.shape_cast %swap3A_762 : vector<16xf32> to vector<16xf32>
        %swap3A_764 = vector.shape_cast %sub3A_756 : vector<16xf32> to vector<16xf32>
        tpu.vector_store %arg4[%swap3A_761], %swap3A_764 {strides = array<i32>} : memref<65536xf32, #tpu.memory_space<vmem>>, vector<16xf32>,
        %add3A_765 = arith.constant 272 : i32
        %add3A_766 = arith.addi %select_n3A, %add3A_765 : i32
        %get3A_767 = arith.index_cast %add3A_766 : i32 to index
        %get3A_768 = tpu.vector_load %arg4[%get3A_767] {strides = array<i32>} : memref<65536xf32, #tpu.memory_space<vmem>>, vector<16xf32>,
        %get3A_769 = vector.shape_cast %get3A_768 : vector<16xf32> to vector<16xf32>
        %add3A_770 = arith.constant 512 : i32
        %add3A_771 = arith.addi %select_n3A, %add3A_770 : i32
        %add3A_772 = arith.constant 272 : i32
        %add3A_773 = arith.addi %add3A_771, %add3A_772 : i32
        %get3A_774 = arith.index_cast %add3A_773 : i32 to index
        %get3A_775 = tpu.vector_load %arg4[%get3A_774] {strides = array<i32>} : memref<65536xf32, #tpu.memory_space<vmem>>, vector<16xf32>,
        %get3A_776 = vector.shape_cast %get3A_775 : vector<16xf32> to vector<16xf32>
        %add3A_777 = arith.constant 272 : i32
        %add3A_778 = arith.addi %mul3A_16, %add3A_777 : i32
        %get3A_779 = arith.index_cast %add3A_778 : i32 to index
        %get3A_780 = tpu.vector_load %arg4[%get3A_779] {strides = array<i32>} : memref<65536xf32, #tpu.memory_space<vmem>>, vector<16xf32>,
        %get3A_781 = vector.shape_cast %get3A_780 : vector<16xf32> to vector<16xf32>
        %add3A_782 = arith.constant 512 : i32
        %add3A_783 = arith.addi %mul3A_16, %add3A_782 : i32
        %add3A_784 = arith.constant 272 : i32
        %add3A_785 = arith.addi %add3A_783, %add3A_784 : i32
        %get3A_786 = arith.index_cast %add3A_785 : i32 to index
        %get3A_787 = tpu.vector_load %arg4[%get3A_786] {strides = array<i32>} : memref<65536xf32, #tpu.memory_space<vmem>>, vector<16xf32>,
        %get3A_788 = vector.shape_cast %get3A_787 : vector<16xf32> to vector<16xf32>
        %mul3A_789 = arith.mulf %get3A_769, %get3A_781 : vector<16xf32>
        %mul3A_790 = arith.mulf %get3A_776, %get3A_788 : vector<16xf32>
        %add3A_791 = arith.addf %mul3A_789, %mul3A_790 : vector<16xf32>
        %add3A_792 = arith.constant 272 : i32
        %add3A_793 = arith.addi %mul3A_18, %add3A_792 : i32
        %swap3A_794 = arith.index_cast %add3A_793 : i32 to index
        %swap3A_795 = tpu.vector_load %arg4[%swap3A_794] {strides = array<i32>} : memref<65536xf32, #tpu.memory_space<vmem>>, vector<16xf32>,
        %swap3A_796 = vector.shape_cast %swap3A_795 : vector<16xf32> to vector<16xf32>
        %swap3A_797 = vector.shape_cast %add3A_791 : vector<16xf32> to vector<16xf32>
        tpu.vector_store %arg4[%swap3A_794], %swap3A_797 {strides = array<i32>} : memref<65536xf32, #tpu.memory_space<vmem>>, vector<16xf32>,
        %mul3A_798 = arith.mulf %get3A_769, %get3A_788 : vector<16xf32>
        %mul3A_799 = arith.mulf %get3A_776, %get3A_781 : vector<16xf32>
        %sub3A_800 = arith.subf %mul3A_798, %mul3A_799 : vector<16xf32>
        %add3A_801 = arith.constant 512 : i32
        %add3A_802 = arith.addi %mul3A_18, %add3A_801 : i32
        %add3A_803 = arith.constant 272 : i32
        %add3A_804 = arith.addi %add3A_802, %add3A_803 : i32
        %swap3A_805 = arith.index_cast %add3A_804 : i32 to index
        %swap3A_806 = tpu.vector_load %arg4[%swap3A_805] {strides = array<i32>} : memref<65536xf32, #tpu.memory_space<vmem>>, vector<16xf32>,
        %swap3A_807 = vector.shape_cast %swap3A_806 : vector<16xf32> to vector<16xf32>
        %swap3A_808 = vector.shape_cast %sub3A_800 : vector<16xf32> to vector<16xf32>
        tpu.vector_store %arg4[%swap3A_805], %swap3A_808 {strides = array<i32>} : memref<65536xf32, #tpu.memory_space<vmem>>, vector<16xf32>,
        %add3A_809 = arith.constant 288 : i32
        %add3A_810 = arith.addi %select_n3A, %add3A_809 : i32
        %get3A_811 = arith.index_cast %add3A_810 : i32 to index
        %get3A_812 = tpu.vector_load %arg4[%get3A_811] {strides = array<i32>} : memref<65536xf32, #tpu.memory_space<vmem>>, vector<16xf32>,
        %get3A_813 = vector.shape_cast %get3A_812 : vector<16xf32> to vector<16xf32>
        %add3A_814 = arith.constant 512 : i32
        %add3A_815 = arith.addi %select_n3A, %add3A_814 : i32
        %add3A_816 = arith.constant 288 : i32
        %add3A_817 = arith.addi %add3A_815, %add3A_816 : i32
        %get3A_818 = arith.index_cast %add3A_817 : i32 to index
        %get3A_819 = tpu.vector_load %arg4[%get3A_818] {strides = array<i32>} : memref<65536xf32, #tpu.memory_space<vmem>>, vector<16xf32>,
        %get3A_820 = vector.shape_cast %get3A_819 : vector<16xf32> to vector<16xf32>
        %add3A_821 = arith.constant 288 : i32
        %add3A_822 = arith.addi %mul3A_16, %add3A_821 : i32
        %get3A_823 = arith.index_cast %add3A_822 : i32 to index
        %get3A_824 = tpu.vector_load %arg4[%get3A_823] {strides = array<i32>} : memref<65536xf32, #tpu.memory_space<vmem>>, vector<16xf32>,
        %get3A_825 = vector.shape_cast %get3A_824 : vector<16xf32> to vector<16xf32>
        %add3A_826 = arith.constant 512 : i32
        %add3A_827 = arith.addi %mul3A_16, %add3A_826 : i32
        %add3A_828 = arith.constant 288 : i32
        %add3A_829 = arith.addi %add3A_827, %add3A_828 : i32
        %get3A_830 = arith.index_cast %add3A_829 : i32 to index
        %get3A_831 = tpu.vector_load %arg4[%get3A_830] {strides = array<i32>} : memref<65536xf32, #tpu.memory_space<vmem>>, vector<16xf32>,
        %get3A_832 = vector.shape_cast %get3A_831 : vector<16xf32> to vector<16xf32>
        %mul3A_833 = arith.mulf %get3A_813, %get3A_825 : vector<16xf32>
        %mul3A_834 = arith.mulf %get3A_820, %get3A_832 : vector<16xf32>
        %add3A_835 = arith.addf %mul3A_833, %mul3A_834 : vector<16xf32>
        %add3A_836 = arith.constant 288 : i32
        %add3A_837 = arith.addi %mul3A_18, %add3A_836 : i32
        %swap3A_838 = arith.index_cast %add3A_837 : i32 to index
        %swap3A_839 = tpu.vector_load %arg4[%swap3A_838] {strides = array<i32>} : memref<65536xf32, #tpu.memory_space<vmem>>, vector<16xf32>,
        %swap3A_840 = vector.shape_cast %swap3A_839 : vector<16xf32> to vector<16xf32>
        %swap3A_841 = vector.shape_cast %add3A_835 : vector<16xf32> to vector<16xf32>
        tpu.vector_store %arg4[%swap3A_838], %swap3A_841 {strides = array<i32>} : memref<65536xf32, #tpu.memory_space<vmem>>, vector<16xf32>,
        %mul3A_842 = arith.mulf %get3A_813, %get3A_832 : vector<16xf32>
        %mul3A_843 = arith.mulf %get3A_820, %get3A_825 : vector<16xf32>
        %sub3A_844 = arith.subf %mul3A_842, %mul3A_843 : vector<16xf32>
        %add3A_845 = arith.constant 512 : i32
        %add3A_846 = arith.addi %mul3A_18, %add3A_845 : i32
        %add3A_847 = arith.constant 288 : i32
        %add3A_848 = arith.addi %add3A_846, %add3A_847 : i32
        %swap3A_849 = arith.index_cast %add3A_848 : i32 to index
        %swap3A_850 = tpu.vector_load %arg4[%swap3A_849] {strides = array<i32>} : memref<65536xf32, #tpu.memory_space<vmem>>, vector<16xf32>,
        %swap3A_851 = vector.shape_cast %swap3A_850 : vector<16xf32> to vector<16xf32>
        %swap3A_852 = vector.shape_cast %sub3A_844 : vector<16xf32> to vector<16xf32>
        tpu.vector_store %arg4[%swap3A_849], %swap3A_852 {strides = array<i32>} : memref<65536xf32, #tpu.memory_space<vmem>>, vector<16xf32>,
        %add3A_853 = arith.constant 304 : i32
        %add3A_854 = arith.addi %select_n3A, %add3A_853 : i32
        %get3A_855 = arith.index_cast %add3A_854 : i32 to index
        %get3A_856 = tpu.vector_load %arg4[%get3A_855] {strides = array<i32>} : memref<65536xf32, #tpu.memory_space<vmem>>, vector<16xf32>,
        %get3A_857 = vector.shape_cast %get3A_856 : vector<16xf32> to vector<16xf32>
        %add3A_858 = arith.constant 512 : i32
        %add3A_859 = arith.addi %select_n3A, %add3A_858 : i32
        %add3A_860 = arith.constant 304 : i32
        %add3A_861 = arith.addi %add3A_859, %add3A_860 : i32
        %get3A_862 = arith.index_cast %add3A_861 : i32 to index
        %get3A_863 = tpu.vector_load %arg4[%get3A_862] {strides = array<i32>} : memref<65536xf32, #tpu.memory_space<vmem>>, vector<16xf32>,
        %get3A_864 = vector.shape_cast %get3A_863 : vector<16xf32> to vector<16xf32>
        %add3A_865 = arith.constant 304 : i32
        %add3A_866 = arith.addi %mul3A_16, %add3A_865 : i32
        %get3A_867 = arith.index_cast %add3A_866 : i32 to index
        %get3A_868 = tpu.vector_load %arg4[%get3A_867] {strides = array<i32>} : memref<65536xf32, #tpu.memory_space<vmem>>, vector<16xf32>,
        %get3A_869 = vector.shape_cast %get3A_868 : vector<16xf32> to vector<16xf32>
        %add3A_870 = arith.constant 512 : i32
        %add3A_871 = arith.addi %mul3A_16, %add3A_870 : i32
        %add3A_872 = arith.constant 304 : i32
        %add3A_873 = arith.addi %add3A_871, %add3A_872 : i32
        %get3A_874 = arith.index_cast %add3A_873 : i32 to index
        %get3A_875 = tpu.vector_load %arg4[%get3A_874] {strides = array<i32>} : memref<65536xf32, #tpu.memory_space<vmem>>, vector<16xf32>,
        %get3A_876 = vector.shape_cast %get3A_875 : vector<16xf32> to vector<16xf32>
        %mul3A_877 = arith.mulf %get3A_857, %get3A_869 : vector<16xf32>
        %mul3A_878 = arith.mulf %get3A_864, %get3A_876 : vector<16xf32>
        %add3A_879 = arith.addf %mul3A_877, %mul3A_878 : vector<16xf32>
        %add3A_880 = arith.constant 304 : i32
        %add3A_881 = arith.addi %mul3A_18, %add3A_880 : i32
        %swap3A_882 = arith.index_cast %add3A_881 : i32 to index
        %swap3A_883 = tpu.vector_load %arg4[%swap3A_882] {strides = array<i32>} : memref<65536xf32, #tpu.memory_space<vmem>>, vector<16xf32>,
        %swap3A_884 = vector.shape_cast %swap3A_883 : vector<16xf32> to vector<16xf32>
        %swap3A_885 = vector.shape_cast %add3A_879 : vector<16xf32> to vector<16xf32>
        tpu.vector_store %arg4[%swap3A_882], %swap3A_885 {strides = array<i32>} : memref<65536xf32, #tpu.memory_space<vmem>>, vector<16xf32>,
        %mul3A_886 = arith.mulf %get3A_857, %get3A_876 : vector<16xf32>
        %mul3A_887 = arith.mulf %get3A_864, %get3A_869 : vector<16xf32>
        %sub3A_888 = arith.subf %mul3A_886, %mul3A_887 : vector<16xf32>
        %add3A_889 = arith.constant 512 : i32
        %add3A_890 = arith.addi %mul3A_18, %add3A_889 : i32
        %add3A_891 = arith.constant 304 : i32
        %add3A_892 = arith.addi %add3A_890, %add3A_891 : i32
        %swap3A_893 = arith.index_cast %add3A_892 : i32 to index
        %swap3A_894 = tpu.vector_load %arg4[%swap3A_893] {strides = array<i32>} : memref<65536xf32, #tpu.memory_space<vmem>>, vector<16xf32>,
        %swap3A_895 = vector.shape_cast %swap3A_894 : vector<16xf32> to vector<16xf32>
        %swap3A_896 = vector.shape_cast %sub3A_888 : vector<16xf32> to vector<16xf32>
        tpu.vector_store %arg4[%swap3A_893], %swap3A_896 {strides = array<i32>} : memref<65536xf32, #tpu.memory_space<vmem>>, vector<16xf32>,
        %add3A_897 = arith.constant 320 : i32
        %add3A_898 = arith.addi %select_n3A, %add3A_897 : i32
        %get3A_899 = arith.index_cast %add3A_898 : i32 to index
        %get3A_900 = tpu.vector_load %arg4[%get3A_899] {strides = array<i32>} : memref<65536xf32, #tpu.memory_space<vmem>>, vector<16xf32>,
        %get3A_901 = vector.shape_cast %get3A_900 : vector<16xf32> to vector<16xf32>
        %add3A_902 = arith.constant 512 : i32
        %add3A_903 = arith.addi %select_n3A, %add3A_902 : i32
        %add3A_904 = arith.constant 320 : i32
        %add3A_905 = arith.addi %add3A_903, %add3A_904 : i32
        %get3A_906 = arith.index_cast %add3A_905 : i32 to index
        %get3A_907 = tpu.vector_load %arg4[%get3A_906] {strides = array<i32>} : memref<65536xf32, #tpu.memory_space<vmem>>, vector<16xf32>,
        %get3A_908 = vector.shape_cast %get3A_907 : vector<16xf32> to vector<16xf32>
        %add3A_909 = arith.constant 320 : i32
        %add3A_910 = arith.addi %mul3A_16, %add3A_909 : i32
        %get3A_911 = arith.index_cast %add3A_910 : i32 to index
        %get3A_912 = tpu.vector_load %arg4[%get3A_911] {strides = array<i32>} : memref<65536xf32, #tpu.memory_space<vmem>>, vector<16xf32>,
        %get3A_913 = vector.shape_cast %get3A_912 : vector<16xf32> to vector<16xf32>
        %add3A_914 = arith.constant 512 : i32
        %add3A_915 = arith.addi %mul3A_16, %add3A_914 : i32
        %add3A_916 = arith.constant 320 : i32
        %add3A_917 = arith.addi %add3A_915, %add3A_916 : i32
        %get3A_918 = arith.index_cast %add3A_917 : i32 to index
        %get3A_919 = tpu.vector_load %arg4[%get3A_918] {strides = array<i32>} : memref<65536xf32, #tpu.memory_space<vmem>>, vector<16xf32>,
        %get3A_920 = vector.shape_cast %get3A_919 : vector<16xf32> to vector<16xf32>
        %mul3A_921 = arith.mulf %get3A_901, %get3A_913 : vector<16xf32>
        %mul3A_922 = arith.mulf %get3A_908, %get3A_920 : vector<16xf32>
        %add3A_923 = arith.addf %mul3A_921, %mul3A_922 : vector<16xf32>
        %add3A_924 = arith.constant 320 : i32
        %add3A_925 = arith.addi %mul3A_18, %add3A_924 : i32
        %swap3A_926 = arith.index_cast %add3A_925 : i32 to index
        %swap3A_927 = tpu.vector_load %arg4[%swap3A_926] {strides = array<i32>} : memref<65536xf32, #tpu.memory_space<vmem>>, vector<16xf32>,
        %swap3A_928 = vector.shape_cast %swap3A_927 : vector<16xf32> to vector<16xf32>
        %swap3A_929 = vector.shape_cast %add3A_923 : vector<16xf32> to vector<16xf32>
        tpu.vector_store %arg4[%swap3A_926], %swap3A_929 {strides = array<i32>} : memref<65536xf32, #tpu.memory_space<vmem>>, vector<16xf32>,
        %mul3A_930 = arith.mulf %get3A_901, %get3A_920 : vector<16xf32>
        %mul3A_931 = arith.mulf %get3A_908, %get3A_913 : vector<16xf32>
        %sub3A_932 = arith.subf %mul3A_930, %mul3A_931 : vector<16xf32>
        %add3A_933 = arith.constant 512 : i32
        %add3A_934 = arith.addi %mul3A_18, %add3A_933 : i32
        %add3A_935 = arith.constant 320 : i32
        %add3A_936 = arith.addi %add3A_934, %add3A_935 : i32
        %swap3A_937 = arith.index_cast %add3A_936 : i32 to index
        %swap3A_938 = tpu.vector_load %arg4[%swap3A_937] {strides = array<i32>} : memref<65536xf32, #tpu.memory_space<vmem>>, vector<16xf32>,
        %swap3A_939 = vector.shape_cast %swap3A_938 : vector<16xf32> to vector<16xf32>
        %swap3A_940 = vector.shape_cast %sub3A_932 : vector<16xf32> to vector<16xf32>
        tpu.vector_store %arg4[%swap3A_937], %swap3A_940 {strides = array<i32>} : memref<65536xf32, #tpu.memory_space<vmem>>, vector<16xf32>,
        %add3A_941 = arith.constant 336 : i32
        %add3A_942 = arith.addi %select_n3A, %add3A_941 : i32
        %get3A_943 = arith.index_cast %add3A_942 : i32 to index
        %get3A_944 = tpu.vector_load %arg4[%get3A_943] {strides = array<i32>} : memref<65536xf32, #tpu.memory_space<vmem>>, vector<16xf32>,
        %get3A_945 = vector.shape_cast %get3A_944 : vector<16xf32> to vector<16xf32>
        %add3A_946 = arith.constant 512 : i32
        %add3A_947 = arith.addi %select_n3A, %add3A_946 : i32
        %add3A_948 = arith.constant 336 : i32
        %add3A_949 = arith.addi %add3A_947, %add3A_948 : i32
        %get3A_950 = arith.index_cast %add3A_949 : i32 to index
        %get3A_951 = tpu.vector_load %arg4[%get3A_950] {strides = array<i32>} : memref<65536xf32, #tpu.memory_space<vmem>>, vector<16xf32>,
        %get3A_952 = vector.shape_cast %get3A_951 : vector<16xf32> to vector<16xf32>
        %add3A_953 = arith.constant 336 : i32
        %add3A_954 = arith.addi %mul3A_16, %add3A_953 : i32
        %get3A_955 = arith.index_cast %add3A_954 : i32 to index
        %get3A_956 = tpu.vector_load %arg4[%get3A_955] {strides = array<i32>} : memref<65536xf32, #tpu.memory_space<vmem>>, vector<16xf32>,
        %get3A_957 = vector.shape_cast %get3A_956 : vector<16xf32> to vector<16xf32>
        %add3A_958 = arith.constant 512 : i32
        %add3A_959 = arith.addi %mul3A_16, %add3A_958 : i32
        %add3A_960 = arith.constant 336 : i32
        %add3A_961 = arith.addi %add3A_959, %add3A_960 : i32
        %get3A_962 = arith.index_cast %add3A_961 : i32 to index
        %get3A_963 = tpu.vector_load %arg4[%get3A_962] {strides = array<i32>} : memref<65536xf32, #tpu.memory_space<vmem>>, vector<16xf32>,
        %get3A_964 = vector.shape_cast %get3A_963 : vector<16xf32> to vector<16xf32>
        %mul3A_965 = arith.mulf %get3A_945, %get3A_957 : vector<16xf32>
        %mul3A_966 = arith.mulf %get3A_952, %get3A_964 : vector<16xf32>
        %add3A_967 = arith.addf %mul3A_965, %mul3A_966 : vector<16xf32>
        %add3A_968 = arith.constant 336 : i32
        %add3A_969 = arith.addi %mul3A_18, %add3A_968 : i32
        %swap3A_970 = arith.index_cast %add3A_969 : i32 to index
        %swap3A_971 = tpu.vector_load %arg4[%swap3A_970] {strides = array<i32>} : memref<65536xf32, #tpu.memory_space<vmem>>, vector<16xf32>,
        %swap3A_972 = vector.shape_cast %swap3A_971 : vector<16xf32> to vector<16xf32>
        %swap3A_973 = vector.shape_cast %add3A_967 : vector<16xf32> to vector<16xf32>
        tpu.vector_store %arg4[%swap3A_970], %swap3A_973 {strides = array<i32>} : memref<65536xf32, #tpu.memory_space<vmem>>, vector<16xf32>,
        %mul3A_974 = arith.mulf %get3A_945, %get3A_964 : vector<16xf32>
        %mul3A_975 = arith.mulf %get3A_952, %get3A_957 : vector<16xf32>
        %sub3A_976 = arith.subf %mul3A_974, %mul3A_975 : vector<16xf32>
        %add3A_977 = arith.constant 512 : i32
        %add3A_978 = arith.addi %mul3A_18, %add3A_977 : i32
        %add3A_979 = arith.constant 336 : i32
        %add3A_980 = arith.addi %add3A_978, %add3A_979 : i32
        %swap3A_981 = arith.index_cast %add3A_980 : i32 to index
        %swap3A_982 = tpu.vector_load %arg4[%swap3A_981] {strides = array<i32>} : memref<65536xf32, #tpu.memory_space<vmem>>, vector<16xf32>,
        %swap3A_983 = vector.shape_cast %swap3A_982 : vector<16xf32> to vector<16xf32>
        %swap3A_984 = vector.shape_cast %sub3A_976 : vector<16xf32> to vector<16xf32>
        tpu.vector_store %arg4[%swap3A_981], %swap3A_984 {strides = array<i32>} : memref<65536xf32, #tpu.memory_space<vmem>>, vector<16xf32>,
        %add3A_985 = arith.constant 352 : i32
        %add3A_986 = arith.addi %select_n3A, %add3A_985 : i32
        %get3A_987 = arith.index_cast %add3A_986 : i32 to index
        %get3A_988 = tpu.vector_load %arg4[%get3A_987] {strides = array<i32>} : memref<65536xf32, #tpu.memory_space<vmem>>, vector<16xf32>,
        %get3A_989 = vector.shape_cast %get3A_988 : vector<16xf32> to vector<16xf32>
        %add3A_990 = arith.constant 512 : i32
        %add3A_991 = arith.addi %select_n3A, %add3A_990 : i32
        %add3A_992 = arith.constant 352 : i32
        %add3A_993 = arith.addi %add3A_991, %add3A_992 : i32
        %get3A_994 = arith.index_cast %add3A_993 : i32 to index
        %get3A_995 = tpu.vector_load %arg4[%get3A_994] {strides = array<i32>} : memref<65536xf32, #tpu.memory_space<vmem>>, vector<16xf32>,
        %get3A_996 = vector.shape_cast %get3A_995 : vector<16xf32> to vector<16xf32>
        %add3A_997 = arith.constant 352 : i32
        %add3A_998 = arith.addi %mul3A_16, %add3A_997 : i32
        %get3A_999 = arith.index_cast %add3A_998 : i32 to index
        %get3A_1000 = tpu.vector_load %arg4[%get3A_999] {strides = array<i32>} : memref<65536xf32, #tpu.memory_space<vmem>>, vector<16xf32>,
        %get3A_1001 = vector.shape_cast %get3A_1000 : vector<16xf32> to vector<16xf32>
        %add3A_1002 = arith.constant 512 : i32
        %add3A_1003 = arith.addi %mul3A_16, %add3A_1002 : i32
        %add3A_1004 = arith.constant 352 : i32
        %add3A_1005 = arith.addi %add3A_1003, %add3A_1004 : i32
        %get3A_1006 = arith.index_cast %add3A_1005 : i32 to index
        %get3A_1007 = tpu.vector_load %arg4[%get3A_1006] {strides = array<i32>} : memref<65536xf32, #tpu.memory_space<vmem>>, vector<16xf32>,
        %get3A_1008 = vector.shape_cast %get3A_1007 : vector<16xf32> to vector<16xf32>
        %mul3A_1009 = arith.mulf %get3A_989, %get3A_1001 : vector<16xf32>
        %mul3A_1010 = arith.mulf %get3A_996, %get3A_1008 : vector<16xf32>
        %add3A_1011 = arith.addf %mul3A_1009, %mul3A_1010 : vector<16xf32>
        %add3A_1012 = arith.constant 352 : i32
        %add3A_1013 = arith.addi %mul3A_18, %add3A_1012 : i32
        %swap3A_1014 = arith.index_cast %add3A_1013 : i32 to index
        %swap3A_1015 = tpu.vector_load %arg4[%swap3A_1014] {strides = array<i32>} : memref<65536xf32, #tpu.memory_space<vmem>>, vector<16xf32>,
        %swap3A_1016 = vector.shape_cast %swap3A_1015 : vector<16xf32> to vector<16xf32>
        %swap3A_1017 = vector.shape_cast %add3A_1011 : vector<16xf32> to vector<16xf32>
        tpu.vector_store %arg4[%swap3A_1014], %swap3A_1017 {strides = array<i32>} : memref<65536xf32, #tpu.memory_space<vmem>>, vector<16xf32>,
        %mul3A_1018 = arith.mulf %get3A_989, %get3A_1008 : vector<16xf32>
        %mul3A_1019 = arith.mulf %get3A_996, %get3A_1001 : vector<16xf32>
        %sub3A_1020 = arith.subf %mul3A_1018, %mul3A_1019 : vector<16xf32>
        %add3A_1021 = arith.constant 512 : i32
        %add3A_1022 = arith.addi %mul3A_18, %add3A_1021 : i32
        %add3A_1023 = arith.constant 352 : i32
        %add3A_1024 = arith.addi %add3A_1022, %add3A_1023 : i32
        %swap3A_1025 = arith.index_cast %add3A_1024 : i32 to index
        %swap3A_1026 = tpu.vector_load %arg4[%swap3A_1025] {strides = array<i32>} : memref<65536xf32, #tpu.memory_space<vmem>>, vector<16xf32>,
        %swap3A_1027 = vector.shape_cast %swap3A_1026 : vector<16xf32> to vector<16xf32>
        %swap3A_1028 = vector.shape_cast %sub3A_1020 : vector<16xf32> to vector<16xf32>
        tpu.vector_store %arg4[%swap3A_1025], %swap3A_1028 {strides = array<i32>} : memref<65536xf32, #tpu.memory_space<vmem>>, vector<16xf32>,
        %add3A_1029 = arith.constant 368 : i32
        %add3A_1030 = arith.addi %select_n3A, %add3A_1029 : i32
        %get3A_1031 = arith.index_cast %add3A_1030 : i32 to index
        %get3A_1032 = tpu.vector_load %arg4[%get3A_1031] {strides = array<i32>} : memref<65536xf32, #tpu.memory_space<vmem>>, vector<16xf32>,
        %get3A_1033 = vector.shape_cast %get3A_1032 : vector<16xf32> to vector<16xf32>
        %add3A_1034 = arith.constant 512 : i32
        %add3A_1035 = arith.addi %select_n3A, %add3A_1034 : i32
        %add3A_1036 = arith.constant 368 : i32
        %add3A_1037 = arith.addi %add3A_1035, %add3A_1036 : i32
        %get3A_1038 = arith.index_cast %add3A_1037 : i32 to index
        %get3A_1039 = tpu.vector_load %arg4[%get3A_1038] {strides = array<i32>} : memref<65536xf32, #tpu.memory_space<vmem>>, vector<16xf32>,
        %get3A_1040 = vector.shape_cast %get3A_1039 : vector<16xf32> to vector<16xf32>
        %add3A_1041 = arith.constant 368 : i32
        %add3A_1042 = arith.addi %mul3A_16, %add3A_1041 : i32
        %get3A_1043 = arith.index_cast %add3A_1042 : i32 to index
        %get3A_1044 = tpu.vector_load %arg4[%get3A_1043] {strides = array<i32>} : memref<65536xf32, #tpu.memory_space<vmem>>, vector<16xf32>,
        %get3A_1045 = vector.shape_cast %get3A_1044 : vector<16xf32> to vector<16xf32>
        %add3A_1046 = arith.constant 512 : i32
        %add3A_1047 = arith.addi %mul3A_16, %add3A_1046 : i32
        %add3A_1048 = arith.constant 368 : i32
        %add3A_1049 = arith.addi %add3A_1047, %add3A_1048 : i32
        %get3A_1050 = arith.index_cast %add3A_1049 : i32 to index
        %get3A_1051 = tpu.vector_load %arg4[%get3A_1050] {strides = array<i32>} : memref<65536xf32, #tpu.memory_space<vmem>>, vector<16xf32>,
        %get3A_1052 = vector.shape_cast %get3A_1051 : vector<16xf32> to vector<16xf32>
        %mul3A_1053 = arith.mulf %get3A_1033, %get3A_1045 : vector<16xf32>
        %mul3A_1054 = arith.mulf %get3A_1040, %get3A_1052 : vector<16xf32>
        %add3A_1055 = arith.addf %mul3A_1053, %mul3A_1054 : vector<16xf32>
        %add3A_1056 = arith.constant 368 : i32
        %add3A_1057 = arith.addi %mul3A_18, %add3A_1056 : i32
        %swap3A_1058 = arith.index_cast %add3A_1057 : i32 to index
        %swap3A_1059 = tpu.vector_load %arg4[%swap3A_1058] {strides = array<i32>} : memref<65536xf32, #tpu.memory_space<vmem>>, vector<16xf32>,
        %swap3A_1060 = vector.shape_cast %swap3A_1059 : vector<16xf32> to vector<16xf32>
        %swap3A_1061 = vector.shape_cast %add3A_1055 : vector<16xf32> to vector<16xf32>
        tpu.vector_store %arg4[%swap3A_1058], %swap3A_1061 {strides = array<i32>} : memref<65536xf32, #tpu.memory_space<vmem>>, vector<16xf32>,
        %mul3A_1062 = arith.mulf %get3A_1033, %get3A_1052 : vector<16xf32>
        %mul3A_1063 = arith.mulf %get3A_1040, %get3A_1045 : vector<16xf32>
        %sub3A_1064 = arith.subf %mul3A_1062, %mul3A_1063 : vector<16xf32>
        %add3A_1065 = arith.constant 512 : i32
        %add3A_1066 = arith.addi %mul3A_18, %add3A_1065 : i32
        %add3A_1067 = arith.constant 368 : i32
        %add3A_1068 = arith.addi %add3A_1066, %add3A_1067 : i32
        %swap3A_1069 = arith.index_cast %add3A_1068 : i32 to index
        %swap3A_1070 = tpu.vector_load %arg4[%swap3A_1069] {strides = array<i32>} : memref<65536xf32, #tpu.memory_space<vmem>>, vector<16xf32>,
        %swap3A_1071 = vector.shape_cast %swap3A_1070 : vector<16xf32> to vector<16xf32>
        %swap3A_1072 = vector.shape_cast %sub3A_1064 : vector<16xf32> to vector<16xf32>
        tpu.vector_store %arg4[%swap3A_1069], %swap3A_1072 {strides = array<i32>} : memref<65536xf32, #tpu.memory_space<vmem>>, vector<16xf32>,
        %add3A_1073 = arith.constant 384 : i32
        %add3A_1074 = arith.addi %select_n3A, %add3A_1073 : i32
        %get3A_1075 = arith.index_cast %add3A_1074 : i32 to index
        %get3A_1076 = tpu.vector_load %arg4[%get3A_1075] {strides = array<i32>} : memref<65536xf32, #tpu.memory_space<vmem>>, vector<16xf32>,
        %get3A_1077 = vector.shape_cast %get3A_1076 : vector<16xf32> to vector<16xf32>
        %add3A_1078 = arith.constant 512 : i32
        %add3A_1079 = arith.addi %select_n3A, %add3A_1078 : i32
        %add3A_1080 = arith.constant 384 : i32
        %add3A_1081 = arith.addi %add3A_1079, %add3A_1080 : i32
        %get3A_1082 = arith.index_cast %add3A_1081 : i32 to index
        %get3A_1083 = tpu.vector_load %arg4[%get3A_1082] {strides = array<i32>} : memref<65536xf32, #tpu.memory_space<vmem>>, vector<16xf32>,
        %get3A_1084 = vector.shape_cast %get3A_1083 : vector<16xf32> to vector<16xf32>
        %add3A_1085 = arith.constant 384 : i32
        %add3A_1086 = arith.addi %mul3A_16, %add3A_1085 : i32
        %get3A_1087 = arith.index_cast %add3A_1086 : i32 to index
        %get3A_1088 = tpu.vector_load %arg4[%get3A_1087] {strides = array<i32>} : memref<65536xf32, #tpu.memory_space<vmem>>, vector<16xf32>,
        %get3A_1089 = vector.shape_cast %get3A_1088 : vector<16xf32> to vector<16xf32>
        %add3A_1090 = arith.constant 512 : i32
        %add3A_1091 = arith.addi %mul3A_16, %add3A_1090 : i32
        %add3A_1092 = arith.constant 384 : i32
        %add3A_1093 = arith.addi %add3A_1091, %add3A_1092 : i32
        %get3A_1094 = arith.index_cast %add3A_1093 : i32 to index
        %get3A_1095 = tpu.vector_load %arg4[%get3A_1094] {strides = array<i32>} : memref<65536xf32, #tpu.memory_space<vmem>>, vector<16xf32>,
        %get3A_1096 = vector.shape_cast %get3A_1095 : vector<16xf32> to vector<16xf32>
        %mul3A_1097 = arith.mulf %get3A_1077, %get3A_1089 : vector<16xf32>
        %mul3A_1098 = arith.mulf %get3A_1084, %get3A_1096 : vector<16xf32>
        %add3A_1099 = arith.addf %mul3A_1097, %mul3A_1098 : vector<16xf32>
        %add3A_1100 = arith.constant 384 : i32
        %add3A_1101 = arith.addi %mul3A_18, %add3A_1100 : i32
        %swap3A_1102 = arith.index_cast %add3A_1101 : i32 to index
        %swap3A_1103 = tpu.vector_load %arg4[%swap3A_1102] {strides = array<i32>} : memref<65536xf32, #tpu.memory_space<vmem>>, vector<16xf32>,
        %swap3A_1104 = vector.shape_cast %swap3A_1103 : vector<16xf32> to vector<16xf32>
        %swap3A_1105 = vector.shape_cast %add3A_1099 : vector<16xf32> to vector<16xf32>
        tpu.vector_store %arg4[%swap3A_1102], %swap3A_1105 {strides = array<i32>} : memref<65536xf32, #tpu.memory_space<vmem>>, vector<16xf32>,
        %mul3A_1106 = arith.mulf %get3A_1077, %get3A_1096 : vector<16xf32>
        %mul3A_1107 = arith.mulf %get3A_1084, %get3A_1089 : vector<16xf32>
        %sub3A_1108 = arith.subf %mul3A_1106, %mul3A_1107 : vector<16xf32>
        %add3A_1109 = arith.constant 512 : i32
        %add3A_1110 = arith.addi %mul3A_18, %add3A_1109 : i32
        %add3A_1111 = arith.constant 384 : i32
        %add3A_1112 = arith.addi %add3A_1110, %add3A_1111 : i32
        %swap3A_1113 = arith.index_cast %add3A_1112 : i32 to index
        %swap3A_1114 = tpu.vector_load %arg4[%swap3A_1113] {strides = array<i32>} : memref<65536xf32, #tpu.memory_space<vmem>>, vector<16xf32>,
        %swap3A_1115 = vector.shape_cast %swap3A_1114 : vector<16xf32> to vector<16xf32>
        %swap3A_1116 = vector.shape_cast %sub3A_1108 : vector<16xf32> to vector<16xf32>
        tpu.vector_store %arg4[%swap3A_1113], %swap3A_1116 {strides = array<i32>} : memref<65536xf32, #tpu.memory_space<vmem>>, vector<16xf32>,
        %add3A_1117 = arith.constant 400 : i32
        %add3A_1118 = arith.addi %select_n3A, %add3A_1117 : i32
        %get3A_1119 = arith.index_cast %add3A_1118 : i32 to index
        %get3A_1120 = tpu.vector_load %arg4[%get3A_1119] {strides = array<i32>} : memref<65536xf32, #tpu.memory_space<vmem>>, vector<16xf32>,
        %get3A_1121 = vector.shape_cast %get3A_1120 : vector<16xf32> to vector<16xf32>
        %add3A_1122 = arith.constant 512 : i32
        %add3A_1123 = arith.addi %select_n3A, %add3A_1122 : i32
        %add3A_1124 = arith.constant 400 : i32
        %add3A_1125 = arith.addi %add3A_1123, %add3A_1124 : i32
        %get3A_1126 = arith.index_cast %add3A_1125 : i32 to index
        %get3A_1127 = tpu.vector_load %arg4[%get3A_1126] {strides = array<i32>} : memref<65536xf32, #tpu.memory_space<vmem>>, vector<16xf32>,
        %get3A_1128 = vector.shape_cast %get3A_1127 : vector<16xf32> to vector<16xf32>
        %add3A_1129 = arith.constant 400 : i32
        %add3A_1130 = arith.addi %mul3A_16, %add3A_1129 : i32
        %get3A_1131 = arith.index_cast %add3A_1130 : i32 to index
        %get3A_1132 = tpu.vector_load %arg4[%get3A_1131] {strides = array<i32>} : memref<65536xf32, #tpu.memory_space<vmem>>, vector<16xf32>,
        %get3A_1133 = vector.shape_cast %get3A_1132 : vector<16xf32> to vector<16xf32>
        %add3A_1134 = arith.constant 512 : i32
        %add3A_1135 = arith.addi %mul3A_16, %add3A_1134 : i32
        %add3A_1136 = arith.constant 400 : i32
        %add3A_1137 = arith.addi %add3A_1135, %add3A_1136 : i32
        %get3A_1138 = arith.index_cast %add3A_1137 : i32 to index
        %get3A_1139 = tpu.vector_load %arg4[%get3A_1138] {strides = array<i32>} : memref<65536xf32, #tpu.memory_space<vmem>>, vector<16xf32>,
        %get3A_1140 = vector.shape_cast %get3A_1139 : vector<16xf32> to vector<16xf32>
        %mul3A_1141 = arith.mulf %get3A_1121, %get3A_1133 : vector<16xf32>
        %mul3A_1142 = arith.mulf %get3A_1128, %get3A_1140 : vector<16xf32>
        %add3A_1143 = arith.addf %mul3A_1141, %mul3A_1142 : vector<16xf32>
        %add3A_1144 = arith.constant 400 : i32
        %add3A_1145 = arith.addi %mul3A_18, %add3A_1144 : i32
        %swap3A_1146 = arith.index_cast %add3A_1145 : i32 to index
        %swap3A_1147 = tpu.vector_load %arg4[%swap3A_1146] {strides = array<i32>} : memref<65536xf32, #tpu.memory_space<vmem>>, vector<16xf32>,
        %swap3A_1148 = vector.shape_cast %swap3A_1147 : vector<16xf32> to vector<16xf32>
        %swap3A_1149 = vector.shape_cast %add3A_1143 : vector<16xf32> to vector<16xf32>
        tpu.vector_store %arg4[%swap3A_1146], %swap3A_1149 {strides = array<i32>} : memref<65536xf32, #tpu.memory_space<vmem>>, vector<16xf32>,
        %mul3A_1150 = arith.mulf %get3A_1121, %get3A_1140 : vector<16xf32>
        %mul3A_1151 = arith.mulf %get3A_1128, %get3A_1133 : vector<16xf32>
        %sub3A_1152 = arith.subf %mul3A_1150, %mul3A_1151 : vector<16xf32>
        %add3A_1153 = arith.constant 512 : i32
        %add3A_1154 = arith.addi %mul3A_18, %add3A_1153 : i32
        %add3A_1155 = arith.constant 400 : i32
        %add3A_1156 = arith.addi %add3A_1154, %add3A_1155 : i32
        %swap3A_1157 = arith.index_cast %add3A_1156 : i32 to index
        %swap3A_1158 = tpu.vector_load %arg4[%swap3A_1157] {strides = array<i32>} : memref<65536xf32, #tpu.memory_space<vmem>>, vector<16xf32>,
        %swap3A_1159 = vector.shape_cast %swap3A_1158 : vector<16xf32> to vector<16xf32>
        %swap3A_1160 = vector.shape_cast %sub3A_1152 : vector<16xf32> to vector<16xf32>
        tpu.vector_store %arg4[%swap3A_1157], %swap3A_1160 {strides = array<i32>} : memref<65536xf32, #tpu.memory_space<vmem>>, vector<16xf32>,
        %add3A_1161 = arith.constant 416 : i32
        %add3A_1162 = arith.addi %select_n3A, %add3A_1161 : i32
        %get3A_1163 = arith.index_cast %add3A_1162 : i32 to index
        %get3A_1164 = tpu.vector_load %arg4[%get3A_1163] {strides = array<i32>} : memref<65536xf32, #tpu.memory_space<vmem>>, vector<16xf32>,
        %get3A_1165 = vector.shape_cast %get3A_1164 : vector<16xf32> to vector<16xf32>
        %add3A_1166 = arith.constant 512 : i32
        %add3A_1167 = arith.addi %select_n3A, %add3A_1166 : i32
        %add3A_1168 = arith.constant 416 : i32
        %add3A_1169 = arith.addi %add3A_1167, %add3A_1168 : i32
        %get3A_1170 = arith.index_cast %add3A_1169 : i32 to index
        %get3A_1171 = tpu.vector_load %arg4[%get3A_1170] {strides = array<i32>} : memref<65536xf32, #tpu.memory_space<vmem>>, vector<16xf32>,
        %get3A_1172 = vector.shape_cast %get3A_1171 : vector<16xf32> to vector<16xf32>
        %add3A_1173 = arith.constant 416 : i32
        %add3A_1174 = arith.addi %mul3A_16, %add3A_1173 : i32
        %get3A_1175 = arith.index_cast %add3A_1174 : i32 to index
        %get3A_1176 = tpu.vector_load %arg4[%get3A_1175] {strides = array<i32>} : memref<65536xf32, #tpu.memory_space<vmem>>, vector<16xf32>,
        %get3A_1177 = vector.shape_cast %get3A_1176 : vector<16xf32> to vector<16xf32>
        %add3A_1178 = arith.constant 512 : i32
        %add3A_1179 = arith.addi %mul3A_16, %add3A_1178 : i32
        %add3A_1180 = arith.constant 416 : i32
        %add3A_1181 = arith.addi %add3A_1179, %add3A_1180 : i32
        %get3A_1182 = arith.index_cast %add3A_1181 : i32 to index
        %get3A_1183 = tpu.vector_load %arg4[%get3A_1182] {strides = array<i32>} : memref<65536xf32, #tpu.memory_space<vmem>>, vector<16xf32>,
        %get3A_1184 = vector.shape_cast %get3A_1183 : vector<16xf32> to vector<16xf32>
        %mul3A_1185 = arith.mulf %get3A_1165, %get3A_1177 : vector<16xf32>
        %mul3A_1186 = arith.mulf %get3A_1172, %get3A_1184 : vector<16xf32>
        %add3A_1187 = arith.addf %mul3A_1185, %mul3A_1186 : vector<16xf32>
        %add3A_1188 = arith.constant 416 : i32
        %add3A_1189 = arith.addi %mul3A_18, %add3A_1188 : i32
        %swap3A_1190 = arith.index_cast %add3A_1189 : i32 to index
        %swap3A_1191 = tpu.vector_load %arg4[%swap3A_1190] {strides = array<i32>} : memref<65536xf32, #tpu.memory_space<vmem>>, vector<16xf32>,
        %swap3A_1192 = vector.shape_cast %swap3A_1191 : vector<16xf32> to vector<16xf32>
        %swap3A_1193 = vector.shape_cast %add3A_1187 : vector<16xf32> to vector<16xf32>
        tpu.vector_store %arg4[%swap3A_1190], %swap3A_1193 {strides = array<i32>} : memref<65536xf32, #tpu.memory_space<vmem>>, vector<16xf32>,
        %mul3A_1194 = arith.mulf %get3A_1165, %get3A_1184 : vector<16xf32>
        %mul3A_1195 = arith.mulf %get3A_1172, %get3A_1177 : vector<16xf32>
        %sub3A_1196 = arith.subf %mul3A_1194, %mul3A_1195 : vector<16xf32>
        %add3A_1197 = arith.constant 512 : i32
        %add3A_1198 = arith.addi %mul3A_18, %add3A_1197 : i32
        %add3A_1199 = arith.constant 416 : i32
        %add3A_1200 = arith.addi %add3A_1198, %add3A_1199 : i32
        %swap3A_1201 = arith.index_cast %add3A_1200 : i32 to index
        %swap3A_1202 = tpu.vector_load %arg4[%swap3A_1201] {strides = array<i32>} : memref<65536xf32, #tpu.memory_space<vmem>>, vector<16xf32>,
        %swap3A_1203 = vector.shape_cast %swap3A_1202 : vector<16xf32> to vector<16xf32>
        %swap3A_1204 = vector.shape_cast %sub3A_1196 : vector<16xf32> to vector<16xf32>
        tpu.vector_store %arg4[%swap3A_1201], %swap3A_1204 {strides = array<i32>} : memref<65536xf32, #tpu.memory_space<vmem>>, vector<16xf32>,
        %add3A_1205 = arith.constant 432 : i32
        %add3A_1206 = arith.addi %select_n3A, %add3A_1205 : i32
        %get3A_1207 = arith.index_cast %add3A_1206 : i32 to index
        %get3A_1208 = tpu.vector_load %arg4[%get3A_1207] {strides = array<i32>} : memref<65536xf32, #tpu.memory_space<vmem>>, vector<16xf32>,
        %get3A_1209 = vector.shape_cast %get3A_1208 : vector<16xf32> to vector<16xf32>
        %add3A_1210 = arith.constant 512 : i32
        %add3A_1211 = arith.addi %select_n3A, %add3A_1210 : i32
        %add3A_1212 = arith.constant 432 : i32
        %add3A_1213 = arith.addi %add3A_1211, %add3A_1212 : i32
        %get3A_1214 = arith.index_cast %add3A_1213 : i32 to index
        %get3A_1215 = tpu.vector_load %arg4[%get3A_1214] {strides = array<i32>} : memref<65536xf32, #tpu.memory_space<vmem>>, vector<16xf32>,
        %get3A_1216 = vector.shape_cast %get3A_1215 : vector<16xf32> to vector<16xf32>
        %add3A_1217 = arith.constant 432 : i32
        %add3A_1218 = arith.addi %mul3A_16, %add3A_1217 : i32
        %get3A_1219 = arith.index_cast %add3A_1218 : i32 to index
        %get3A_1220 = tpu.vector_load %arg4[%get3A_1219] {strides = array<i32>} : memref<65536xf32, #tpu.memory_space<vmem>>, vector<16xf32>,
        %get3A_1221 = vector.shape_cast %get3A_1220 : vector<16xf32> to vector<16xf32>
        %add3A_1222 = arith.constant 512 : i32
        %add3A_1223 = arith.addi %mul3A_16, %add3A_1222 : i32
        %add3A_1224 = arith.constant 432 : i32
        %add3A_1225 = arith.addi %add3A_1223, %add3A_1224 : i32
        %get3A_1226 = arith.index_cast %add3A_1225 : i32 to index
        %get3A_1227 = tpu.vector_load %arg4[%get3A_1226] {strides = array<i32>} : memref<65536xf32, #tpu.memory_space<vmem>>, vector<16xf32>,
        %get3A_1228 = vector.shape_cast %get3A_1227 : vector<16xf32> to vector<16xf32>
        %mul3A_1229 = arith.mulf %get3A_1209, %get3A_1221 : vector<16xf32>
        %mul3A_1230 = arith.mulf %get3A_1216, %get3A_1228 : vector<16xf32>
        %add3A_1231 = arith.addf %mul3A_1229, %mul3A_1230 : vector<16xf32>
        %add3A_1232 = arith.constant 432 : i32
        %add3A_1233 = arith.addi %mul3A_18, %add3A_1232 : i32
        %swap3A_1234 = arith.index_cast %add3A_1233 : i32 to index
        %swap3A_1235 = tpu.vector_load %arg4[%swap3A_1234] {strides = array<i32>} : memref<65536xf32, #tpu.memory_space<vmem>>, vector<16xf32>,
        %swap3A_1236 = vector.shape_cast %swap3A_1235 : vector<16xf32> to vector<16xf32>
        %swap3A_1237 = vector.shape_cast %add3A_1231 : vector<16xf32> to vector<16xf32>
        tpu.vector_store %arg4[%swap3A_1234], %swap3A_1237 {strides = array<i32>} : memref<65536xf32, #tpu.memory_space<vmem>>, vector<16xf32>,
        %mul3A_1238 = arith.mulf %get3A_1209, %get3A_1228 : vector<16xf32>
        %mul3A_1239 = arith.mulf %get3A_1216, %get3A_1221 : vector<16xf32>
        %sub3A_1240 = arith.subf %mul3A_1238, %mul3A_1239 : vector<16xf32>
        %add3A_1241 = arith.constant 512 : i32
        %add3A_1242 = arith.addi %mul3A_18, %add3A_1241 : i32
        %add3A_1243 = arith.constant 432 : i32
        %add3A_1244 = arith.addi %add3A_1242, %add3A_1243 : i32
        %swap3A_1245 = arith.index_cast %add3A_1244 : i32 to index
        %swap3A_1246 = tpu.vector_load %arg4[%swap3A_1245] {strides = array<i32>} : memref<65536xf32, #tpu.memory_space<vmem>>, vector<16xf32>,
        %swap3A_1247 = vector.shape_cast %swap3A_1246 : vector<16xf32> to vector<16xf32>
        %swap3A_1248 = vector.shape_cast %sub3A_1240 : vector<16xf32> to vector<16xf32>
        tpu.vector_store %arg4[%swap3A_1245], %swap3A_1248 {strides = array<i32>} : memref<65536xf32, #tpu.memory_space<vmem>>, vector<16xf32>,
        %add3A_1249 = arith.constant 448 : i32
        %add3A_1250 = arith.addi %select_n3A, %add3A_1249 : i32
        %get3A_1251 = arith.index_cast %add3A_1250 : i32 to index
        %get3A_1252 = tpu.vector_load %arg4[%get3A_1251] {strides = array<i32>} : memref<65536xf32, #tpu.memory_space<vmem>>, vector<16xf32>,
        %get3A_1253 = vector.shape_cast %get3A_1252 : vector<16xf32> to vector<16xf32>
        %add3A_1254 = arith.constant 512 : i32
        %add3A_1255 = arith.addi %select_n3A, %add3A_1254 : i32
        %add3A_1256 = arith.constant 448 : i32
        %add3A_1257 = arith.addi %add3A_1255, %add3A_1256 : i32
        %get3A_1258 = arith.index_cast %add3A_1257 : i32 to index
        %get3A_1259 = tpu.vector_load %arg4[%get3A_1258] {strides = array<i32>} : memref<65536xf32, #tpu.memory_space<vmem>>, vector<16xf32>,
        %get3A_1260 = vector.shape_cast %get3A_1259 : vector<16xf32> to vector<16xf32>
        %add3A_1261 = arith.constant 448 : i32
        %add3A_1262 = arith.addi %mul3A_16, %add3A_1261 : i32
        %get3A_1263 = arith.index_cast %add3A_1262 : i32 to index
        %get3A_1264 = tpu.vector_load %arg4[%get3A_1263] {strides = array<i32>} : memref<65536xf32, #tpu.memory_space<vmem>>, vector<16xf32>,
        %get3A_1265 = vector.shape_cast %get3A_1264 : vector<16xf32> to vector<16xf32>
        %add3A_1266 = arith.constant 512 : i32
        %add3A_1267 = arith.addi %mul3A_16, %add3A_1266 : i32
        %add3A_1268 = arith.constant 448 : i32
        %add3A_1269 = arith.addi %add3A_1267, %add3A_1268 : i32
        %get3A_1270 = arith.index_cast %add3A_1269 : i32 to index
        %get3A_1271 = tpu.vector_load %arg4[%get3A_1270] {strides = array<i32>} : memref<65536xf32, #tpu.memory_space<vmem>>, vector<16xf32>,
        %get3A_1272 = vector.shape_cast %get3A_1271 : vector<16xf32> to vector<16xf32>
        %mul3A_1273 = arith.mulf %get3A_1253, %get3A_1265 : vector<16xf32>
        %mul3A_1274 = arith.mulf %get3A_1260, %get3A_1272 : vector<16xf32>
        %add3A_1275 = arith.addf %mul3A_1273, %mul3A_1274 : vector<16xf32>
        %add3A_1276 = arith.constant 448 : i32
        %add3A_1277 = arith.addi %mul3A_18, %add3A_1276 : i32
        %swap3A_1278 = arith.index_cast %add3A_1277 : i32 to index
        %swap3A_1279 = tpu.vector_load %arg4[%swap3A_1278] {strides = array<i32>} : memref<65536xf32, #tpu.memory_space<vmem>>, vector<16xf32>,
        %swap3A_1280 = vector.shape_cast %swap3A_1279 : vector<16xf32> to vector<16xf32>
        %swap3A_1281 = vector.shape_cast %add3A_1275 : vector<16xf32> to vector<16xf32>
        tpu.vector_store %arg4[%swap3A_1278], %swap3A_1281 {strides = array<i32>} : memref<65536xf32, #tpu.memory_space<vmem>>, vector<16xf32>,
        %mul3A_1282 = arith.mulf %get3A_1253, %get3A_1272 : vector<16xf32>
        %mul3A_1283 = arith.mulf %get3A_1260, %get3A_1265 : vector<16xf32>
        %sub3A_1284 = arith.subf %mul3A_1282, %mul3A_1283 : vector<16xf32>
        %add3A_1285 = arith.constant 512 : i32
        %add3A_1286 = arith.addi %mul3A_18, %add3A_1285 : i32
        %add3A_1287 = arith.constant 448 : i32
        %add3A_1288 = arith.addi %add3A_1286, %add3A_1287 : i32
        %swap3A_1289 = arith.index_cast %add3A_1288 : i32 to index
        %swap3A_1290 = tpu.vector_load %arg4[%swap3A_1289] {strides = array<i32>} : memref<65536xf32, #tpu.memory_space<vmem>>, vector<16xf32>,
        %swap3A_1291 = vector.shape_cast %swap3A_1290 : vector<16xf32> to vector<16xf32>
        %swap3A_1292 = vector.shape_cast %sub3A_1284 : vector<16xf32> to vector<16xf32>
        tpu.vector_store %arg4[%swap3A_1289], %swap3A_1292 {strides = array<i32>} : memref<65536xf32, #tpu.memory_space<vmem>>, vector<16xf32>,
        %add3A_1293 = arith.constant 464 : i32
        %add3A_1294 = arith.addi %select_n3A, %add3A_1293 : i32
        %get3A_1295 = arith.index_cast %add3A_1294 : i32 to index
        %get3A_1296 = tpu.vector_load %arg4[%get3A_1295] {strides = array<i32>} : memref<65536xf32, #tpu.memory_space<vmem>>, vector<16xf32>,
        %get3A_1297 = vector.shape_cast %get3A_1296 : vector<16xf32> to vector<16xf32>
        %add3A_1298 = arith.constant 512 : i32
        %add3A_1299 = arith.addi %select_n3A, %add3A_1298 : i32
        %add3A_1300 = arith.constant 464 : i32
        %add3A_1301 = arith.addi %add3A_1299, %add3A_1300 : i32
        %get3A_1302 = arith.index_cast %add3A_1301 : i32 to index
        %get3A_1303 = tpu.vector_load %arg4[%get3A_1302] {strides = array<i32>} : memref<65536xf32, #tpu.memory_space<vmem>>, vector<16xf32>,
        %get3A_1304 = vector.shape_cast %get3A_1303 : vector<16xf32> to vector<16xf32>
        %add3A_1305 = arith.constant 464 : i32
        %add3A_1306 = arith.addi %mul3A_16, %add3A_1305 : i32
        %get3A_1307 = arith.index_cast %add3A_1306 : i32 to index
        %get3A_1308 = tpu.vector_load %arg4[%get3A_1307] {strides = array<i32>} : memref<65536xf32, #tpu.memory_space<vmem>>, vector<16xf32>,
        %get3A_1309 = vector.shape_cast %get3A_1308 : vector<16xf32> to vector<16xf32>
        %add3A_1310 = arith.constant 512 : i32
        %add3A_1311 = arith.addi %mul3A_16, %add3A_1310 : i32
        %add3A_1312 = arith.constant 464 : i32
        %add3A_1313 = arith.addi %add3A_1311, %add3A_1312 : i32
        %get3A_1314 = arith.index_cast %add3A_1313 : i32 to index
        %get3A_1315 = tpu.vector_load %arg4[%get3A_1314] {strides = array<i32>} : memref<65536xf32, #tpu.memory_space<vmem>>, vector<16xf32>,
        %get3A_1316 = vector.shape_cast %get3A_1315 : vector<16xf32> to vector<16xf32>
        %mul3A_1317 = arith.mulf %get3A_1297, %get3A_1309 : vector<16xf32>
        %mul3A_1318 = arith.mulf %get3A_1304, %get3A_1316 : vector<16xf32>
        %add3A_1319 = arith.addf %mul3A_1317, %mul3A_1318 : vector<16xf32>
        %add3A_1320 = arith.constant 464 : i32
        %add3A_1321 = arith.addi %mul3A_18, %add3A_1320 : i32
        %swap3A_1322 = arith.index_cast %add3A_1321 : i32 to index
        %swap3A_1323 = tpu.vector_load %arg4[%swap3A_1322] {strides = array<i32>} : memref<65536xf32, #tpu.memory_space<vmem>>, vector<16xf32>,
        %swap3A_1324 = vector.shape_cast %swap3A_1323 : vector<16xf32> to vector<16xf32>
        %swap3A_1325 = vector.shape_cast %add3A_1319 : vector<16xf32> to vector<16xf32>
        tpu.vector_store %arg4[%swap3A_1322], %swap3A_1325 {strides = array<i32>} : memref<65536xf32, #tpu.memory_space<vmem>>, vector<16xf32>,
        %mul3A_1326 = arith.mulf %get3A_1297, %get3A_1316 : vector<16xf32>
        %mul3A_1327 = arith.mulf %get3A_1304, %get3A_1309 : vector<16xf32>
        %sub3A_1328 = arith.subf %mul3A_1326, %mul3A_1327 : vector<16xf32>
        %add3A_1329 = arith.constant 512 : i32
        %add3A_1330 = arith.addi %mul3A_18, %add3A_1329 : i32
        %add3A_1331 = arith.constant 464 : i32
        %add3A_1332 = arith.addi %add3A_1330, %add3A_1331 : i32
        %swap3A_1333 = arith.index_cast %add3A_1332 : i32 to index
        %swap3A_1334 = tpu.vector_load %arg4[%swap3A_1333] {strides = array<i32>} : memref<65536xf32, #tpu.memory_space<vmem>>, vector<16xf32>,
        %swap3A_1335 = vector.shape_cast %swap3A_1334 : vector<16xf32> to vector<16xf32>
        %swap3A_1336 = vector.shape_cast %sub3A_1328 : vector<16xf32> to vector<16xf32>
        tpu.vector_store %arg4[%swap3A_1333], %swap3A_1336 {strides = array<i32>} : memref<65536xf32, #tpu.memory_space<vmem>>, vector<16xf32>,
        %add3A_1337 = arith.constant 480 : i32
        %add3A_1338 = arith.addi %select_n3A, %add3A_1337 : i32
        %get3A_1339 = arith.index_cast %add3A_1338 : i32 to index
        %get3A_1340 = tpu.vector_load %arg4[%get3A_1339] {strides = array<i32>} : memref<65536xf32, #tpu.memory_space<vmem>>, vector<16xf32>,
        %get3A_1341 = vector.shape_cast %get3A_1340 : vector<16xf32> to vector<16xf32>
        %add3A_1342 = arith.constant 512 : i32
        %add3A_1343 = arith.addi %select_n3A, %add3A_1342 : i32
        %add3A_1344 = arith.constant 480 : i32
        %add3A_1345 = arith.addi %add3A_1343, %add3A_1344 : i32
        %get3A_1346 = arith.index_cast %add3A_1345 : i32 to index
        %get3A_1347 = tpu.vector_load %arg4[%get3A_1346] {strides = array<i32>} : memref<65536xf32, #tpu.memory_space<vmem>>, vector<16xf32>,
        %get3A_1348 = vector.shape_cast %get3A_1347 : vector<16xf32> to vector<16xf32>
        %add3A_1349 = arith.constant 480 : i32
        %add3A_1350 = arith.addi %mul3A_16, %add3A_1349 : i32
        %get3A_1351 = arith.index_cast %add3A_1350 : i32 to index
        %get3A_1352 = tpu.vector_load %arg4[%get3A_1351] {strides = array<i32>} : memref<65536xf32, #tpu.memory_space<vmem>>, vector<16xf32>,
        %get3A_1353 = vector.shape_cast %get3A_1352 : vector<16xf32> to vector<16xf32>
        %add3A_1354 = arith.constant 512 : i32
        %add3A_1355 = arith.addi %mul3A_16, %add3A_1354 : i32
        %add3A_1356 = arith.constant 480 : i32
        %add3A_1357 = arith.addi %add3A_1355, %add3A_1356 : i32
        %get3A_1358 = arith.index_cast %add3A_1357 : i32 to index
        %get3A_1359 = tpu.vector_load %arg4[%get3A_1358] {strides = array<i32>} : memref<65536xf32, #tpu.memory_space<vmem>>, vector<16xf32>,
        %get3A_1360 = vector.shape_cast %get3A_1359 : vector<16xf32> to vector<16xf32>
        %mul3A_1361 = arith.mulf %get3A_1341, %get3A_1353 : vector<16xf32>
        %mul3A_1362 = arith.mulf %get3A_1348, %get3A_1360 : vector<16xf32>
        %add3A_1363 = arith.addf %mul3A_1361, %mul3A_1362 : vector<16xf32>
        %add3A_1364 = arith.constant 480 : i32
        %add3A_1365 = arith.addi %mul3A_18, %add3A_1364 : i32
        %swap3A_1366 = arith.index_cast %add3A_1365 : i32 to index
        %swap3A_1367 = tpu.vector_load %arg4[%swap3A_1366] {strides = array<i32>} : memref<65536xf32, #tpu.memory_space<vmem>>, vector<16xf32>,
        %swap3A_1368 = vector.shape_cast %swap3A_1367 : vector<16xf32> to vector<16xf32>
        %swap3A_1369 = vector.shape_cast %add3A_1363 : vector<16xf32> to vector<16xf32>
        tpu.vector_store %arg4[%swap3A_1366], %swap3A_1369 {strides = array<i32>} : memref<65536xf32, #tpu.memory_space<vmem>>, vector<16xf32>,
        %mul3A_1370 = arith.mulf %get3A_1341, %get3A_1360 : vector<16xf32>
        %mul3A_1371 = arith.mulf %get3A_1348, %get3A_1353 : vector<16xf32>
        %sub3A_1372 = arith.subf %mul3A_1370, %mul3A_1371 : vector<16xf32>
        %add3A_1373 = arith.constant 512 : i32
        %add3A_1374 = arith.addi %mul3A_18, %add3A_1373 : i32
        %add3A_1375 = arith.constant 480 : i32
        %add3A_1376 = arith.addi %add3A_1374, %add3A_1375 : i32
        %swap3A_1377 = arith.index_cast %add3A_1376 : i32 to index
        %swap3A_1378 = tpu.vector_load %arg4[%swap3A_1377] {strides = array<i32>} : memref<65536xf32, #tpu.memory_space<vmem>>, vector<16xf32>,
        %swap3A_1379 = vector.shape_cast %swap3A_1378 : vector<16xf32> to vector<16xf32>
        %swap3A_1380 = vector.shape_cast %sub3A_1372 : vector<16xf32> to vector<16xf32>
        tpu.vector_store %arg4[%swap3A_1377], %swap3A_1380 {strides = array<i32>} : memref<65536xf32, #tpu.memory_space<vmem>>, vector<16xf32>,
        %add3A_1381 = arith.constant 496 : i32
        %add3A_1382 = arith.addi %select_n3A, %add3A_1381 : i32
        %get3A_1383 = arith.index_cast %add3A_1382 : i32 to index
        %get3A_1384 = tpu.vector_load %arg4[%get3A_1383] {strides = array<i32>} : memref<65536xf32, #tpu.memory_space<vmem>>, vector<16xf32>,
        %get3A_1385 = vector.shape_cast %get3A_1384 : vector<16xf32> to vector<16xf32>
        %add3A_1386 = arith.constant 512 : i32
        %add3A_1387 = arith.addi %select_n3A, %add3A_1386 : i32
        %add3A_1388 = arith.constant 496 : i32
        %add3A_1389 = arith.addi %add3A_1387, %add3A_1388 : i32
        %get3A_1390 = arith.index_cast %add3A_1389 : i32 to index
        %get3A_1391 = tpu.vector_load %arg4[%get3A_1390] {strides = array<i32>} : memref<65536xf32, #tpu.memory_space<vmem>>, vector<16xf32>,
        %get3A_1392 = vector.shape_cast %get3A_1391 : vector<16xf32> to vector<16xf32>
        %add3A_1393 = arith.constant 496 : i32
        %add3A_1394 = arith.addi %mul3A_16, %add3A_1393 : i32
        %get3A_1395 = arith.index_cast %add3A_1394 : i32 to index
        %get3A_1396 = tpu.vector_load %arg4[%get3A_1395] {strides = array<i32>} : memref<65536xf32, #tpu.memory_space<vmem>>, vector<16xf32>,
        %get3A_1397 = vector.shape_cast %get3A_1396 : vector<16xf32> to vector<16xf32>
        %add3A_1398 = arith.constant 512 : i32
        %add3A_1399 = arith.addi %mul3A_16, %add3A_1398 : i32
        %add3A_1400 = arith.constant 496 : i32
        %add3A_1401 = arith.addi %add3A_1399, %add3A_1400 : i32
        %get3A_1402 = arith.index_cast %add3A_1401 : i32 to index
        %get3A_1403 = tpu.vector_load %arg4[%get3A_1402] {strides = array<i32>} : memref<65536xf32, #tpu.memory_space<vmem>>, vector<16xf32>,
        %get3A_1404 = vector.shape_cast %get3A_1403 : vector<16xf32> to vector<16xf32>
        %mul3A_1405 = arith.mulf %get3A_1385, %get3A_1397 : vector<16xf32>
        %mul3A_1406 = arith.mulf %get3A_1392, %get3A_1404 : vector<16xf32>
        %add3A_1407 = arith.addf %mul3A_1405, %mul3A_1406 : vector<16xf32>
        %add3A_1408 = arith.constant 496 : i32
        %add3A_1409 = arith.addi %mul3A_18, %add3A_1408 : i32
        %swap3A_1410 = arith.index_cast %add3A_1409 : i32 to index
        %swap3A_1411 = tpu.vector_load %arg4[%swap3A_1410] {strides = array<i32>} : memref<65536xf32, #tpu.memory_space<vmem>>, vector<16xf32>,
        %swap3A_1412 = vector.shape_cast %swap3A_1411 : vector<16xf32> to vector<16xf32>
        %swap3A_1413 = vector.shape_cast %add3A_1407 : vector<16xf32> to vector<16xf32>
        tpu.vector_store %arg4[%swap3A_1410], %swap3A_1413 {strides = array<i32>} : memref<65536xf32, #tpu.memory_space<vmem>>, vector<16xf32>,
        %mul3A_1414 = arith.mulf %get3A_1385, %get3A_1404 : vector<16xf32>
        %mul3A_1415 = arith.mulf %get3A_1392, %get3A_1397 : vector<16xf32>
        %sub3A_1416 = arith.subf %mul3A_1414, %mul3A_1415 : vector<16xf32>
        %add3A_1417 = arith.constant 512 : i32
        %add3A_1418 = arith.addi %mul3A_18, %add3A_1417 : i32
        %add3A_1419 = arith.constant 496 : i32
        %add3A_1420 = arith.addi %add3A_1418, %add3A_1419 : i32
        %swap3A_1421 = arith.index_cast %add3A_1420 : i32 to index
        %swap3A_1422 = tpu.vector_load %arg4[%swap3A_1421] {strides = array<i32>} : memref<65536xf32, #tpu.memory_space<vmem>>, vector<16xf32>,
        %swap3A_1423 = vector.shape_cast %swap3A_1422 : vector<16xf32> to vector<16xf32>
        %swap3A_1424 = vector.shape_cast %sub3A_1416 : vector<16xf32> to vector<16xf32>
        tpu.vector_store %arg4[%swap3A_1421], %swap3A_1424 {strides = array<i32>} : memref<65536xf32, #tpu.memory_space<vmem>>, vector<16xf32>,
      }
      %scan3A_7 = arith.constant 63 : i32
      "tpu.region"() ({
        %run_scoped3A = tpu.sem_alloc : memref<!tpu.dma_semaphore, #tpu.memory_space<semaphore_mem>>
        %dma_start3A = arith.constant 0 : i32
        %dma_start3A_8 = tpu.memref_slice %arg4[%dma_start3A] : memref<65536xf32, #tpu.memory_space<vmem>> -> memref<64512xf32, #tpu.memory_space<vmem>>
        %dma_start3A_9 = arith.constant 0 : i32
        %dma_start3A_10 = tpu.memref_slice %arg3[%add3A, %dma_start3A_9] : memref<16x64512xf32, #tpu.memory_space<hbm>> -> memref<1x64512xf32, #tpu.memory_space<hbm>>
        %dma_start3A_11 = tpu.memref_squeeze %dma_start3A_10 : memref<1x64512xf32, #tpu.memory_space<hbm>> -> memref<64512xf32, #tpu.memory_space<hbm>>
        %dma_start3A_12 = arith.constant 0 : i32
        %dma_start3A_13 = tpu.memref_slice %arg3[%add3A, %dma_start3A_12] : memref<16x64512xf32, #tpu.memory_space<hbm>> -> memref<1x64512xf32, #tpu.memory_space<hbm>>
        %dma_start3A_14 = tpu.memref_squeeze %dma_start3A_13 : memref<1x64512xf32, #tpu.memory_space<hbm>> -> memref<64512xf32, #tpu.memory_space<hbm>>
        %dma_start3A_15 = arith.constant 0 : i32
        %dma_start3A_16 = tpu.memref_slice %arg4[%dma_start3A_15] : memref<65536xf32, #tpu.memory_space<vmem>> -> memref<64512xf32, #tpu.memory_space<vmem>>
        tpu.enqueue_dma source(%dma_start3A_16 : memref<64512xf32, #tpu.memory_space<vmem>>) target(%dma_start3A_14 : memref<64512xf32, #tpu.memory_space<hbm>>) target_semaphore(%run_scoped3A : memref<!tpu.dma_semaphore, #tpu.memory_space<semaphore_mem>>)
        %dma_wait3A = arith.constant 0 : i32
        %dma_wait3A_17 = tpu.memref_slice %arg4[%dma_wait3A] : memref<65536xf32, #tpu.memory_space<vmem>> -> memref<64512xf32, #tpu.memory_space<vmem>>
        %dma_wait3A_18 = arith.constant 0 : i32
        %dma_wait3A_19 = tpu.memref_slice %arg3[%add3A, %dma_wait3A_18] : memref<16x64512xf32, #tpu.memory_space<hbm>> -> memref<1x64512xf32, #tpu.memory_space<hbm>>
        %dma_wait3A_20 = tpu.memref_squeeze %dma_wait3A_19 : memref<1x64512xf32, #tpu.memory_space<hbm>> -> memref<64512xf32, #tpu.memory_space<hbm>>
        %dma_wait3A_21 = arith.constant 0 : i32
        %dma_wait3A_22 = tpu.memref_slice %arg3[%add3A, %dma_wait3A_21] : memref<16x64512xf32, #tpu.memory_space<hbm>> -> memref<1x64512xf32, #tpu.memory_space<hbm>>
        %dma_wait3A_23 = tpu.memref_squeeze %dma_wait3A_22 : memref<1x64512xf32, #tpu.memory_space<hbm>> -> memref<64512xf32, #tpu.memory_space<hbm>>
        %dma_wait3A_24 = arith.constant 0 : i32
        %dma_wait3A_25 = tpu.memref_slice %arg4[%dma_wait3A_24] : memref<65536xf32, #tpu.memory_space<vmem>> -> memref<64512xf32, #tpu.memory_space<vmem>>
        tpu.wait_dma2 semaphore(%run_scoped3A : memref<!tpu.dma_semaphore, #tpu.memory_space<semaphore_mem>>) src(%dma_wait3A_25 : memref<64512xf32, #tpu.memory_space<vmem>>) dst(%dma_wait3A_23 : memref<64512xf32, #tpu.memory_space<hbm>>)
        tpu.yield
      }) : () -> ()
    } else {
    }
    return
  }
}

module attributes {stable_mosaic.version = 14 : i64} {
  func.func @_xproj_body(%arg0: i32, %arg1: memref<1024x1024xf32, #tpu.memory_space<vmem>>, %arg2: memref<1024x1024xf32, #tpu.memory_space<vmem>>, %arg3: memref<512x1024xf32, #tpu.memory_space<vmem>>, %arg4: memref<512x1024xf32, #tpu.memory_space<vmem>>, %arg5: memref<1x512xf32, #tpu.memory_space<vmem>>, %arg6: memref<1x512xf32, #tpu.memory_space<vmem>>, %arg7: memref<1024x512xf32, #tpu.memory_space<vmem>>, %arg8: memref<1024x512xf32, #tpu.memory_space<vmem>>, %arg9: memref<1024x1024xf32, #tpu.memory_space<vmem>>) attributes {dimension_semantics = [#tpu.dimension_semantics<arbitrary>], iteration_bounds = array<i64: 4>, scalar_prefetch = 0 : i64, scratch_operands = 1 : i64, tpu.core_type = #tpu.core_type<tc>, window_params = [{pipeline_mode = #tpu.pipeline_mode<synchronous>, transform_indices = @transform_0, window_bounds = array<i64: 1024, 1024>}, {pipeline_mode = #tpu.pipeline_mode<synchronous>, transform_indices = @transform_1, window_bounds = array<i64: 1024, 1024>}, {transform_indices = @transform_2, window_bounds = array<i64: 512, 1024>}, {transform_indices = @transform_3, window_bounds = array<i64: 512, 1024>}, {transform_indices = @transform_4, window_bounds = array<i64: 1, 512>}, {transform_indices = @transform_5, window_bounds = array<i64: 1, 512>}, {transform_indices = @transform_6, window_bounds = array<i64: 1024, 512>}, {transform_indices = @transform_7, window_bounds = array<i64: 1024, 512>}]} {
    %eq3A = arith.constant 0 : i32
    %eq3A_0 = arith.cmpi eq, %arg0, %eq3A : i32
    %convert_element_type3A = arith.extui %eq3A_0 : i1 to i32
    %cond3A = arith.constant 0 : i32
    %cond3A_1 = arith.cmpi ne, %convert_element_type3A, %cond3A : i32
    scf.if %cond3A_1 {
      %get3A_30 = arith.constant 0 : index
      %get3A_31 = arith.constant 0 : index
      %get3A_32 = vector.load %arg2[%get3A_30, %get3A_31] : memref<1024x1024xf32, #tpu.memory_space<vmem>>, vector<1024x1024xf32>
      %get3A_33 = arith.constant 0 : index
      %get3A_34 = arith.constant 0 : index
      %get3A_35 = vector.load %arg1[%get3A_33, %get3A_34] : memref<1024x1024xf32, #tpu.memory_space<vmem>>, vector<1024x1024xf32>
      %dot_general3A_36 = arith.constant dense<0.000000e+00> : vector<1024x1024xf32>
      %dot_general3A_37 = tpu.matmul %get3A_32, %get3A_35, %dot_general3A_36 {dimension_numbers = #tpu.dot_dimension_numbers<[1], [0], [0], [1], [0, 0, 1, 1], [], []>, transpose_lhs_hint = false} : vector<1024x1024xf32>, vector<1024x1024xf32>, vector<1024x1024xf32> -> vector<1024x1024xf32>
      %swap3A_38 = arith.constant 0 : index
      %swap3A_39 = arith.constant 0 : index
      %swap3A_40 = vector.load %arg9[%swap3A_38, %swap3A_39] : memref<1024x1024xf32, #tpu.memory_space<vmem>>, vector<1024x1024xf32>
      tpu.vector_store %arg9[%swap3A_38, %swap3A_39], %dot_general3A_37 {strides = array<i32>} : memref<1024x1024xf32, #tpu.memory_space<vmem>>, vector<1024x1024xf32>,
    } else {
    }
    %get3A = arith.constant 0 : index
    %get3A_2 = arith.constant 0 : index
    %get3A_3 = vector.load %arg9[%get3A, %get3A_2] : memref<1024x1024xf32, #tpu.memory_space<vmem>>, vector<1024x1024xf32>
    %get3A_4 = arith.constant 0 : index
    %get3A_5 = arith.constant 0 : index
    %get3A_6 = vector.load %arg3[%get3A_4, %get3A_5] : memref<512x1024xf32, #tpu.memory_space<vmem>>, vector<512x1024xf32>
    %dot_general3A = arith.constant dense<0.000000e+00> : vector<1024x512xf32>
    %dot_general3A_7 = tpu.matmul %get3A_3, %get3A_6, %dot_general3A {dimension_numbers = #tpu.dot_dimension_numbers<[1], [1], [0], [0], [0, 0, 1, 0], [], []>, transpose_lhs_hint = false} : vector<1024x1024xf32>, vector<512x1024xf32>, vector<1024x512xf32> -> vector<1024x512xf32>
    %get3A_8 = arith.constant 0 : index
    %get3A_9 = arith.constant 0 : index
    %get3A_10 = vector.load %arg5[%get3A_8, %get3A_9] : memref<1x512xf32, #tpu.memory_space<vmem>>, vector<1x512xf32>
    %add3A = vector.broadcast %get3A_10 : vector<1x512xf32> to vector<1024x512xf32>
    %add3A_11 = arith.addf %dot_general3A_7, %add3A : vector<1024x512xf32>
    %swap3A = arith.constant 0 : index
    %swap3A_12 = arith.constant 0 : index
    %swap3A_13 = vector.load %arg7[%swap3A, %swap3A_12] : memref<1024x512xf32, #tpu.memory_space<vmem>>, vector<1024x512xf32>
    tpu.vector_store %arg7[%swap3A, %swap3A_12], %add3A_11 {strides = array<i32>} : memref<1024x512xf32, #tpu.memory_space<vmem>>, vector<1024x512xf32>,
    %get3A_14 = arith.constant 0 : index
    %get3A_15 = arith.constant 0 : index
    %get3A_16 = vector.load %arg9[%get3A_14, %get3A_15] : memref<1024x1024xf32, #tpu.memory_space<vmem>>, vector<1024x1024xf32>
    %get3A_17 = arith.constant 0 : index
    %get3A_18 = arith.constant 0 : index
    %get3A_19 = vector.load %arg4[%get3A_17, %get3A_18] : memref<512x1024xf32, #tpu.memory_space<vmem>>, vector<512x1024xf32>
    %dot_general3A_20 = arith.constant dense<0.000000e+00> : vector<1024x512xf32>
    %dot_general3A_21 = tpu.matmul %get3A_16, %get3A_19, %dot_general3A_20 {dimension_numbers = #tpu.dot_dimension_numbers<[1], [1], [0], [0], [0, 0, 1, 0], [], []>, transpose_lhs_hint = false} : vector<1024x1024xf32>, vector<512x1024xf32>, vector<1024x512xf32> -> vector<1024x512xf32>
    %get3A_22 = arith.constant 0 : index
    %get3A_23 = arith.constant 0 : index
    %get3A_24 = vector.load %arg6[%get3A_22, %get3A_23] : memref<1x512xf32, #tpu.memory_space<vmem>>, vector<1x512xf32>
    %add3A_25 = vector.broadcast %get3A_24 : vector<1x512xf32> to vector<1024x512xf32>
    %add3A_26 = arith.addf %dot_general3A_21, %add3A_25 : vector<1024x512xf32>
    %swap3A_27 = arith.constant 0 : index
    %swap3A_28 = arith.constant 0 : index
    %swap3A_29 = vector.load %arg8[%swap3A_27, %swap3A_28] : memref<1024x512xf32, #tpu.memory_space<vmem>>, vector<1024x512xf32>
    tpu.vector_store %arg8[%swap3A_27, %swap3A_28], %add3A_26 {strides = array<i32>} : memref<1024x512xf32, #tpu.memory_space<vmem>>, vector<1024x512xf32>,
    return
  }
  func.func @transform_0(%arg0: i32) -> (i32, i32) {
    %c0_i32 = arith.constant 0 : i32
    %c0_i32_0 = arith.constant 0 : i32
    %c0_i32_1 = arith.constant 0 : i32
    return %c0_i32, %c0_i32_0 : i32, i32
  }
  func.func @transform_1(%arg0: i32) -> (i32, i32) {
    %c0_i32 = arith.constant 0 : i32
    %c0_i32_0 = arith.constant 0 : i32
    %c0_i32_1 = arith.constant 0 : i32
    return %c0_i32, %c0_i32_0 : i32, i32
  }
  func.func @transform_2(%arg0: i32) -> (i32, i32) {
    %c0_i32 = arith.constant 0 : i32
    %c0_i32_0 = arith.constant 0 : i32
    return %arg0, %c0_i32 : i32, i32
  }
  func.func @transform_3(%arg0: i32) -> (i32, i32) {
    %c0_i32 = arith.constant 0 : i32
    %c0_i32_0 = arith.constant 0 : i32
    return %arg0, %c0_i32 : i32, i32
  }
  func.func @transform_4(%arg0: i32) -> (i32, i32) {
    %c0_i32 = arith.constant 0 : i32
    %c0_i32_0 = arith.constant 0 : i32
    return %c0_i32, %arg0 : i32, i32
  }
  func.func @transform_5(%arg0: i32) -> (i32, i32) {
    %c0_i32 = arith.constant 0 : i32
    %c0_i32_0 = arith.constant 0 : i32
    return %c0_i32, %arg0 : i32, i32
  }
  func.func @transform_6(%arg0: i32) -> (i32, i32) {
    %c0_i32 = arith.constant 0 : i32
    %c0_i32_0 = arith.constant 0 : i32
    return %c0_i32, %arg0 : i32, i32
  }
  func.func @transform_7(%arg0: i32) -> (i32, i32) {
    %c0_i32 = arith.constant 0 : i32
    %c0_i32_0 = arith.constant 0 : i32
    return %c0_i32, %arg0 : i32, i32
  }
}

module attributes {stable_mosaic.version = 14 : i64} {
  func.func @_main_body(%arg0: i32, %arg1: memref<1x16x2048xf32, #tpu.memory_space<vmem>>, %arg2: memref<1x16x2048xf32, #tpu.memory_space<vmem>>, %arg3: memref<2048x512xf32, #tpu.memory_space<vmem>>, %arg4: memref<2048x512xf32, #tpu.memory_space<vmem>>, %arg5: memref<512x512xf32, #tpu.memory_space<vmem>>, %arg6: memref<512x512xf32, #tpu.memory_space<vmem>>, %arg7: memref<512x1024xf32, #tpu.memory_space<vmem>>, %arg8: memref<512x512xf32, #tpu.memory_space<vmem>>, %arg9: memref<1x512xf32, #tpu.memory_space<vmem>>, %arg10: memref<1024x1024xf32, #tpu.memory_space<vmem>>, %arg11: memref<1024x512xf32, #tpu.memory_space<vmem>>, %arg12: memref<1024x1024xf32, #tpu.memory_space<vmem>>, %arg13: memref<16x512xf32, #tpu.memory_space<vmem>>, %arg14: memref<16x512xf32, #tpu.memory_space<vmem>>, %arg15: memref<16x512xf32, #tpu.memory_space<vmem>>, %arg16: memref<16x512xf32, #tpu.memory_space<vmem>>, %arg17: memref<64x16x512xf32, #tpu.memory_space<vmem>>, %arg18: memref<64x16x512xf32, #tpu.memory_space<vmem>>) attributes {dimension_semantics = [#tpu.dimension_semantics<arbitrary>], iteration_bounds = array<i64: 65>, scalar_prefetch = 0 : i64, scratch_operands = 6 : i64, tpu.core_type = #tpu.core_type<tc>, window_params = [{transform_indices = @transform_0, window_bounds = array<i64: 1, 16, 2048>}, {transform_indices = @transform_1, window_bounds = array<i64: 1, 16, 2048>}, {pipeline_mode = #tpu.pipeline_mode<synchronous>, transform_indices = @transform_2, window_bounds = array<i64: 2048, 512>}, {pipeline_mode = #tpu.pipeline_mode<synchronous>, transform_indices = @transform_3, window_bounds = array<i64: 2048, 512>}, {pipeline_mode = #tpu.pipeline_mode<synchronous>, transform_indices = @transform_4, window_bounds = array<i64: 512, 512>}, {pipeline_mode = #tpu.pipeline_mode<synchronous>, transform_indices = @transform_5, window_bounds = array<i64: 512, 512>}, {pipeline_mode = #tpu.pipeline_mode<synchronous>, transform_indices = @transform_6, window_bounds = array<i64: 512, 1024>}, {pipeline_mode = #tpu.pipeline_mode<synchronous>, transform_indices = @transform_7, window_bounds = array<i64: 512, 512>}, {pipeline_mode = #tpu.pipeline_mode<synchronous>, transform_indices = @transform_8, window_bounds = array<i64: 1, 512>}, {pipeline_mode = #tpu.pipeline_mode<synchronous>, transform_indices = @transform_9, window_bounds = array<i64: 1024, 1024>}, {pipeline_mode = #tpu.pipeline_mode<synchronous>, transform_indices = @transform_10, window_bounds = array<i64: 1024, 512>}, {pipeline_mode = #tpu.pipeline_mode<synchronous>, transform_indices = @transform_11, window_bounds = array<i64: 1024, 1024>}]} {
    %eq3A = arith.constant 0 : i32
    %eq3A_0 = arith.cmpi eq, %arg0, %eq3A : i32
    %convert_element_type3A = arith.extui %eq3A_0 : i1 to i32
    %cond3A = arith.constant 0 : i32
    %cond3A_1 = arith.cmpi ne, %convert_element_type3A, %cond3A : i32
    scf.if %cond3A_1 {
      %broadcast_in_dim3A = arith.constant 0.000000e+00 : f32
      %broadcast_in_dim3A_11 = vector.broadcast %broadcast_in_dim3A : f32 to vector<16x512xf32>
      %swap3A = arith.constant 0 : index
      %swap3A_12 = arith.constant 0 : index
      %swap3A_13 = vector.load %arg13[%swap3A, %swap3A_12] : memref<16x512xf32, #tpu.memory_space<vmem>>, vector<16x512xf32>
      tpu.vector_store %arg13[%swap3A, %swap3A_12], %broadcast_in_dim3A_11 {strides = array<i32>} : memref<16x512xf32, #tpu.memory_space<vmem>>, vector<16x512xf32>,
      %broadcast_in_dim3A_14 = arith.constant 0.000000e+00 : f32
      %broadcast_in_dim3A_15 = vector.broadcast %broadcast_in_dim3A_14 : f32 to vector<16x512xf32>
      %swap3A_16 = arith.constant 0 : index
      %swap3A_17 = arith.constant 0 : index
      %swap3A_18 = vector.load %arg14[%swap3A_16, %swap3A_17] : memref<16x512xf32, #tpu.memory_space<vmem>>, vector<16x512xf32>
      tpu.vector_store %arg14[%swap3A_16, %swap3A_17], %broadcast_in_dim3A_15 {strides = array<i32>} : memref<16x512xf32, #tpu.memory_space<vmem>>, vector<16x512xf32>,
      %broadcast_in_dim3A_19 = arith.constant 0.000000e+00 : f32
      %broadcast_in_dim3A_20 = vector.broadcast %broadcast_in_dim3A_19 : f32 to vector<16x512xf32>
      %swap3A_21 = arith.constant 0 : index
      %swap3A_22 = arith.constant 0 : index
      %swap3A_23 = vector.load %arg15[%swap3A_21, %swap3A_22] : memref<16x512xf32, #tpu.memory_space<vmem>>, vector<16x512xf32>
      tpu.vector_store %arg15[%swap3A_21, %swap3A_22], %broadcast_in_dim3A_20 {strides = array<i32>} : memref<16x512xf32, #tpu.memory_space<vmem>>, vector<16x512xf32>,
      %broadcast_in_dim3A_24 = arith.constant 0.000000e+00 : f32
      %broadcast_in_dim3A_25 = vector.broadcast %broadcast_in_dim3A_24 : f32 to vector<16x512xf32>
      %swap3A_26 = arith.constant 0 : index
      %swap3A_27 = arith.constant 0 : index
      %swap3A_28 = vector.load %arg16[%swap3A_26, %swap3A_27] : memref<16x512xf32, #tpu.memory_space<vmem>>, vector<16x512xf32>
      tpu.vector_store %arg16[%swap3A_26, %swap3A_27], %broadcast_in_dim3A_25 {strides = array<i32>} : memref<16x512xf32, #tpu.memory_space<vmem>>, vector<16x512xf32>,
    } else {
    }
    %lt3A = arith.constant 64 : i32
    %lt3A_2 = arith.cmpi slt, %arg0, %lt3A : i32
    %convert_element_type3A_3 = arith.extui %lt3A_2 : i1 to i32
    %cond3A_4 = arith.constant 0 : i32
    %cond3A_5 = arith.cmpi ne, %convert_element_type3A_3, %cond3A_4 : i32
    scf.if %cond3A_5 {
      %get3A = arith.constant 0 : index
      %get3A_11 = arith.constant 0 : index
      %get3A_12 = arith.constant 0 : index
      %get3A_13 = vector.load %arg1[%get3A, %get3A_11, %get3A_12] : memref<1x16x2048xf32, #tpu.memory_space<vmem>>, vector<1x16x2048xf32>
      %get3A_14 = vector.shape_cast %get3A_13 : vector<1x16x2048xf32> to vector<16x2048xf32>
      %get3A_15 = arith.constant 0 : index
      %get3A_16 = arith.constant 0 : index
      %get3A_17 = vector.load %arg13[%get3A_15, %get3A_16] : memref<16x512xf32, #tpu.memory_space<vmem>>, vector<16x512xf32>
      %get3A_18 = arith.constant 0 : index
      %get3A_19 = arith.constant 0 : index
      %get3A_20 = vector.load %arg3[%get3A_18, %get3A_19] : memref<2048x512xf32, #tpu.memory_space<vmem>>, vector<2048x512xf32>
      %dot_general3A = arith.constant dense<0.000000e+00> : vector<16x2048xf32>
      %dot_general3A_21 = tpu.matmul %get3A_17, %get3A_20, %dot_general3A {dimension_numbers = #tpu.dot_dimension_numbers<[1], [1], [0], [0], [0, 0, 1, 0], [], []>, transpose_lhs_hint = false} : vector<16x512xf32>, vector<2048x512xf32>, vector<16x2048xf32> -> vector<16x2048xf32>
      %add3A = arith.addf %get3A_14, %dot_general3A_21 : vector<16x2048xf32>
      %slice3A = vector.extract_strided_slice %add3A {offsets = [0, 0], sizes = [16, 512], strides = [1, 1]} : vector<16x2048xf32> to vector<16x512xf32>
      %logistic3A = arith.negf %slice3A : vector<16x512xf32>
      %logistic3A_22 = math.exp %logistic3A : vector<16x512xf32>
      %logistic3A_23 = arith.constant 1.000000e+00 : f32
      %logistic3A_24 = vector.broadcast %logistic3A_23 : f32 to vector<16x512xf32>
      %logistic3A_25 = arith.addf %logistic3A_24, %logistic3A_22 : vector<16x512xf32>
      %logistic3A_26 = arith.divf %logistic3A_24, %logistic3A_25 : vector<16x512xf32>
      %slice3A_27 = vector.extract_strided_slice %add3A {offsets = [0, 512], sizes = [16, 512], strides = [1, 1]} : vector<16x2048xf32> to vector<16x512xf32>
      %logistic3A_28 = arith.negf %slice3A_27 : vector<16x512xf32>
      %logistic3A_29 = math.exp %logistic3A_28 : vector<16x512xf32>
      %logistic3A_30 = arith.constant 1.000000e+00 : f32
      %logistic3A_31 = vector.broadcast %logistic3A_30 : f32 to vector<16x512xf32>
      %logistic3A_32 = arith.addf %logistic3A_31, %logistic3A_29 : vector<16x512xf32>
      %logistic3A_33 = arith.divf %logistic3A_31, %logistic3A_32 : vector<16x512xf32>
      %slice3A_34 = vector.extract_strided_slice %add3A {offsets = [0, 1024], sizes = [16, 512], strides = [1, 1]} : vector<16x2048xf32> to vector<16x512xf32>
      %tanh3A = math.tanh %slice3A_34 : vector<16x512xf32>
      %slice3A_35 = vector.extract_strided_slice %add3A {offsets = [0, 1536], sizes = [16, 512], strides = [1, 1]} : vector<16x2048xf32> to vector<16x512xf32>
      %logistic3A_36 = arith.negf %slice3A_35 : vector<16x512xf32>
      %logistic3A_37 = math.exp %logistic3A_36 : vector<16x512xf32>
      %logistic3A_38 = arith.constant 1.000000e+00 : f32
      %logistic3A_39 = vector.broadcast %logistic3A_38 : f32 to vector<16x512xf32>
      %logistic3A_40 = arith.addf %logistic3A_39, %logistic3A_37 : vector<16x512xf32>
      %logistic3A_41 = arith.divf %logistic3A_39, %logistic3A_40 : vector<16x512xf32>
      %get3A_42 = arith.constant 0 : index
      %get3A_43 = arith.constant 0 : index
      %get3A_44 = vector.load %arg14[%get3A_42, %get3A_43] : memref<16x512xf32, #tpu.memory_space<vmem>>, vector<16x512xf32>
      %mul3A = arith.mulf %logistic3A_33, %get3A_44 : vector<16x512xf32>
      %mul3A_45 = arith.mulf %logistic3A_26, %tanh3A : vector<16x512xf32>
      %add3A_46 = arith.addf %mul3A, %mul3A_45 : vector<16x512xf32>
      %tanh3A_47 = math.tanh %add3A_46 : vector<16x512xf32>
      %mul3A_48 = arith.mulf %logistic3A_41, %tanh3A_47 : vector<16x512xf32>
      %swap3A = arith.constant 0 : index
      %swap3A_49 = arith.constant 0 : index
      %swap3A_50 = vector.load %arg14[%swap3A, %swap3A_49] : memref<16x512xf32, #tpu.memory_space<vmem>>, vector<16x512xf32>
      tpu.vector_store %arg14[%swap3A, %swap3A_49], %add3A_46 {strides = array<i32>} : memref<16x512xf32, #tpu.memory_space<vmem>>, vector<16x512xf32>,
      %swap3A_51 = arith.constant 0 : index
      %swap3A_52 = arith.constant 0 : index
      %swap3A_53 = vector.load %arg13[%swap3A_51, %swap3A_52] : memref<16x512xf32, #tpu.memory_space<vmem>>, vector<16x512xf32>
      tpu.vector_store %arg13[%swap3A_51, %swap3A_52], %mul3A_48 {strides = array<i32>} : memref<16x512xf32, #tpu.memory_space<vmem>>, vector<16x512xf32>,
      %broadcast_in_dim3A = vector.shape_cast %mul3A_48 : vector<16x512xf32> to vector<1x16x512xf32>
      %swap3A_54 = arith.index_cast %arg0 : i32 to index
      %swap3A_55 = arith.constant 0 : index
      %swap3A_56 = arith.constant 0 : index
      %swap3A_57 = vector.load %arg17[%swap3A_54, %swap3A_55, %swap3A_56] : memref<64x16x512xf32, #tpu.memory_space<vmem>>, vector<1x16x512xf32>
      tpu.vector_store %arg17[%swap3A_54, %swap3A_55, %swap3A_56], %broadcast_in_dim3A {strides = array<i32>} : memref<64x16x512xf32, #tpu.memory_space<vmem>>, vector<1x16x512xf32>,
      %sub3A = arith.constant 63 : i32
      %sub3A_58 = arith.subi %sub3A, %arg0 : i32
      %get3A_59 = arith.constant 0 : index
      %get3A_60 = arith.constant 0 : index
      %get3A_61 = arith.constant 0 : index
      %get3A_62 = vector.load %arg2[%get3A_59, %get3A_60, %get3A_61] : memref<1x16x2048xf32, #tpu.memory_space<vmem>>, vector<1x16x2048xf32>
      %get3A_63 = vector.shape_cast %get3A_62 : vector<1x16x2048xf32> to vector<16x2048xf32>
      %get3A_64 = arith.constant 0 : index
      %get3A_65 = arith.constant 0 : index
      %get3A_66 = vector.load %arg15[%get3A_64, %get3A_65] : memref<16x512xf32, #tpu.memory_space<vmem>>, vector<16x512xf32>
      %get3A_67 = arith.constant 0 : index
      %get3A_68 = arith.constant 0 : index
      %get3A_69 = vector.load %arg4[%get3A_67, %get3A_68] : memref<2048x512xf32, #tpu.memory_space<vmem>>, vector<2048x512xf32>
      %dot_general3A_70 = arith.constant dense<0.000000e+00> : vector<16x2048xf32>
      %dot_general3A_71 = tpu.matmul %get3A_66, %get3A_69, %dot_general3A_70 {dimension_numbers = #tpu.dot_dimension_numbers<[1], [1], [0], [0], [0, 0, 1, 0], [], []>, transpose_lhs_hint = false} : vector<16x512xf32>, vector<2048x512xf32>, vector<16x2048xf32> -> vector<16x2048xf32>
      %add3A_72 = arith.addf %get3A_63, %dot_general3A_71 : vector<16x2048xf32>
      %slice3A_73 = vector.extract_strided_slice %add3A_72 {offsets = [0, 0], sizes = [16, 512], strides = [1, 1]} : vector<16x2048xf32> to vector<16x512xf32>
      %logistic3A_74 = arith.negf %slice3A_73 : vector<16x512xf32>
      %logistic3A_75 = math.exp %logistic3A_74 : vector<16x512xf32>
      %logistic3A_76 = arith.constant 1.000000e+00 : f32
      %logistic3A_77 = vector.broadcast %logistic3A_76 : f32 to vector<16x512xf32>
      %logistic3A_78 = arith.addf %logistic3A_77, %logistic3A_75 : vector<16x512xf32>
      %logistic3A_79 = arith.divf %logistic3A_77, %logistic3A_78 : vector<16x512xf32>
      %slice3A_80 = vector.extract_strided_slice %add3A_72 {offsets = [0, 512], sizes = [16, 512], strides = [1, 1]} : vector<16x2048xf32> to vector<16x512xf32>
      %logistic3A_81 = arith.negf %slice3A_80 : vector<16x512xf32>
      %logistic3A_82 = math.exp %logistic3A_81 : vector<16x512xf32>
      %logistic3A_83 = arith.constant 1.000000e+00 : f32
      %logistic3A_84 = vector.broadcast %logistic3A_83 : f32 to vector<16x512xf32>
      %logistic3A_85 = arith.addf %logistic3A_84, %logistic3A_82 : vector<16x512xf32>
      %logistic3A_86 = arith.divf %logistic3A_84, %logistic3A_85 : vector<16x512xf32>
      %slice3A_87 = vector.extract_strided_slice %add3A_72 {offsets = [0, 1024], sizes = [16, 512], strides = [1, 1]} : vector<16x2048xf32> to vector<16x512xf32>
      %tanh3A_88 = math.tanh %slice3A_87 : vector<16x512xf32>
      %slice3A_89 = vector.extract_strided_slice %add3A_72 {offsets = [0, 1536], sizes = [16, 512], strides = [1, 1]} : vector<16x2048xf32> to vector<16x512xf32>
      %logistic3A_90 = arith.negf %slice3A_89 : vector<16x512xf32>
      %logistic3A_91 = math.exp %logistic3A_90 : vector<16x512xf32>
      %logistic3A_92 = arith.constant 1.000000e+00 : f32
      %logistic3A_93 = vector.broadcast %logistic3A_92 : f32 to vector<16x512xf32>
      %logistic3A_94 = arith.addf %logistic3A_93, %logistic3A_91 : vector<16x512xf32>
      %logistic3A_95 = arith.divf %logistic3A_93, %logistic3A_94 : vector<16x512xf32>
      %get3A_96 = arith.constant 0 : index
      %get3A_97 = arith.constant 0 : index
      %get3A_98 = vector.load %arg16[%get3A_96, %get3A_97] : memref<16x512xf32, #tpu.memory_space<vmem>>, vector<16x512xf32>
      %mul3A_99 = arith.mulf %logistic3A_86, %get3A_98 : vector<16x512xf32>
      %mul3A_100 = arith.mulf %logistic3A_79, %tanh3A_88 : vector<16x512xf32>
      %add3A_101 = arith.addf %mul3A_99, %mul3A_100 : vector<16x512xf32>
      %tanh3A_102 = math.tanh %add3A_101 : vector<16x512xf32>
      %mul3A_103 = arith.mulf %logistic3A_95, %tanh3A_102 : vector<16x512xf32>
      %swap3A_104 = arith.constant 0 : index
      %swap3A_105 = arith.constant 0 : index
      %swap3A_106 = vector.load %arg16[%swap3A_104, %swap3A_105] : memref<16x512xf32, #tpu.memory_space<vmem>>, vector<16x512xf32>
      tpu.vector_store %arg16[%swap3A_104, %swap3A_105], %add3A_101 {strides = array<i32>} : memref<16x512xf32, #tpu.memory_space<vmem>>, vector<16x512xf32>,
      %swap3A_107 = arith.constant 0 : index
      %swap3A_108 = arith.constant 0 : index
      %swap3A_109 = vector.load %arg15[%swap3A_107, %swap3A_108] : memref<16x512xf32, #tpu.memory_space<vmem>>, vector<16x512xf32>
      tpu.vector_store %arg15[%swap3A_107, %swap3A_108], %mul3A_103 {strides = array<i32>} : memref<16x512xf32, #tpu.memory_space<vmem>>, vector<16x512xf32>,
      %broadcast_in_dim3A_110 = vector.shape_cast %mul3A_103 : vector<16x512xf32> to vector<1x16x512xf32>
      %swap3A_111 = arith.index_cast %sub3A_58 : i32 to index
      %swap3A_112 = arith.constant 0 : index
      %swap3A_113 = arith.constant 0 : index
      %swap3A_114 = vector.load %arg18[%swap3A_111, %swap3A_112, %swap3A_113] : memref<64x16x512xf32, #tpu.memory_space<vmem>>, vector<1x16x512xf32>
      tpu.vector_store %arg18[%swap3A_111, %swap3A_112, %swap3A_113], %broadcast_in_dim3A_110 {strides = array<i32>} : memref<64x16x512xf32, #tpu.memory_space<vmem>>, vector<1x16x512xf32>,
    } else {
    }
    %eq3A_6 = arith.constant 64 : i32
    %eq3A_7 = arith.cmpi eq, %arg0, %eq3A_6 : i32
    %convert_element_type3A_8 = arith.extui %eq3A_7 : i1 to i32
    %cond3A_9 = arith.constant 0 : i32
    %cond3A_10 = arith.cmpi ne, %convert_element_type3A_8, %cond3A_9 : i32
    scf.if %cond3A_10 {
      %get3A = arith.constant 0 : index
      %get3A_11 = arith.constant 0 : index
      %get3A_12 = arith.constant 0 : index
      %get3A_13 = vector.load %arg17[%get3A, %get3A_11, %get3A_12] : memref<64x16x512xf32, #tpu.memory_space<vmem>>, vector<64x16x512xf32>
      %reshape3A = vector.shape_cast %get3A_13 : vector<64x16x512xf32> to vector<1024x512xf32>
      %get3A_14 = arith.constant 0 : index
      %get3A_15 = arith.constant 0 : index
      %get3A_16 = vector.load %arg5[%get3A_14, %get3A_15] : memref<512x512xf32, #tpu.memory_space<vmem>>, vector<512x512xf32>
      %dot_general3A = arith.constant dense<0.000000e+00> : vector<1024x512xf32>
      %dot_general3A_17 = tpu.matmul %reshape3A, %get3A_16, %dot_general3A {dimension_numbers = #tpu.dot_dimension_numbers<[1], [1], [0], [0], [0, 0, 1, 0], [], []>, transpose_lhs_hint = false} : vector<1024x512xf32>, vector<512x512xf32>, vector<1024x512xf32> -> vector<1024x512xf32>
      %get3A_18 = arith.constant 0 : index
      %get3A_19 = arith.constant 0 : index
      %get3A_20 = arith.constant 0 : index
      %get3A_21 = vector.load %arg18[%get3A_18, %get3A_19, %get3A_20] : memref<64x16x512xf32, #tpu.memory_space<vmem>>, vector<64x16x512xf32>
      %reshape3A_22 = vector.shape_cast %get3A_21 : vector<64x16x512xf32> to vector<1024x512xf32>
      %get3A_23 = arith.constant 0 : index
      %get3A_24 = arith.constant 0 : index
      %get3A_25 = vector.load %arg6[%get3A_23, %get3A_24] : memref<512x512xf32, #tpu.memory_space<vmem>>, vector<512x512xf32>
      %dot_general3A_26 = arith.constant dense<0.000000e+00> : vector<1024x512xf32>
      %dot_general3A_27 = tpu.matmul %reshape3A_22, %get3A_25, %dot_general3A_26 {dimension_numbers = #tpu.dot_dimension_numbers<[1], [1], [0], [0], [0, 0, 1, 0], [], []>, transpose_lhs_hint = false} : vector<1024x512xf32>, vector<512x512xf32>, vector<1024x512xf32> -> vector<1024x512xf32>
      %add3A = arith.addf %dot_general3A_17, %dot_general3A_27 : vector<1024x512xf32>
      %gt3A = arith.constant 0.000000e+00 : f32
      %gt3A_28 = vector.broadcast %gt3A : f32 to vector<1024x512xf32>
      %gt3A_29 = arith.cmpf ogt, %add3A, %gt3A_28 : vector<1024x512xf32>
      %mul3A = arith.constant 0.00999999977 : f32
      %mul3A_30 = vector.broadcast %mul3A : f32 to vector<1024x512xf32>
      %mul3A_31 = arith.mulf %mul3A_30, %add3A : vector<1024x512xf32>
      %select_n3A = arith.select %gt3A_29, %add3A, %mul3A_31 : vector<1024x512xi1>, vector<1024x512xf32>
      %mul3A_32 = arith.mulf %select_n3A, %select_n3A : vector<1024x512xf32>
      %reduce_sum3A = arith.constant dense<0.000000e+00> : vector<1024xf32>
      %reduce_sum3A_33 = vector.multi_reduction <add>, %mul3A_32, %reduce_sum3A [1] : vector<1024x512xf32> to vector<1024xf32>
      %broadcast_in_dim3A = vector.shape_cast %reduce_sum3A_33 : vector<1024xf32> to vector<1024x1xf32>
      %max3A = arith.constant 1.000000e-24 : f32
      %max3A_34 = vector.broadcast %max3A : f32 to vector<1024x1xf32>
      %max3A_35 = arith.maximumf %broadcast_in_dim3A, %max3A_34 : vector<1024x1xf32>
      %rsqrt3A = math.rsqrt %max3A_35 : vector<1024x1xf32>
      %mul3A_36 = vector.broadcast %rsqrt3A : vector<1024x1xf32> to vector<1024x512xf32>
      %mul3A_37 = arith.mulf %select_n3A, %mul3A_36 : vector<1024x512xf32>
      %get3A_38 = arith.constant 0 : index
      %get3A_39 = arith.constant 0 : index
      %get3A_40 = vector.load %arg8[%get3A_38, %get3A_39] : memref<512x512xf32, #tpu.memory_space<vmem>>, vector<512x512xf32>
      %dot_general3A_41 = arith.constant dense<0.000000e+00> : vector<1024x512xf32>
      %dot_general3A_42 = tpu.matmul %mul3A_37, %get3A_40, %dot_general3A_41 {dimension_numbers = #tpu.dot_dimension_numbers<[1], [1], [0], [0], [0, 0, 1, 0], [], []>, transpose_lhs_hint = false} : vector<1024x512xf32>, vector<512x512xf32>, vector<1024x512xf32> -> vector<1024x512xf32>
      %get3A_43 = arith.constant 0 : index
      %get3A_44 = arith.constant 0 : index
      %get3A_45 = vector.load %arg9[%get3A_43, %get3A_44] : memref<1x512xf32, #tpu.memory_space<vmem>>, vector<1x512xf32>
      %add3A_46 = vector.broadcast %get3A_45 : vector<1x512xf32> to vector<1024x512xf32>
      %add3A_47 = arith.addf %dot_general3A_42, %add3A_46 : vector<1024x512xf32>
      %get3A_48 = arith.constant 0 : index
      %get3A_49 = arith.constant 0 : index
      %get3A_50 = vector.load %arg10[%get3A_48, %get3A_49] : memref<1024x1024xf32, #tpu.memory_space<vmem>>, vector<1024x1024xf32>
      %dot_general3A_51 = arith.constant dense<0.000000e+00> : vector<1024x512xf32>
      %dot_general3A_52 = tpu.matmul %get3A_50, %add3A_47, %dot_general3A_51 {dimension_numbers = #tpu.dot_dimension_numbers<[1], [0], [0], [1], [0, 0, 1, 1], [], []>, transpose_lhs_hint = false} : vector<1024x1024xf32>, vector<1024x512xf32>, vector<1024x512xf32> -> vector<1024x512xf32>
      %swap3A = arith.constant 0 : index
      %swap3A_53 = arith.constant 0 : index
      %swap3A_54 = vector.load %arg11[%swap3A, %swap3A_53] : memref<1024x512xf32, #tpu.memory_space<vmem>>, vector<1024x512xf32>
      tpu.vector_store %arg11[%swap3A, %swap3A_53], %dot_general3A_52 {strides = array<i32>} : memref<1024x512xf32, #tpu.memory_space<vmem>>, vector<1024x512xf32>,
      %get3A_55 = arith.constant 0 : index
      %get3A_56 = arith.constant 0 : index
      %get3A_57 = vector.load %arg7[%get3A_55, %get3A_56] : memref<512x1024xf32, #tpu.memory_space<vmem>>, vector<512x1024xf32>
      %dot_general3A_58 = arith.constant dense<0.000000e+00> : vector<1024x1024xf32>
      %dot_general3A_59 = tpu.matmul %mul3A_37, %get3A_57, %dot_general3A_58 {dimension_numbers = #tpu.dot_dimension_numbers<[1], [0], [0], [1], [0, 0, 1, 1], [], []>, transpose_lhs_hint = false} : vector<1024x512xf32>, vector<512x1024xf32>, vector<1024x1024xf32> -> vector<1024x1024xf32>
      %get3A_60 = arith.constant 0 : index
      %get3A_61 = arith.constant 0 : index
      %get3A_62 = vector.load %arg10[%get3A_60, %get3A_61] : memref<1024x1024xf32, #tpu.memory_space<vmem>>, vector<1024x1024xf32>
      %dot_general3A_63 = arith.constant dense<0.000000e+00> : vector<1024x1024xf32>
      %dot_general3A_64 = tpu.matmul %get3A_62, %dot_general3A_59, %dot_general3A_63 {dimension_numbers = #tpu.dot_dimension_numbers<[1], [0], [0], [1], [0, 0, 1, 1], [], []>, transpose_lhs_hint = false} : vector<1024x1024xf32>, vector<1024x1024xf32>, vector<1024x1024xf32> -> vector<1024x1024xf32>
      %swap3A_65 = arith.constant 0 : index
      %swap3A_66 = arith.constant 0 : index
      %swap3A_67 = vector.load %arg12[%swap3A_65, %swap3A_66] : memref<1024x1024xf32, #tpu.memory_space<vmem>>, vector<1024x1024xf32>
      tpu.vector_store %arg12[%swap3A_65, %swap3A_66], %dot_general3A_64 {strides = array<i32>} : memref<1024x1024xf32, #tpu.memory_space<vmem>>, vector<1024x1024xf32>,
    } else {
    }
    return
  }
  func.func @transform_0(%arg0: i32) -> (i32, i32, i32) {
    %min3A = arith.constant 63 : i32
    %min3A_0 = arith.minsi %arg0, %min3A : i32
    %c0_i32 = arith.constant 0 : i32
    %c0_i32_1 = arith.constant 0 : i32
    %c0_i32_2 = arith.constant 0 : i32
    return %min3A_0, %c0_i32, %c0_i32_1 : i32, i32, i32
  }
  func.func @transform_1(%arg0: i32) -> (i32, i32, i32) {
    %sub3A = arith.constant 63 : i32
    %sub3A_0 = arith.subi %sub3A, %arg0 : i32
    %max3A = arith.constant 0 : i32
    %max3A_1 = arith.maxsi %sub3A_0, %max3A : i32
    %c0_i32 = arith.constant 0 : i32
    %c0_i32_2 = arith.constant 0 : i32
    %c0_i32_3 = arith.constant 0 : i32
    return %max3A_1, %c0_i32, %c0_i32_2 : i32, i32, i32
  }
  func.func @transform_2(%arg0: i32) -> (i32, i32) {
    %c0_i32 = arith.constant 0 : i32
    %c0_i32_0 = arith.constant 0 : i32
    %c0_i32_1 = arith.constant 0 : i32
    return %c0_i32, %c0_i32_0 : i32, i32
  }
  func.func @transform_3(%arg0: i32) -> (i32, i32) {
    %c0_i32 = arith.constant 0 : i32
    %c0_i32_0 = arith.constant 0 : i32
    %c0_i32_1 = arith.constant 0 : i32
    return %c0_i32, %c0_i32_0 : i32, i32
  }
  func.func @transform_4(%arg0: i32) -> (i32, i32) {
    %c0_i32 = arith.constant 0 : i32
    %c0_i32_0 = arith.constant 0 : i32
    %c0_i32_1 = arith.constant 0 : i32
    return %c0_i32, %c0_i32_0 : i32, i32
  }
  func.func @transform_5(%arg0: i32) -> (i32, i32) {
    %c0_i32 = arith.constant 0 : i32
    %c0_i32_0 = arith.constant 0 : i32
    %c0_i32_1 = arith.constant 0 : i32
    return %c0_i32, %c0_i32_0 : i32, i32
  }
  func.func @transform_6(%arg0: i32) -> (i32, i32) {
    %c0_i32 = arith.constant 0 : i32
    %c0_i32_0 = arith.constant 0 : i32
    %c0_i32_1 = arith.constant 0 : i32
    return %c0_i32, %c0_i32_0 : i32, i32
  }
  func.func @transform_7(%arg0: i32) -> (i32, i32) {
    %c0_i32 = arith.constant 0 : i32
    %c0_i32_0 = arith.constant 0 : i32
    %c0_i32_1 = arith.constant 0 : i32
    return %c0_i32, %c0_i32_0 : i32, i32
  }
  func.func @transform_8(%arg0: i32) -> (i32, i32) {
    %c0_i32 = arith.constant 0 : i32
    %c0_i32_0 = arith.constant 0 : i32
    %c0_i32_1 = arith.constant 0 : i32
    return %c0_i32, %c0_i32_0 : i32, i32
  }
  func.func @transform_9(%arg0: i32) -> (i32, i32) {
    %c0_i32 = arith.constant 0 : i32
    %c0_i32_0 = arith.constant 0 : i32
    %c0_i32_1 = arith.constant 0 : i32
    return %c0_i32, %c0_i32_0 : i32, i32
  }
  func.func @transform_10(%arg0: i32) -> (i32, i32) {
    %c0_i32 = arith.constant 0 : i32
    %c0_i32_0 = arith.constant 0 : i32
    %c0_i32_1 = arith.constant 0 : i32
    return %c0_i32, %c0_i32_0 : i32, i32
  }
  func.func @transform_11(%arg0: i32) -> (i32, i32) {
    %c0_i32 = arith.constant 0 : i32
    %c0_i32_0 = arith.constant 0 : i32
    %c0_i32_1 = arith.constant 0 : i32
    return %c0_i32, %c0_i32_0 : i32, i32
  }
}

module attributes {stable_mosaic.version = 14 : i64} {
  func.func @_tail_body(%arg0: memref<1008x1024xf32, #tpu.memory_space<vmem>>, %arg1: memref<1024x512xf32, #tpu.memory_space<vmem>>, %arg2: memref<512x512xf32, #tpu.memory_space<vmem>>, %arg3: memref<1x512xf32, #tpu.memory_space<vmem>>, %arg4: memref<1008x512xf32, #tpu.memory_space<vmem>>) attributes {dimension_semantics = [], scalar_prefetch = 0 : i64, scratch_operands = 0 : i64, tpu.core_type = #tpu.core_type<tc>} {
    %get3A = arith.constant 0 : index
    %get3A_0 = arith.constant 0 : index
    %get3A_1 = vector.load %arg0[%get3A, %get3A_0] : memref<1008x1024xf32, #tpu.memory_space<vmem>>, vector<1008x1024xf32>
    %get3A_2 = arith.constant 0 : index
    %get3A_3 = arith.constant 0 : index
    %get3A_4 = vector.load %arg1[%get3A_2, %get3A_3] : memref<1024x512xf32, #tpu.memory_space<vmem>>, vector<1024x512xf32>
    %dot_general3A = arith.constant dense<0.000000e+00> : vector<1008x512xf32>
    %dot_general3A_5 = tpu.matmul %get3A_1, %get3A_4, %dot_general3A {dimension_numbers = #tpu.dot_dimension_numbers<[1], [0], [0], [1], [0, 0, 1, 1], [], []>, transpose_lhs_hint = false} : vector<1008x1024xf32>, vector<1024x512xf32>, vector<1008x512xf32> -> vector<1008x512xf32>
    %mul3A = arith.mulf %get3A_1, %get3A_1 : vector<1008x1024xf32>
    %reduce_sum3A = arith.constant dense<0.000000e+00> : vector<1008xf32>
    %reduce_sum3A_6 = vector.multi_reduction <add>, %mul3A, %reduce_sum3A [1] : vector<1008x1024xf32> to vector<1008xf32>
    %broadcast_in_dim3A = vector.shape_cast %reduce_sum3A_6 : vector<1008xf32> to vector<1008x1xf32>
    %mul3A_7 = arith.constant 0.001953125 : f32
    %mul3A_8 = vector.broadcast %mul3A_7 : f32 to vector<1008x1xf32>
    %mul3A_9 = arith.mulf %broadcast_in_dim3A, %mul3A_8 : vector<1008x1xf32>
    %max3A = arith.constant 1.000000e-24 : f32
    %max3A_10 = vector.broadcast %max3A : f32 to vector<1008x1xf32>
    %max3A_11 = arith.maximumf %mul3A_9, %max3A_10 : vector<1008x1xf32>
    %rsqrt3A = math.rsqrt %max3A_11 : vector<1008x1xf32>
    %mul3A_12 = vector.broadcast %rsqrt3A : vector<1008x1xf32> to vector<1008x512xf32>
    %mul3A_13 = arith.mulf %dot_general3A_5, %mul3A_12 : vector<1008x512xf32>
    %get3A_14 = arith.constant 0 : index
    %get3A_15 = arith.constant 0 : index
    %get3A_16 = vector.load %arg2[%get3A_14, %get3A_15] : memref<512x512xf32, #tpu.memory_space<vmem>>, vector<512x512xf32>
    %dot_general3A_17 = arith.constant dense<0.000000e+00> : vector<1008x512xf32>
    %dot_general3A_18 = tpu.matmul %mul3A_13, %get3A_16, %dot_general3A_17 {dimension_numbers = #tpu.dot_dimension_numbers<[1], [1], [0], [0], [0, 0, 1, 0], [], []>, transpose_lhs_hint = false} : vector<1008x512xf32>, vector<512x512xf32>, vector<1008x512xf32> -> vector<1008x512xf32>
    %get3A_19 = arith.constant 0 : index
    %get3A_20 = arith.constant 0 : index
    %get3A_21 = vector.load %arg3[%get3A_19, %get3A_20] : memref<1x512xf32, #tpu.memory_space<vmem>>, vector<1x512xf32>
    %add3A = vector.broadcast %get3A_21 : vector<1x512xf32> to vector<1008x512xf32>
    %add3A_22 = arith.addf %dot_general3A_18, %add3A : vector<1008x512xf32>
    %swap3A = arith.constant 0 : index
    %swap3A_23 = arith.constant 0 : index
    %swap3A_24 = vector.load %arg4[%swap3A, %swap3A_23] : memref<1008x512xf32, #tpu.memory_space<vmem>>, vector<1008x512xf32>
    tpu.vector_store %arg4[%swap3A, %swap3A_23], %add3A_22 {strides = array<i32>} : memref<1008x512xf32, #tpu.memory_space<vmem>>, vector<1008x512xf32>,
    return
  }
}

</mosaic_0001>

<sc_bundles>
// kernel: kernel.6.cloned.1.call-start
scs
__scs_entry_jumppad:
0x0: {  	(pc) =	sbr.rel $0x88, $3  }
0x1: {  	(tag) =	ssettag $0x0;
	lr =	simm.s32 $0x1  }
0x2: {  	[smem:$0x3F93] =	sst lr;
	_ =	strace $0xD0000000  }
0x3: {  	_ = 	snop  }
0x4: {  	_ = 	snop  }
0x5: {  	_ = 	snop  }
0x6: {  	_ = 	snop  }
0x7: {  	_ = 	snop  }
__scs_overlays_trampoline_lowered:
0x8: {  	[smem:$0x3FA2] =	sst s0  }
0x9: {  	[smem:$0x3FA3] =	sst s1  }
0xa: {  	[smem:$0x3FA4] =	sst s2  }
0xb: {  	[smem:$0x3FA5] =	sst s3  }
0xc: {  	[smem:$0x3FA6] =	sst s4  }
0xd: {  	[smem:$0x3FA7] =	sst s5  }
0xe: {  	[smem:$0x3FA8] =	sst s6  }
0xf: {  	[smem:$0x3FA9] =	sst s7  }
0x10: {  	[smem:$0x3FAA] =	sst s8  }
0x11: {  	[smem:$0x3FAB] =	sst s9;
	s0 =	simm.s32 @!p0 $0x0  }
0x12: {  	s1 =	sld [smem:$0x3F91];
	s0 =	simm.s32 @p0 $0x1  }
0x13: {  	[smem:$0x3FAC] =	sst s0;
	s0 =	simm.s32 @!p1 $0x0  }
0x14: {  	s2 =	sld [smem:$0x3F90];
	s0 =	simm.s32 @p1 $0x1  }
0x15: {  	[smem:$0x3FAD] =	sst s0;
	s0 =	simm.s32 @!p2 $0x0  }
0x16: {  	s3 =	sld [smem:$0x3FDB];
	s0 =	simm.s32 @p2 $0x1  }
0x17: {  	s4 =	simm.s32 $0x1BF5;
	[smem:$0x3FAF] =	sst s0  }
0x18: {  	s0 =	sld [smem:$0x3F92];
	_ =	swait.ge [sflag:s4], $0x0  }
0x19: {  	s7 =	sld [smem:$0x3F93]  }
0x1a: {  	s8 =	sadd.s32 $0xFFFFE003, lr  }
0x1b: {  	s9 =	sadd.s32 $0xFFFFFEF7, lr;
	s5 =	simm.s32 $0xFFFFFFFF;
	p2 =	slt.u32 s8, $0xFFFFF086  }
0x1c: {  	p1 =	slt.u32 s9, $0xF7A;
	s5 =	simm.s32 @!p2 $0x0  }
0x1d: {  	s5 =	simm.s32 @p1 $0x1;
	p0 =	seq.s32 s7, s2  }
0x1e: {  	s7 =	smul.u32 @!p0 $0xF7A, s2;
	p2 =	seq.s32 @!p0 s5, $0x0  }
0x1f: {  	s9 =	smul.u32 $0xF7A, s1;
	s8 =	simm.s32 @!p0 $0x1BF5;
	p2 =	por !p2, p0  }
0x20: {  	[sflag:s8] =	ssyncset.s32 @!p0 $0xFFFFF086;
	s6 =	sadd.s32 @!p0 s3, s7;
	s7 =	simm.s32 @!p0 $0x108  }
0x21: {  	s3 =	sadd.s32 s3, s9;
	s6 =	sadd.s32 @!p0 $0x88, s6;
	s7 =	simm.s32 @p2 $0x1082  }
0x22: {  	[simem:s7], [sflag:s8] =	dma.local @!p0 [hbm:s6], $0xF7A  }
0x23: {  	s9 =	sor.u32 $0xD0000000, s2;
	s6 =	simm.s32 $0x108;
	_ =	swait.ge @!p0 [sflag:s8], $0x0  }
0x24: {  	s3 =	sadd.s32 $0x88, s3;
	s6 =	simm.s32 @!p1 $0x1082;
	[sflag:s4] =	ssyncset.s32 $0xFFFFF086  }
0x25: {  	[simem:s6], [sflag:s4] =	dma.local [hbm:s3], $0xF7A  }
0x26: {  	[smem:$0x3F93] =	sst s1;
	(tag) =	ssettag s2;
	_ =	strace s9  }
0x27: {  	s1 =	sld [smem:$0x3FA3]  }
0x28: {  	s2 =	sld [smem:$0x3FA4]  }
0x29: {  	s4 =	sld [smem:$0x3FA6]  }
0x2a: {  	p0 =	seq.s32 s5, $0x0;
	s5 =	sld [smem:$0x3FA7]  }
0x2b: {  	s6 =	sld [smem:$0x3FA8]  }
0x2c: {  	s7 =	sld [smem:$0x3FA9]  }
0x2d: {  	s3 =	simm.s32 $0x108;
	s8 =	sld [smem:$0x3FAA]  }
0x2e: {  	s3 =	simm.s32 @!p0 $0x1082;
	s9 =	sld [smem:$0x3FAB]  }
0x2f: {  	lr =	sadd.s32 s0, s3;
	s0 =	sld [smem:$0x3FA2]  }
0x30: {  	s3 =	sld [smem:$0x3FA5]  }
0x31: {  	[smem:$0x3FAE] =	sst s10  }
0x32: {  	s10 =	sld [smem:$0x3FAC];
	_ =	sdelay $0x3  }
0x33: {  	p0 =	seq.s32 s10, $0x1;
	s10 =	sld [smem:$0x3FAE];
	_ =	sdelay $0x3  }
0x34: {  	[smem:$0x3FAE] =	sst s10  }
0x35: {  	s10 =	sld [smem:$0x3FAD];
	_ =	sdelay $0x3  }
0x36: {  	p1 =	seq.s32 s10, $0x1;
	s10 =	sld [smem:$0x3FAE];
	_ =	sdelay $0x3  }
0x37: {  	[smem:$0x3FAE] =	sst s10  }
0x38: {  	s10 =	sld [smem:$0x3FAF]  }
0x39: {  	_ = 	snop;
	(pc) =	sbr.ind lr, $3  }
0x3a: {  	_ = 	snop  }
0x3b: {  	_ = 	snop  }
0x3c: {  	p2 =	seq.s32 s10, $0x1;
	s10 =	sld [smem:$0x3FAE]  }
0x3d: {  	_ =	shalt  }
0x3e: {  	_ =	shalt  }
0x3f: {  	_ =	shalt  }
0x40: {  	_ =	shalt  }
0x41: {  	_ =	shalt  }
0x42: {  	_ =	shalt  }
0x43: {  	_ =	shalt  }
0x44: {  	_ =	shalt  }
0x45: {  	_ =	shalt  }
0x46: {  	_ =	shalt  }
0x47: {  	_ =	shalt  }
0x48: {  	_ =	shalt  }
0x49: {  	_ =	shalt  }
0x4a: {  	_ =	shalt  }
0x4b: {  	_ =	shalt  }
0x4c: {  	_ =	shalt  }
0x4d: {  	_ =	shalt  }
0x4e: {  	_ =	shalt  }
0x4f: {  	_ =	shalt  }
0x50: {  	_ =	shalt  }
0x51: {  	_ =	shalt  }
0x52: {  	_ =	shalt  }
0x53: {  	_ =	shalt  }
0x54: {  	_ =	shalt  }
0x55: {  	_ =	shalt  }
0x56: {  	_ =	shalt  }
0x57: {  	_ =	shalt  }
0x58: {  	_ =	shalt  }
0x59: {  	_ =	shalt  }
0x5a: {  	_ =	shalt  }
0x5b: {  	_ =	shalt  }
0x5c: {  	_ =	shalt  }
0x5d: {  	_ =	shalt  }
0x5e: {  	_ =	shalt  }
0x5f: {  	_ =	shalt  }
0x60: {  	_ =	shalt  }
0x61: {  	_ =	shalt  }
0x62: {  	_ =	shalt  }
0x63: {  	_ =	shalt  }
0x64: {  	_ =	shalt  }
0x65: {  	_ =	shalt  }
0x66: {  	_ =	shalt  }
0x67: {  	_ =	shalt  }
0x68: {  	_ =	shalt  }
0x69: {  	_ =	shalt  }
0x6a: {  	_ =	shalt  }
0x6b: {  	_ =	shalt  }
0x6c: {  	_ =	shalt  }
0x6d: {  	_ =	shalt  }
0x6e: {  	_ =	shalt  }
0x6f: {  	_ =	shalt  }
0x70: {  	_ =	shalt  }
0x71: {  	_ =	shalt  }
0x72: {  	_ =	shalt  }
0x73: {  	_ =	shalt  }
0x74: {  	_ =	shalt  }
0x75: {  	_ =	shalt  }
0x76: {  	_ =	shalt  }
0x77: {  	_ =	shalt  }
0x78: {  	_ =	shalt  }
0x79: {  	_ =	shalt  }
0x7a: {  	_ =	shalt  }
0x7b: {  	_ =	shalt  }
0x7c: {  	_ =	shalt  }
0x7d: {  	_ =	shalt  }
0x7e: {  	_ =	shalt  }
0x7f: {  	_ =	shalt  }
0x80: {  	_ =	shalt  }
0x81: {  	_ =	shalt  }
0x82: {  	_ =	shalt  }
0x83: {  	_ =	shalt  }
0x84: {  	_ =	shalt  }
0x85: {  	_ =	shalt  }
0x86: {  	_ =	shalt  }
0x87: {  	_ =	shalt  }
.Lfunc_end0:
.L_simem_size_0:
called_computation_lowered:
.L_overlay_start_0:
0x88: {  	s2 =	sld [smem:$0x3FD9]  }
0x89: {  	s3 =	sld [smem:$0x3FFE];
	_ =	sdelay $0x1  }
0x8a: {  	s1 =	srdreg.scid  }
0x8b: {  	s0 =	sand.u32 $0x1, s1  }
0x8c: {  	s16 =	sshll.u32 s0, $0xA;
	s2 =	sadd.s32 s3, s2  }
0x8d: {  	s2 =	sadd.s32 s2, s16  }
0x8e: {  	[smem:$0x3FBA] =	sst s2  }
0x8f: {  	_ = 	snop  }
0x90: {  	(tm) =	ssettm $0x1  }
0x91: {  	s17 =	sld [smem:$0x3FFB];
	_ =	sdelay $0x3  }
0x92: {  	_ =	strace s17  }
0x93: {  	s2 =	sld [smem:$0x3FFC];
	_ =	sdelay $0x3  }
0x94: {  	_ =	strace s2  }
0x95: {  	s2 =	sld [smem:$0x3FFD];
	_ =	sdelay $0x3  }
0x96: {  	_ =	strace s2  }
0x97: {  	_ =	strace $0x8FFFFFFF  }
0x98: {  	s18 =	sld [smem:$0x3FDB];
	_ =	sdelay $0x1  }
0x99: {  	s19 =	simm.s32 $_scs_section_size  }
0x9a: {  	s4 =	simm.s32 $_size__tile_overlayer_lowered;
	s5 =	simm.s32 $_tile_overlayer_lowered  }
0x9b: {  	s22 =	simm.s32 $0x1BFF;
	s21 =	sshll.u32 s5, $0x1;
	s2 =	sadd.s32 s19, s18  }
0x9c: {  	s6 =	simm.s32 $0x0;
	s20 =	sshll.u32 s4, $0x1;
	s4 =	sadd.s32 s21, s2  }
0x9d: {  	[timem:s6], [sflag:s22] =	dma.local [hbm:s4], s20  }
0x9e: {  	_ =	swait.ge [sflag:s22], s20  }
0x9f: {  	s3 =	ssub.s32 $0x0, s20;
	[sflag:s22] =	ssyncset.done $0x0  }
0xa0: {  	[sflag:s22] =	ssyncadd.s32 s3;
	_ =	sdelay $0x1  }
0xa1: {  	s23 =	simm.s32 $0x1B8B  }
0xa2: {  	_ =	swait.ge [sflag:s23], $0x1  }
0xa3: {  	[sflag:s23] =	ssyncset.done $0x0  }
0xa4: {  	s25 =	simm.s32 $0x1B8E;
	s24 =	sld [smem:$0x3FFE];
	[sflag:s23] =	ssyncadd.s32 $0xFFFFFFFF  }
0xa5: {  	s26 =	simm.s32 $execute0_lowered;
	[smem:$0x3FD2] =	sst s25  }
0xa6: {  	s4 =	sshll.u32 s26, $0x1;
	_ =	strace $0x80000046;
	[dreg:$0x1] =	wrdreg $0xFFFFFFFF  }
0xa7: {  	s28 =	simm.s32 $_size_execute0_lowered;
	s2 =	sadd.s32 s2, s4;
	[dreg:$0x0] =	wrdreg $0x0  }
0xa8: {  	s4 =	sshll.u32 s28, $0x1;
	[dreg:$0x2] =	wrdreg s2  }
0xa9: {  	[dreg:$0x3] =	wrdreg s4  }
0xaa: {  	[dreg:$0x4] =	wrdreg $0xC0  }
0xab: {  	_ =	task [dreg:s6], $0x5FFFF  }
0xac: {  	[dreg:$0x1] =	wrdreg $0xFFFFFFFF  }
0xad: {  	[dreg:$0x0] =	wrdreg $0x60  }
0xae: {  	[dreg:$0x2] =	wrdreg s24  }
0xaf: {  	[dreg:$0x3] =	wrdreg $0x9  }
0xb0: {  	_ =	task.clear_ibuf [dreg:s6], $0x4FFFF;
	_ =	strace $0x90000046  }
0xb1: {  	s29 =	simm.s32 $0x9;
	_ =	strace $0x80000048  }
0xb2: {  	_ =	swait.ge [sflag:s29], $0x1  }
0xb3: {  	[sflag:s29] =	ssyncadd.s32 $0xFFFFFFFF  }
0xb4: {  	_ =	strace $0x90000048  }
0xb5: {  	_ =	sfence  }
0xb6: {  	s30 =	sld [smem:$0x0];
	_ =	sdelay $0x2  }
0xb7: {  	s31 =	sshll.u32 s1, $0xD;
	s1 =	sshrl.u32 s1, $0x2  }
0xb8: {  	s3 =	sand.u32 $0x4000, s31;
	s1 =	sadd.s32 s1, s30  }
0xb9: {  	s0 =	sor.u32 s3, s0;
	s1 =	sshll.u32 s1, $0x11  }
0xba: {  	s0 =	sor.u32 s1, s0  }
0xbb: {  	s0 =	sadd.s32 $0x8F2B, s0  }
0xbc: {  	[sflag:s0] =	ssyncadd.remote.s32 $0x1  }
0xbd: {  	_ =	sfence.sel $0xFFFF  }
0xbe: {  	[dreg:$0x0] =	wrdreg $0xFFFFFFFF;
	(pc) =	sbr.abs _section_cstart, $3  }
0xbf: {  	[dreg:$0x1] =	wrdreg $0xFFFFFFFF  }
0xc0: {  	_ =	task.clear_ibuf [dreg:s6], $0x2FFFF;
	_ =	strace $0x9FFFFFFF  }
0xc1: {  	(tm) =	ssettm $0x7FFFFFFF  }
tec
execute0_lowered:
.L_overlay_start_1:
0x0: {  	(tag) =	ssettag $0x1  }
0x1: {  	s1 =	stileid.u32  }
0x2: {  	p0 =	sgt.u32 s1, $0x7  }
.Ltmp0:
0x3: {  	_ = 	snop;
	(pc) =	sbr.rel @p0 .LBB2_5-.Ltmp0, $4  }
0x4: {  	_ = 	snop  }
0x5: {  	s3 =	rddreg [dreg:$0x0];
	s2 =	simm.s32 $0x0  }
0x6: {  	[smem:$0x7FF] =	sst s2  }
0x7: {  	s0 =	rddreg [dreg:$0x1];
	_ =	strace $0x80000047  }
0x8: {  	s4 =	srdreg.scid  }
0x9: {  	s5 =	sshrl.u32 s1, $0x2;
	s6 =	sshll.u32 s1, $0x8;
	s26 =	sadd.s32 $0x2A00, s3  }
0xa: {  	s9 =	simm.s32 $0x0;
	s4 =	sand.u32 $0x1, s4;
	s6 =	sand.u32 $0x300, s6  }
0xb: {  	s8 =	smul.u32 $0x7E000, s5;
	s7 =	sshll.u32 s4, $0x7;
	s4 =	ssub.s32 $0x2, s4  }
0xc: {  	s5 =	sshll.u32 s5, $0x13;
	s6 =	sor.u32 s7, s6;
	s29 =	sshrl.u32 s4, $0x1  }
0xd: {  	s7 =	simm.s32 $0x400;
	s8 =	sor.u32 s8, s6;
	s5 =	sor.u32 s5, s6  }
0xe: {  	s30 =	ssub.s32 s4, s29;
	s6 =	simm.s32 $0x80;
	s8 =	sshrl.u32 s8, $0x3  }
0xf: {  	s31 =	sshrl.u32 s5, $0x3;
	s5 =	smax.u32 s30, $0x1;
	s28 =	sadd.s32 s8, s3  }
0x10: {  	s4 =	sadd.s32 s26, s31;
	s8 =	simm.s32 $0x1;
	s3 =	sadd.s32 $0x22A00, s28  }
.LBB2_2:
0x11: {  	s10 =	simm.s32 $0x0  }
0x12: {  	[tilespmem:s10], [sflag:$0x1] =	stream.strided.gather [hbm4b:s4+s6], $0x10000, s7, s6, $0x38;
	[tilespmem:$0x10000] =	vst v63  }
0x13: {  	_ =	swait.ge [sflag:s8], $0x10000  }
0x14: {  	[sflag:s8] =	ssyncset.done $0x0  }
0x15: {  	[sflag:s8] =	ssyncadd.s32 $0xFFFF0000  }
0x16: {  	v2 =	vld [tilespmem:$0x0]  }
0x17: {  	v4 =	vld [tilespmem:$0x200]  }
0x18: {  	v8 =	vld [tilespmem:$0x400]  }
0x19: {  	v10 =	vld [tilespmem:$0x600]  }
0x1a: {  	v11 =	vld [tilespmem:$0x10]  }
0x1b: {  	v15 =	vld [tilespmem:$0x210]  }
0x1c: {  	v17 =	vld [tilespmem:$0x410]  }
0x1d: {  	v21 =	vld [tilespmem:$0x610]  }
0x1e: {  	v22 =	vld [tilespmem:$0x20]  }
0x1f: {  	v26 =	vld [tilespmem:$0x220]  }
0x20: {  	v28 =	vld [tilespmem:$0x420]  }
0x21: {  	v30 =	vld [tilespmem:$0x620]  }
0x22: {  	v33 =	vld [tilespmem:$0x30]  }
0x23: {  	v36 =	vld [tilespmem:$0x230]  }
0x24: {  	v37 =	vld [tilespmem:$0x430]  }
0x25: {  	v42 =	vld [tilespmem:$0x630]  }
0x26: {  	v43 =	vld [tilespmem:$0x40]  }
0x27: {  	v47 =	vld [tilespmem:$0x240]  }
0x28: {  	v48 =	vld [tilespmem:$0x440]  }
0x29: {  	v49 =	vld [tilespmem:$0x640]  }
0x2a: {  	v50 =	vld [tilespmem:$0x50]  }
0x2b: {  	v51 =	vld [tilespmem:$0x250]  }
0x2c: {  	v52 =	vld [tilespmem:$0x450]  }
0x2d: {  	v0 =	vld [tilespmem:$0xF0]  }
0x2e: {  	v53 =	vld [tilespmem:$0x650]  }
0x2f: {  	v54 =	vld [tilespmem:$0x60]  }
0x30: {  	v55 =	vld [tilespmem:$0x260]  }
0x31: {  	v56 =	vld [tilespmem:$0x460]  }
0x32: {  	[tilespmem:$0x1FF40] =	vst v0;
	v0 =	vld [tilespmem:$0x2F0]  }
0x33: {  	v57 =	vld [tilespmem:$0x660]  }
0x34: {  	v58 =	vld [tilespmem:$0x70]  }
0x35: {  	v59 =	vld [tilespmem:$0x270]  }
0x36: {  	v60 =	vld [tilespmem:$0x470]  }
0x37: {  	[tilespmem:$0x1FF60] =	vst v0;
	v0 =	vld [tilespmem:$0x4F0]  }
0x38: {  	v61 =	vld [tilespmem:$0x670]  }
0x39: {  	v62 =	vld [tilespmem:$0x80]  }
0x3a: {  	v63 =	vld [tilespmem:$0x280]  }
0x3b: {  	v5 =	vld [tilespmem:$0x480]  }
0x3c: {  	[tilespmem:$0x1FF50] =	vst v0;
	v0 =	vld [tilespmem:$0x100]  }
0x3d: {  	v3 =	vld [tilespmem:$0x680]  }
0x3e: {  	v9 =	vld [tilespmem:$0x90]  }
0x3f: {  	v12 =	vld [tilespmem:$0x290]  }
0x40: {  	v7 =	vld [tilespmem:$0x490]  }
0x41: {  	[tilespmem:$0x1FF70] =	vst v0;
	v0 =	vld [tilespmem:$0x300]  }
0x42: {  	v6 =	vld [tilespmem:$0x690]  }
0x43: {  	v44 =	vld [tilespmem:$0xA0]  }
0x44: {  	v45 =	vld [tilespmem:$0x2A0]  }
0x45: {  	v46 =	vld [tilespmem:$0x4A0]  }
0x46: {  	[tilespmem:$0x1FF90] =	vst v0;
	v0 =	vld [tilespmem:$0x500]  }
0x47: {  	v13 =	vld [tilespmem:$0x6A0]  }
0x48: {  	v38 =	vld [tilespmem:$0xB0]  }
0x49: {  	v39 =	vld [tilespmem:$0x2B0]  }
0x4a: {  	v40 =	vld [tilespmem:$0x4B0]  }
0x4b: {  	[tilespmem:$0x1FF80] =	vst v0;
	v0 =	vld [tilespmem:$0x700]  }
0x4c: {  	v41 =	vld [tilespmem:$0x6B0]  }
0x4d: {  	v31 =	vld [tilespmem:$0xC0]  }
0x4e: {  	v32 =	vld [tilespmem:$0x2C0]  }
0x4f: {  	v34 =	vld [tilespmem:$0x4C0]  }
0x50: {  	[tilespmem:$0x1FFA0] =	vst v0;
	v0 =	vld [tilespmem:$0x110]  }
0x51: {  	v35 =	vld [tilespmem:$0x6C0]  }
0x52: {  	v24 =	vld [tilespmem:$0xD0]  }
0x53: {  	v25 =	vld [tilespmem:$0x2D0]  }
0x54: {  	v27 =	vld [tilespmem:$0x4D0]  }
0x55: {  	[tilespmem:$0x1FFB0] =	vst v0;
	v0 =	vld [tilespmem:$0x310]  }
0x56: {  	v29 =	vld [tilespmem:$0x6D0]  }
0x57: {  	v18 =	vld [tilespmem:$0xE0]  }
0x58: {  	v19 =	vld [tilespmem:$0x2E0]  }
0x59: {  	v20 =	vld [tilespmem:$0x4E0];
	v1 =	vmul.f32 v8, v2  }
0x5a: {  	[tilespmem:$0x1FFD0] =	vst v0;
	v0 =	vmul.f32 v10, v4;
	v10 =	vmul.f32 v10, v2;
	v2 =	vld [tilespmem:$0x710]  }
0x5b: {  	v23 =	vld [tilespmem:$0x6E0]  }
0x5c: {  	v4 =	vmul.f32 v8, v4;
	v8 =	vld [tilespmem:$0x120]  }
0x5d: {  	v16 =	vld [tilespmem:$0x6F0]  }
0x5e: {  	v14 =	vld [tilespmem:$0x510]  }
0x5f: {  	v10 =	vsub.f32 v10, v4;
	v4 =	vld [tilespmem:$0x320];
	[tilespmem:$0x1FFE0] =	vst v2;
	v2 =	vadd.f32 v0, v1;
	v1 =	vmul.f32 v17, v11  }
0x60: {  	v0 =	vmul.f32 v21, v15;
	v15 =	vmul.f32 v17, v15;
	v17 =	vld [tilespmem:$0x720]  }
0x61: {  	[tilespmem:$0x1FFF0] =	vst v8;
	v11 =	vmul.f32 v21, v11;
	v8 =	vld [tilespmem:$0x1FF40]  }
0x62: {  	[tilespmem:$0x200] =	vst v10;
	v1 =	vadd.f32 v0, v1;
	v0 =	vld [tilespmem:$0x520]  }
0x63: {  	[tilespmem:$0x0] =	vst v2;
	v2 =	vmul.f32 v28, v22;
	v10 =	vsub.f32 v11, v15;
	v11 =	vld [tilespmem:$0x130]  }
0x64: {  	v15 =	vmul.f32 v30, v22;
	v28 =	vmul.f32 v28, v26;
	v22 =	vld [tilespmem:$0x140]  }
0x65: {  	v21 =	vmul.f32 v30, v26;
	v26 =	vld [tilespmem:$0x340]  }
0x66: {  	[tilespmem:$0x210] =	vst v10;
	v10 =	vsub.f32 v15, v28;
	v15 =	vld [tilespmem:$0x330]  }
0x67: {  	v30 =	vmul.f32 v42, v36;
	[tilespmem:$0x10] =	vst v1;
	v1 =	vadd.f32 v21, v2;
	v2 =	vmul.f32 v37, v33;
	v21 =	vld [tilespmem:$0x530]  }
0x68: {  	[tilespmem:$0x1FFC0] =	vst v14;
	v33 =	vmul.f32 v42, v33;
	v37 =	vmul.f32 v37, v36;
	v28 =	vld [tilespmem:$0x730]  }
0x69: {  	v42 =	vmul.f32 v49, v47;
	v36 =	vld [tilespmem:$0x350];
	[tilespmem:$0x20] =	vst v1;
	v1 =	vadd.f32 v30, v2;
	v2 =	vmul.f32 v48, v43  }
0x6a: {  	[tilespmem:$0x220] =	vst v10;
	v10 =	vsub.f32 v33, v37;
	v43 =	vmul.f32 v49, v43;
	v48 =	vmul.f32 v48, v47;
	v30 =	vld [tilespmem:$0x540]  }
0x6b: {  	v49 =	vmul.f32 v53, v51;
	v37 =	vld [tilespmem:$0x740];
	[tilespmem:$0x30] =	vst v1;
	v1 =	vadd.f32 v42, v2;
	v2 =	vmul.f32 v52, v50  }
0x6c: {  	v33 =	vld [tilespmem:$0x150];
	[tilespmem:$0x230] =	vst v10;
	v10 =	vsub.f32 v43, v48;
	v50 =	vmul.f32 v53, v50;
	v52 =	vmul.f32 v52, v51  }
0x6d: {  	v47 =	vld [tilespmem:$0x360];
	v53 =	vmul.f32 v57, v55;
	[tilespmem:$0x40] =	vst v1;
	v1 =	vadd.f32 v49, v2;
	v2 =	vmul.f32 v56, v54  }
0x6e: {  	v42 =	vld [tilespmem:$0x550];
	[tilespmem:$0x240] =	vst v10;
	v10 =	vsub.f32 v50, v52;
	v54 =	vmul.f32 v57, v54;
	v56 =	vmul.f32 v56, v55  }
0x6f: {  	v43 =	vld [tilespmem:$0x160];
	v57 =	vmul.f32 v61, v59;
	[tilespmem:$0x50] =	vst v1;
	v1 =	vadd.f32 v53, v2;
	v2 =	vmul.f32 v60, v58  }
0x70: {  	v14 =	vmul.f32 v61, v58;
	v48 =	vld [tilespmem:$0x1FFF0];
	v52 =	vmul.f32 v60, v59;
	[tilespmem:$0x250] =	vst v10;
	v10 =	vsub.f32 v54, v56  }
0x71: {  	v51 =	vld [tilespmem:$0x5B0];
	v53 =	vmul.f32 v3, v63;
	[tilespmem:$0x60] =	vst v1;
	v1 =	vadd.f32 v57, v2;
	v2 =	vmul.f32 v5, v62  }
0x72: {  	v59 =	vld [tilespmem:$0x1FF50];
	v3 =	vmul.f32 v3, v62;
	[tilespmem:$0x260] =	vst v10;
	v10 =	vsub.f32 v14, v52;
	v5 =	vmul.f32 v5, v63  }
0x73: {  	v55 =	vmul.f32 v6, v12;
	v61 =	vld [tilespmem:$0x190];
	[tilespmem:$0x70] =	vst v1;
	v1 =	vadd.f32 v53, v2;
	v2 =	vmul.f32 v7, v9  }
0x74: {  	v50 =	vld [tilespmem:$0x5A0];
	[tilespmem:$0x270] =	vst v10;
	v3 =	vsub.f32 v3, v5;
	v5 =	vmul.f32 v6, v9;
	v6 =	vmul.f32 v7, v12  }
0x75: {  	v54 =	vld [tilespmem:$0x750];
	v7 =	vmul.f32 v13, v45;
	[tilespmem:$0x80] =	vst v1;
	v1 =	vadd.f32 v55, v2;
	v2 =	vmul.f32 v46, v44  }
0x76: {  	v56 =	vld [tilespmem:$0x570];
	[tilespmem:$0x280] =	vst v3;
	v3 =	vsub.f32 v5, v6;
	v5 =	vmul.f32 v13, v44;
	v6 =	vmul.f32 v46, v45  }
0x77: {  	v58 =	vld [tilespmem:$0x780];
	[tilespmem:$0x90] =	vst v1;
	v1 =	vadd.f32 v7, v2;
	v2 =	vmul.f32 v40, v38;
	v7 =	vmul.f32 v41, v39  }
0x78: {  	v60 =	vld [tilespmem:$0x1FF60];
	[tilespmem:$0x290] =	vst v3;
	v3 =	vsub.f32 v5, v6;
	v5 =	vmul.f32 v41, v38;
	v6 =	vmul.f32 v40, v39  }
0x79: {  	v57 =	vld [tilespmem:$0x770];
	[tilespmem:$0xA0] =	vst v1;
	v1 =	vadd.f32 v7, v2;
	v2 =	vmul.f32 v34, v31;
	v7 =	vmul.f32 v35, v32  }
0x7a: {  	v62 =	vld [tilespmem:$0x390];
	[tilespmem:$0x2A0] =	vst v3;
	v3 =	vsub.f32 v5, v6;
	v5 =	vmul.f32 v35, v31;
	v6 =	vmul.f32 v34, v32  }
0x7b: {  	v63 =	vld [tilespmem:$0x1FF70];
	[tilespmem:$0xB0] =	vst v1;
	v1 =	vadd.f32 v7, v2;
	v2 =	vmul.f32 v27, v24;
	v7 =	vmul.f32 v29, v25  }
0x7c: {  	v52 =	vld [tilespmem:$0x7B0];
	[tilespmem:$0x2B0] =	vst v3;
	v3 =	vsub.f32 v5, v6;
	v5 =	vmul.f32 v29, v24;
	v6 =	vmul.f32 v27, v25  }
0x7d: {  	v9 =	vld [tilespmem:$0x560];
	[tilespmem:$0xC0] =	vst v1;
	v1 =	vadd.f32 v7, v2;
	v2 =	vmul.f32 v20, v18;
	v7 =	vmul.f32 v23, v19  }
0x7e: {  	v10 =	vld [tilespmem:$0x760];
	[tilespmem:$0x2C0] =	vst v3;
	v3 =	vsub.f32 v5, v6;
	v5 =	vmul.f32 v23, v18;
	v6 =	vmul.f32 v20, v19  }
0x7f: {  	v34 =	vld [tilespmem:$0x1FF90];
	[tilespmem:$0xD0] =	vst v1;
	v1 =	vadd.f32 v7, v2  }
0x80: {  	v2 =	vmul.f32 v59, v8;
	[tilespmem:$0x2D0] =	vst v3;
	v3 =	vsub.f32 v5, v6;
	v5 =	vmul.f32 v16, v8;
	v8 =	vld [tilespmem:$0x1FF80]  }
0x81: {  	v44 =	vld [tilespmem:$0x1FFC0]  }
0x82: {  	v45 =	vld [tilespmem:$0x1FFD0];
	v7 =	vmul.f32 v16, v60  }
0x83: {  	v35 =	vld [tilespmem:$0x1FFA0];
	v6 =	vmul.f32 v59, v60  }
0x84: {  	v41 =	vld [tilespmem:$0x1FFB0];
	[tilespmem:$0xE0] =	vst v1;
	v1 =	vadd.f32 v7, v2  }
0x85: {  	[tilespmem:$0x2E0] =	vst v3;
	v3 =	vsub.f32 v5, v6;
	v2 =	vmul.f32 v8, v63;
	v6 =	vmul.f32 v8, v34;
	v8 =	vld [tilespmem:$0x1FFE0]  }
0x86: {  	v12 =	vld [tilespmem:$0x170]  }
0x87: {  	v53 =	vld [tilespmem:$0x1C0]  }
0x88: {  	v13 =	vld [tilespmem:$0x370];
	v7 =	vmul.f32 v35, v34  }
0x89: {  	v46 =	vld [tilespmem:$0x1A0];
	v5 =	vmul.f32 v35, v63  }
0x8a: {  	v55 =	vld [tilespmem:$0x5C0];
	[tilespmem:$0xF0] =	vst v1;
	v1 =	vadd.f32 v7, v2;
	v2 =	vmul.f32 v44, v41;
	v7 =	vmul.f32 v8, v45  }
0x8b: {  	v39 =	vld [tilespmem:$0x590];
	[tilespmem:$0x2F0] =	vst v3;
	v3 =	vsub.f32 v5, v6;
	v6 =	vmul.f32 v44, v45;
	v5 =	vmul.f32 v8, v41  }
0x8c: {  	v40 =	vld [tilespmem:$0x790];
	[tilespmem:$0x100] =	vst v1;
	v1 =	vadd.f32 v7, v2;
	v2 =	vmul.f32 v0, v48;
	v7 =	vmul.f32 v17, v4  }
0x8d: {  	v32 =	vld [tilespmem:$0x180];
	[tilespmem:$0x300] =	vst v3;
	v3 =	vsub.f32 v5, v6;
	v5 =	vmul.f32 v17, v48;
	v0 =	vmul.f32 v0, v4  }
0x8e: {  	v24 =	vld [tilespmem:$0x380];
	v6 =	vmul.f32 v28, v15;
	[tilespmem:$0x110] =	vst v1;
	v1 =	vadd.f32 v7, v2;
	v2 =	vmul.f32 v21, v11  }
0x8f: {  	v25 =	vld [tilespmem:$0x580];
	[tilespmem:$0x310] =	vst v3;
	v0 =	vsub.f32 v5, v0;
	v3 =	vmul.f32 v28, v11;
	v5 =	vmul.f32 v21, v15  }
0x90: {  	v59 =	vld [tilespmem:$0x1E0];
	[tilespmem:$0x120] =	vst v1;
	v1 =	vadd.f32 v6, v2;
	v2 =	vmul.f32 v30, v22;
	v6 =	vmul.f32 v37, v26  }
0x91: {  	v60 =	vld [tilespmem:$0x3E0];
	[tilespmem:$0x320] =	vst v0;
	v0 =	vsub.f32 v3, v5;
	v3 =	vmul.f32 v37, v22;
	v5 =	vmul.f32 v30, v26  }
0x92: {  	v8 =	vld [tilespmem:$0x3A0];
	[tilespmem:$0x130] =	vst v1;
	v1 =	vadd.f32 v6, v2;
	v2 =	vmul.f32 v42, v33;
	v6 =	vmul.f32 v54, v36  }
0x93: {  	v4 =	vld [tilespmem:$0x7A0];
	[tilespmem:$0x330] =	vst v0;
	v0 =	vsub.f32 v3, v5;
	v3 =	vmul.f32 v54, v33;
	v5 =	vmul.f32 v42, v36  }
0x94: {  	v7 =	vld [tilespmem:$0x1B0];
	[tilespmem:$0x140] =	vst v1;
	v1 =	vadd.f32 v6, v2;
	v2 =	vmul.f32 v9, v43;
	v6 =	vmul.f32 v10, v47  }
0x95: {  	v11 =	vld [tilespmem:$0x3B0];
	[tilespmem:$0x340] =	vst v0;
	v0 =	vsub.f32 v3, v5;
	v3 =	vmul.f32 v10, v43;
	v5 =	vmul.f32 v9, v47  }
0x96: {  	v54 =	vld [tilespmem:$0x3C0];
	[tilespmem:$0x150] =	vst v1;
	v1 =	vadd.f32 v6, v2;
	v2 =	vmul.f32 v56, v12;
	v6 =	vmul.f32 v57, v13  }
0x97: {  	v9 =	vld [tilespmem:$0x7C0];
	[tilespmem:$0x350] =	vst v0;
	v0 =	vsub.f32 v3, v5;
	v3 =	vmul.f32 v57, v12;
	v5 =	vmul.f32 v56, v13  }
0x98: {  	v10 =	vld [tilespmem:$0x1D0];
	[tilespmem:$0x160] =	vst v1;
	v1 =	vadd.f32 v6, v2;
	v2 =	vmul.f32 v25, v32;
	v6 =	vmul.f32 v58, v24  }
0x99: {  	v56 =	vld [tilespmem:$0x3D0];
	[tilespmem:$0x360] =	vst v0;
	v0 =	vsub.f32 v3, v5;
	v3 =	vmul.f32 v58, v32;
	v5 =	vmul.f32 v25, v24  }
0x9a: {  	v57 =	vld [tilespmem:$0x5D0];
	[tilespmem:$0x170] =	vst v1;
	v1 =	vadd.f32 v6, v2;
	v2 =	vmul.f32 v39, v61;
	v6 =	vmul.f32 v40, v62  }
0x9b: {  	v58 =	vld [tilespmem:$0x7D0];
	[tilespmem:$0x370] =	vst v0;
	v0 =	vsub.f32 v3, v5;
	v3 =	vmul.f32 v40, v61;
	v5 =	vmul.f32 v39, v62  }
0x9c: {  	v61 =	vld [tilespmem:$0x5E0];
	[tilespmem:$0x180] =	vst v1;
	v1 =	vadd.f32 v6, v2;
	v2 =	vmul.f32 v50, v46;
	v6 =	vmul.f32 v4, v8  }
0x9d: {  	[tilespmem:$0x380] =	vst v0;
	v0 =	vsub.f32 v3, v5;
	v3 =	vmul.f32 v4, v46;
	v4 =	vmul.f32 v50, v8;
	v5 =	vld [tilespmem:$0x7E0]  }
0x9e: {  	v8 =	vld [tilespmem:$0x1F0];
	[tilespmem:$0x190] =	vst v1;
	v1 =	vadd.f32 v6, v2;
	v2 =	vmul.f32 v51, v7;
	v6 =	vmul.f32 v52, v11  }
0x9f: {  	[tilespmem:$0x390] =	vst v0;
	v0 =	vsub.f32 v3, v4;
	v3 =	vmul.f32 v52, v7;
	v4 =	vmul.f32 v51, v11;
	v7 =	vld [tilespmem:$0x3F0]  }
0xa0: {  	v11 =	vld [tilespmem:$0x5F0];
	[tilespmem:$0x1A0] =	vst v1;
	v1 =	vadd.f32 v6, v2;
	v2 =	vmul.f32 v55, v53;
	v6 =	vmul.f32 v9, v54  }
0xa1: {  	[tilespmem:$0x3A0] =	vst v0;
	v0 =	vsub.f32 v3, v4;
	v3 =	vmul.f32 v9, v53;
	v4 =	vmul.f32 v55, v54;
	v9 =	vld [tilespmem:$0x7F0]  }
0xa2: {  	[tilespmem:$0x1B0] =	vst v1;
	v1 =	vadd.f32 v6, v2;
	v2 =	vmul.f32 v57, v10;
	v6 =	vmul.f32 v58, v56  }
0xa3: {  	[tilespmem:$0x3B0] =	vst v0;
	v0 =	vsub.f32 v3, v4;
	v3 =	vmul.f32 v58, v10;
	v4 =	vmul.f32 v57, v56  }
0xa4: {  	[tilespmem:$0x1C0] =	vst v1;
	v1 =	vadd.f32 v6, v2;
	v2 =	vmul.f32 v61, v59;
	v6 =	vmul.f32 v5, v60  }
0xa5: {  	[tilespmem:$0x3C0] =	vst v0;
	v0 =	vsub.f32 v3, v4;
	v3 =	vmul.f32 v5, v59;
	v4 =	vmul.f32 v61, v60  }
0xa6: {  	v5 =	vmul.f32 v9, v7;
	[tilespmem:$0x1D0] =	vst v1;
	v1 =	vadd.f32 v6, v2;
	v2 =	vmul.f32 v11, v8  }
0xa7: {  	[tilespmem:$0x3D0] =	vst v0;
	v0 =	vsub.f32 v3, v4;
	v3 =	vmul.f32 v9, v8;
	v4 =	vmul.f32 v11, v7  }
0xa8: {  	[tilespmem:$0x1E0] =	vst v1;
	v1 =	vadd.f32 v5, v2  }
0xa9: {  	[tilespmem:$0x3E0] =	vst v0;
	v0 =	vsub.f32 v3, v4  }
0xaa: {  	[tilespmem:$0x1F0] =	vst v1  }
0xab: {  	s10 =	simm.s32 $0x0;
	[tilespmem:$0x3F0] =	vst v0  }
0xac: {  	v0 =	vld [tilespmem:s10+$0x1F0]  }
0xad: {  	v1 =	vld [tilespmem:s10+$0x3F0]  }
0xae: {  	v2 =	vld [tilespmem:s10+$0x9F0]  }
0xaf: {  	v3 =	vld [tilespmem:s10+$0xBF0]  }
0xb0: {  	v4 =	vld [tilespmem:s10+$0x0]  }
0xb1: {  	v5 =	vld [tilespmem:s10+$0x200]  }
0xb2: {  	v6 =	vld [tilespmem:s10+$0x800]  }
0xb3: {  	v7 =	vld [tilespmem:s10+$0xA00]  }
0xb4: {  	v11 =	vld [tilespmem:s10+$0x210]  }
0xb5: {  	v62 =	vld [tilespmem:s10+$0x810];
	v9 =	vmul.f32 v3, v0;
	v10 =	vmul.f32 v2, v1  }
0xb6: {  	v0 =	vmul.f32 v2, v0;
	v1 =	vmul.f32 v3, v1;
	v3 =	vld [tilespmem:s10+$0xA10]  }
0xb7: {  	v8 =	vld [tilespmem:s10+$0x10];
	v2 =	vsub.f32 v9, v10  }
0xb8: {  	v9 =	vld [tilespmem:s10+$0x20];
	v0 =	vadd.f32 v1, v0  }
0xb9: {  	v1 =	vmul.f32 v6, v4;
	v10 =	vld [tilespmem:s10+$0x220];
	[tilespmem:s10+$0x7F0] =	vst v2;
	v2 =	vmul.f32 v7, v5  }
0xba: {  	v4 =	vmul.f32 v7, v4;
	[tilespmem:s10+$0x5F0] =	vst v0;
	v0 =	vmul.f32 v6, v5;
	v5 =	vld [tilespmem:s10+$0xA20]  }
0xbb: {  	v7 =	vmul.f32 v62, v11;
	v6 =	vmul.f32 v3, v11;
	v1 =	vadd.f32 v2, v1;
	v2 =	vld [tilespmem:s10+$0x820]  }
0xbc: {  	v3 =	vmul.f32 v3, v8;
	v0 =	vsub.f32 v4, v0;
	v4 =	vmul.f32 v62, v8;
	v8 =	vld [tilespmem:s10+$0xA30]  }
0xbd: {  	[tilespmem:s10+$0x400] =	vst v1;
	v1 =	vld [tilespmem:s10+$0x30]  }
0xbe: {  	v3 =	vsub.f32 v3, v7;
	[tilespmem:s10+$0x600] =	vst v0;
	v0 =	vld [tilespmem:s10+$0x230]  }
0xbf: {  	v4 =	vadd.f32 v6, v4;
	v6 =	vld [tilespmem:s10+$0x830]  }
0xc0: {  	v11 =	vmul.f32 v5, v10;
	[tilespmem:s10+$0x610] =	vst v3;
	v3 =	vld [tilespmem:s10+$0x240];
	v7 =	vmul.f32 v2, v9  }
0xc1: {  	v5 =	vmul.f32 v5, v9;
	[tilespmem:s10+$0x410] =	vst v4;
	v4 =	vld [tilespmem:s10+$0x40];
	v2 =	vmul.f32 v2, v10  }
0xc2: {  	v9 =	vld [tilespmem:s10+$0x840];
	v7 =	vadd.f32 v11, v7  }
0xc3: {  	v10 =	vld [tilespmem:s10+$0xA40];
	v2 =	vsub.f32 v5, v2  }
0xc4: {  	v5 =	vld [tilespmem:s10+$0x50];
	v11 =	vmul.f32 v8, v0;
	[tilespmem:s10+$0x420] =	vst v7;
	v7 =	vmul.f32 v6, v1  }
0xc5: {  	v0 =	vmul.f32 v6, v0;
	[tilespmem:s10+$0x620] =	vst v2;
	v2 =	vld [tilespmem:s10+$0x250];
	v1 =	vmul.f32 v8, v1  }
0xc6: {  	v8 =	vld [tilespmem:s10+$0xA50];
	v6 =	vadd.f32 v11, v7  }
0xc7: {  	v7 =	vld [tilespmem:s10+$0x850];
	v0 =	vsub.f32 v1, v0  }
0xc8: {  	v1 =	vld [tilespmem:s10+$0x60];
	v11 =	vmul.f32 v10, v3;
	[tilespmem:s10+$0x430] =	vst v6;
	v6 =	vmul.f32 v9, v4  }
0xc9: {  	v3 =	vmul.f32 v9, v3;
	[tilespmem:s10+$0x630] =	vst v0;
	v0 =	vld [tilespmem:s10+$0x260];
	v4 =	vmul.f32 v10, v4  }
0xca: {  	v9 =	vld [tilespmem:s10+$0x860];
	v6 =	vadd.f32 v11, v6  }
0xcb: {  	v10 =	vld [tilespmem:s10+$0xA60];
	v3 =	vsub.f32 v4, v3  }
0xcc: {  	v4 =	vld [tilespmem:s10+$0x70];
	v11 =	vmul.f32 v8, v2;
	[tilespmem:s10+$0x440] =	vst v6;
	v6 =	vmul.f32 v7, v5  }
0xcd: {  	v2 =	vmul.f32 v7, v2;
	[tilespmem:s10+$0x640] =	vst v3;
	v3 =	vld [tilespmem:s10+$0x270];
	v5 =	vmul.f32 v8, v5  }
0xce: {  	v7 =	vld [tilespmem:s10+$0x870];
	v6 =	vadd.f32 v11, v6  }
0xcf: {  	v8 =	vld [tilespmem:s10+$0xA70];
	v2 =	vsub.f32 v5, v2  }
0xd0: {  	v5 =	vld [tilespmem:s10+$0x80];
	v11 =	vmul.f32 v10, v0;
	[tilespmem:s10+$0x450] =	vst v6;
	v6 =	vmul.f32 v9, v1  }
0xd1: {  	v0 =	vmul.f32 v9, v0;
	[tilespmem:s10+$0x650] =	vst v2;
	v2 =	vld [tilespmem:s10+$0x280];
	v1 =	vmul.f32 v10, v1  }
0xd2: {  	v9 =	vld [tilespmem:s10+$0x880];
	v6 =	vadd.f32 v11, v6  }
0xd3: {  	v10 =	vld [tilespmem:s10+$0xA80];
	v0 =	vsub.f32 v1, v0  }
0xd4: {  	v1 =	vld [tilespmem:s10+$0x90];
	v11 =	vmul.f32 v8, v3;
	[tilespmem:s10+$0x460] =	vst v6;
	v6 =	vmul.f32 v7, v4  }
0xd5: {  	v3 =	vmul.f32 v7, v3;
	[tilespmem:s10+$0x660] =	vst v0;
	v0 =	vld [tilespmem:s10+$0x290];
	v4 =	vmul.f32 v8, v4  }
0xd6: {  	v7 =	vld [tilespmem:s10+$0x890];
	v6 =	vadd.f32 v11, v6  }
0xd7: {  	v8 =	vld [tilespmem:s10+$0xA90];
	v3 =	vsub.f32 v4, v3  }
0xd8: {  	v4 =	vld [tilespmem:s10+$0xA0];
	v11 =	vmul.f32 v10, v2;
	[tilespmem:s10+$0x470] =	vst v6;
	v6 =	vmul.f32 v9, v5  }
0xd9: {  	v2 =	vmul.f32 v9, v2;
	[tilespmem:s10+$0x670] =	vst v3;
	v3 =	vld [tilespmem:s10+$0x2A0];
	v5 =	vmul.f32 v10, v5  }
0xda: {  	v9 =	vld [tilespmem:s10+$0x8A0];
	v6 =	vadd.f32 v11, v6  }
0xdb: {  	v10 =	vld [tilespmem:s10+$0xAA0];
	v2 =	vsub.f32 v5, v2  }
0xdc: {  	v5 =	vld [tilespmem:s10+$0xB0];
	v11 =	vmul.f32 v8, v0;
	[tilespmem:s10+$0x480] =	vst v6;
	v6 =	vmul.f32 v7, v1  }
0xdd: {  	v0 =	vmul.f32 v7, v0;
	[tilespmem:s10+$0x680] =	vst v2;
	v2 =	vld [tilespmem:s10+$0x2B0];
	v1 =	vmul.f32 v8, v1  }
0xde: {  	v7 =	vld [tilespmem:s10+$0x8B0];
	v6 =	vadd.f32 v11, v6  }
0xdf: {  	v8 =	vld [tilespmem:s10+$0xAB0];
	v0 =	vsub.f32 v1, v0  }
0xe0: {  	v1 =	vld [tilespmem:s10+$0xC0];
	v11 =	vmul.f32 v10, v3;
	[tilespmem:s10+$0x490] =	vst v6;
	v6 =	vmul.f32 v9, v4  }
0xe1: {  	v3 =	vmul.f32 v9, v3;
	[tilespmem:s10+$0x690] =	vst v0;
	v0 =	vld [tilespmem:s10+$0x2C0];
	v4 =	vmul.f32 v10, v4  }
0xe2: {  	v9 =	vld [tilespmem:s10+$0x8C0];
	v6 =	vadd.f32 v11, v6  }
0xe3: {  	v10 =	vld [tilespmem:s10+$0xAC0];
	v3 =	vsub.f32 v4, v3  }
0xe4: {  	v4 =	vld [tilespmem:s10+$0xD0];
	v11 =	vmul.f32 v8, v2;
	[tilespmem:s10+$0x4A0] =	vst v6;
	v6 =	vmul.f32 v7, v5  }
0xe5: {  	v2 =	vmul.f32 v7, v2;
	[tilespmem:s10+$0x6A0] =	vst v3;
	v3 =	vld [tilespmem:s10+$0x2D0];
	v5 =	vmul.f32 v8, v5  }
0xe6: {  	v7 =	vld [tilespmem:s10+$0x8D0];
	v6 =	vadd.f32 v11, v6  }
0xe7: {  	v8 =	vld [tilespmem:s10+$0xAD0];
	v2 =	vsub.f32 v5, v2  }
0xe8: {  	v5 =	vld [tilespmem:s10+$0xE0];
	v11 =	vmul.f32 v10, v0;
	[tilespmem:s10+$0x4B0] =	vst v6;
	v6 =	vmul.f32 v9, v1  }
0xe9: {  	v0 =	vmul.f32 v9, v0;
	[tilespmem:s10+$0x6B0] =	vst v2;
	v2 =	vld [tilespmem:s10+$0x2E0];
	v1 =	vmul.f32 v10, v1  }
0xea: {  	v9 =	vld [tilespmem:s10+$0x8E0];
	v6 =	vadd.f32 v11, v6  }
0xeb: {  	v10 =	vld [tilespmem:s10+$0xAE0];
	v0 =	vsub.f32 v1, v0  }
0xec: {  	v1 =	vld [tilespmem:s10+$0xF0];
	v11 =	vmul.f32 v8, v3;
	[tilespmem:s10+$0x4C0] =	vst v6;
	v6 =	vmul.f32 v7, v4  }
0xed: {  	v3 =	vmul.f32 v7, v3;
	[tilespmem:s10+$0x6C0] =	vst v0;
	v0 =	vld [tilespmem:s10+$0x2F0];
	v4 =	vmul.f32 v8, v4  }
0xee: {  	v7 =	vld [tilespmem:s10+$0x8F0];
	v6 =	vadd.f32 v11, v6  }
0xef: {  	v8 =	vld [tilespmem:s10+$0xAF0];
	v3 =	vsub.f32 v4, v3  }
0xf0: {  	v4 =	vld [tilespmem:s10+$0x100];
	v11 =	vmul.f32 v10, v2;
	[tilespmem:s10+$0x4D0] =	vst v6;
	v6 =	vmul.f32 v9, v5  }
0xf1: {  	v2 =	vmul.f32 v9, v2;
	[tilespmem:s10+$0x6D0] =	vst v3;
	v3 =	vld [tilespmem:s10+$0x300];
	v5 =	vmul.f32 v10, v5  }
0xf2: {  	v9 =	vld [tilespmem:s10+$0x900];
	v6 =	vadd.f32 v11, v6  }
0xf3: {  	v10 =	vld [tilespmem:s10+$0xB00];
	v2 =	vsub.f32 v5, v2  }
0xf4: {  	v5 =	vld [tilespmem:s10+$0x110];
	v11 =	vmul.f32 v8, v0;
	[tilespmem:s10+$0x4E0] =	vst v6;
	v6 =	vmul.f32 v7, v1  }
0xf5: {  	v0 =	vmul.f32 v7, v0;
	[tilespmem:s10+$0x6E0] =	vst v2;
	v2 =	vld [tilespmem:s10+$0x310];
	v1 =	vmul.f32 v8, v1  }
0xf6: {  	v7 =	vld [tilespmem:s10+$0x910];
	v6 =	vadd.f32 v11, v6  }
0xf7: {  	v8 =	vld [tilespmem:s10+$0xB10];
	v0 =	vsub.f32 v1, v0  }
0xf8: {  	v1 =	vld [tilespmem:s10+$0x120];
	v11 =	vmul.f32 v10, v3;
	[tilespmem:s10+$0x4F0] =	vst v6;
	v6 =	vmul.f32 v9, v4  }
0xf9: {  	v3 =	vmul.f32 v9, v3;
	[tilespmem:s10+$0x6F0] =	vst v0;
	v0 =	vld [tilespmem:s10+$0x320];
	v4 =	vmul.f32 v10, v4  }
0xfa: {  	v9 =	vld [tilespmem:s10+$0x920];
	v6 =	vadd.f32 v11, v6  }
0xfb: {  	v10 =	vld [tilespmem:s10+$0xB20];
	v3 =	vsub.f32 v4, v3  }
0xfc: {  	v4 =	vld [tilespmem:s10+$0x130];
	v11 =	vmul.f32 v8, v2;
	[tilespmem:s10+$0x500] =	vst v6;
	v6 =	vmul.f32 v7, v5  }
0xfd: {  	v2 =	vmul.f32 v7, v2;
	[tilespmem:s10+$0x700] =	vst v3;
	v3 =	vld [tilespmem:s10+$0x330];
	v5 =	vmul.f32 v8, v5  }
0xfe: {  	v7 =	vld [tilespmem:s10+$0x930];
	v6 =	vadd.f32 v11, v6  }
0xff: {  	v8 =	vld [tilespmem:s10+$0xB30];
	v2 =	vsub.f32 v5, v2  }
0x100: {  	v5 =	vld [tilespmem:s10+$0x140];
	v11 =	vmul.f32 v10, v0;
	[tilespmem:s10+$0x510] =	vst v6;
	v6 =	vmul.f32 v9, v1  }
0x101: {  	v0 =	vmul.f32 v9, v0;
	[tilespmem:s10+$0x710] =	vst v2;
	v2 =	vld [tilespmem:s10+$0x340];
	v1 =	vmul.f32 v10, v1  }
0x102: {  	v9 =	vld [tilespmem:s10+$0x940];
	v6 =	vadd.f32 v11, v6  }
0x103: {  	v10 =	vld [tilespmem:s10+$0xB40];
	v0 =	vsub.f32 v1, v0  }
0x104: {  	v1 =	vld [tilespmem:s10+$0x150];
	v11 =	vmul.f32 v8, v3;
	[tilespmem:s10+$0x520] =	vst v6;
	v6 =	vmul.f32 v7, v4  }
0x105: {  	v3 =	vmul.f32 v7, v3;
	[tilespmem:s10+$0x720] =	vst v0;
	v0 =	vld [tilespmem:s10+$0x350];
	v4 =	vmul.f32 v8, v4  }
0x106: {  	v7 =	vld [tilespmem:s10+$0x950];
	v6 =	vadd.f32 v11, v6  }
0x107: {  	v8 =	vld [tilespmem:s10+$0xB50];
	v3 =	vsub.f32 v4, v3  }
0x108: {  	v4 =	vld [tilespmem:s10+$0x160];
	v11 =	vmul.f32 v10, v2;
	[tilespmem:s10+$0x530] =	vst v6;
	v6 =	vmul.f32 v9, v5  }
0x109: {  	v2 =	vmul.f32 v9, v2;
	[tilespmem:s10+$0x730] =	vst v3;
	v3 =	vld [tilespmem:s10+$0x360];
	v5 =	vmul.f32 v10, v5  }
0x10a: {  	v9 =	vld [tilespmem:s10+$0x960];
	v6 =	vadd.f32 v11, v6  }
0x10b: {  	v10 =	vld [tilespmem:s10+$0xB60];
	v2 =	vsub.f32 v5, v2  }
0x10c: {  	v5 =	vld [tilespmem:s10+$0x170];
	v11 =	vmul.f32 v8, v0;
	[tilespmem:s10+$0x540] =	vst v6;
	v6 =	vmul.f32 v7, v1  }
0x10d: {  	v0 =	vmul.f32 v7, v0;
	[tilespmem:s10+$0x740] =	vst v2;
	v2 =	vld [tilespmem:s10+$0x370];
	v1 =	vmul.f32 v8, v1  }
0x10e: {  	v7 =	vld [tilespmem:s10+$0x970];
	v6 =	vadd.f32 v11, v6  }
0x10f: {  	v8 =	vld [tilespmem:s10+$0xB70];
	v0 =	vsub.f32 v1, v0  }
0x110: {  	v1 =	vld [tilespmem:s10+$0x180];
	v11 =	vmul.f32 v10, v3;
	[tilespmem:s10+$0x550] =	vst v6;
	v6 =	vmul.f32 v9, v4  }
0x111: {  	v3 =	vmul.f32 v9, v3;
	[tilespmem:s10+$0x750] =	vst v0;
	v0 =	vld [tilespmem:s10+$0x380];
	v4 =	vmul.f32 v10, v4  }
0x112: {  	v9 =	vld [tilespmem:s10+$0x980];
	v6 =	vadd.f32 v11, v6  }
0x113: {  	v10 =	vld [tilespmem:s10+$0xB80];
	v3 =	vsub.f32 v4, v3  }
0x114: {  	v4 =	vld [tilespmem:s10+$0x190];
	v11 =	vmul.f32 v8, v2;
	[tilespmem:s10+$0x560] =	vst v6;
	v6 =	vmul.f32 v7, v5  }
0x115: {  	v2 =	vmul.f32 v7, v2;
	[tilespmem:s10+$0x760] =	vst v3;
	v3 =	vld [tilespmem:s10+$0x390];
	v5 =	vmul.f32 v8, v5  }
0x116: {  	v7 =	vld [tilespmem:s10+$0x990];
	v6 =	vadd.f32 v11, v6  }
0x117: {  	v8 =	vld [tilespmem:s10+$0xB90];
	v2 =	vsub.f32 v5, v2  }
0x118: {  	v5 =	vld [tilespmem:s10+$0x1A0];
	v11 =	vmul.f32 v10, v0;
	[tilespmem:s10+$0x570] =	vst v6;
	v6 =	vmul.f32 v9, v1  }
0x119: {  	[tilespmem:s10+$0x770] =	vst v2;
	v2 =	vld [tilespmem:s10+$0x3A0]  }
0x11a: {  	v0 =	vmul.f32 v9, v0;
	v1 =	vmul.f32 v10, v1;
	v9 =	vld [tilespmem:s10+$0x9A0];
	v6 =	vadd.f32 v11, v6  }
0x11b: {  	v10 =	vld [tilespmem:s10+$0xBA0]  }
0x11c: {  	v0 =	vsub.f32 v1, v0;
	v1 =	vld [tilespmem:s10+$0x1B0];
	v11 =	vmul.f32 v8, v3;
	[tilespmem:s10+$0x580] =	vst v6;
	v6 =	vmul.f32 v7, v4  }
0x11d: {  	v3 =	vmul.f32 v7, v3;
	v4 =	vmul.f32 v8, v4;
	v7 =	vld [tilespmem:s10+$0x9B0]  }
0x11e: {  	v8 =	vld [tilespmem:s10+$0xBB0];
	v6 =	vadd.f32 v11, v6  }
0x11f: {  	[tilespmem:s10+$0x780] =	vst v0;
	v0 =	vld [tilespmem:s10+$0x3B0];
	v3 =	vsub.f32 v4, v3  }
0x120: {  	v63 =	vld [tilespmem:s10+$0x3C0];
	v11 =	vmul.f32 v10, v2;
	[tilespmem:s10+$0x590] =	vst v6;
	v6 =	vmul.f32 v9, v5  }
0x121: {  	v4 =	vld [tilespmem:s10+$0x1C0];
	v2 =	vmul.f32 v9, v2;
	[tilespmem:s10+$0x790] =	vst v3;
	v3 =	vmul.f32 v10, v5  }
0x122: {  	v9 =	vld [tilespmem:s10+$0xBC0];
	v5 =	vadd.f32 v11, v6  }
0x123: {  	v6 =	vld [tilespmem:s10+$0x9C0];
	v2 =	vsub.f32 v3, v2;
	v3 =	vmul.f32 v7, v1;
	v1 =	vmul.f32 v8, v1  }
0x124: {  	v10 =	vld [tilespmem:s10+$0x1D0];
	[tilespmem:s10+$0x5A0] =	vst v5;
	v5 =	vmul.f32 v8, v0;
	v0 =	vmul.f32 v7, v0  }
0x125: {  	[tilespmem:s10+$0x7A0] =	vst v2;
	v2 =	vld [tilespmem:s10+$0x3D0]  }
0x126: {  	v7 =	vld [tilespmem:s10+$0x9D0];
	v1 =	vsub.f32 v1, v0  }
0x127: {  	v8 =	vld [tilespmem:s10+$0xBD0]  }
0x128: {  	v11 =	vmul.f32 v9, v63;
	v3 =	vadd.f32 v5, v3;
	v0 =	vld [tilespmem:s10+$0x1E0];
	[tilespmem:s10+$0x7B0] =	vst v1;
	v1 =	vmul.f32 v6, v4  }
0x129: {  	v5 =	vld [tilespmem:s10+$0x9E0];
	v12 =	vmul.f32 v6, v63;
	v4 =	vmul.f32 v9, v4  }
0x12a: {  	[tilespmem:s10+$0x5B0] =	vst v3;
	v3 =	vld [tilespmem:s10+$0x3E0];
	v9 =	vadd.f32 v11, v1  }
0x12b: {  	s12 =	simm.s32 $0x400;
	v6 =	vld [tilespmem:s10+$0xBE0];
	v4 =	vsub.f32 v4, v12;
	v11 =	vmul.f32 v7, v10;
	v7 =	vmul.f32 v7, v2  }
0x12c: {  	v1 =	vld [tilespmem:s12+$0x1F0];
	v10 =	vmul.f32 v8, v10;
	[tilespmem:s10+$0x5C0] =	vst v9;
	v9 =	vmul.f32 v8, v2  }
0x12d: {  	v2 =	vld [tilespmem:s12+$0x3F0];
	[tilespmem:s10+$0x7C0] =	vst v4  }
0x12e: {  	s11 =	simm.s32 $0x2000;
	v7 =	vsub.f32 v10, v7;
	v4 =	vld [tilespmem:s12+$0x9F0];
	v8 =	vadd.f32 v9, v11  }
.LBB2_3:
0x12f: {  	p0 =	sne.s32 s11, $0x3D000;
	v9 =	vld [tilespmem:s12+$0xBF0];
	v10 =	vmul.f32 v5, v0;
	v5 =	vmul.f32 v5, v3  }
0x130: {  	v11 =	vld [tilespmem:s12+$0x0];
	[tilespmem:s10+$0x5D0] =	vst v8;
	v3 =	vmul.f32 v6, v3;
	v0 =	vmul.f32 v6, v0  }
0x131: {  	v6 =	vld [tilespmem:s12+$0x200];
	[tilespmem:s10+$0x7D0] =	vst v7  }
0x132: {  	v7 =	vld [tilespmem:s12+$0x800];
	v3 =	vadd.f32 v3, v10;
	v0 =	vsub.f32 v0, v5  }
0x133: {  	v5 =	vld [tilespmem:s12+$0xA00];
	v8 =	vmul.f32 v4, v1  }
0x134: {  	v4 =	vmul.f32 v4, v2;
	v10 =	vld [tilespmem:s12+$0x10];
	v1 =	vmul.f32 v9, v1;
	[tilespmem:s10+$0x5E0] =	vst v3  }
0x135: {  	v2 =	vmul.f32 v9, v2;
	v3 =	vld [tilespmem:s12+$0x210];
	[tilespmem:s10+$0x7E0] =	vst v0;
	s10 =	smov.u32 s12  }
0x136: {  	v0 =	vld [tilespmem:s10+$0x810];
	v1 =	vsub.f32 v1, v4  }
0x137: {  	v2 =	vadd.f32 v2, v8;
	v4 =	vmul.f32 v7, v11;
	v7 =	vmul.f32 v7, v6;
	v9 =	vld [tilespmem:s10+$0xA10]  }
0x138: {  	v6 =	vmul.f32 v5, v6;
	v5 =	vmul.f32 v5, v11;
	v8 =	vld [tilespmem:s10+$0x20];
	[tilespmem:s10+$0x7F0] =	vst v1  }
0x139: {  	v1 =	vld [tilespmem:s10+$0x220];
	[tilespmem:s10+$0x5F0] =	vst v2  }
0x13a: {  	v2 =	vadd.f32 v6, v4;
	v4 =	vsub.f32 v5, v7;
	v5 =	vld [tilespmem:s10+$0x820]  }
0x13b: {  	v6 =	vmul.f32 v0, v10;
	v0 =	vmul.f32 v0, v3;
	v7 =	vld [tilespmem:s10+$0xA20]  }
0x13c: {  	[tilespmem:s10+$0x400] =	vst v2;
	v2 =	vmul.f32 v9, v3;
	v3 =	vmul.f32 v9, v10;
	v9 =	vld [tilespmem:s10+$0x30]  }
0x13d: {  	[tilespmem:s10+$0x600] =	vst v4;
	v4 =	vld [tilespmem:s10+$0x230]  }
0x13e: {  	v2 =	vadd.f32 v2, v6;
	v0 =	vsub.f32 v3, v0;
	v3 =	vld [tilespmem:s10+$0x830]  }
0x13f: {  	v6 =	vmul.f32 v5, v8;
	v5 =	vmul.f32 v5, v1;
	v10 =	vld [tilespmem:s10+$0xA30]  }
0x140: {  	[tilespmem:s10+$0x410] =	vst v2;
	v1 =	vmul.f32 v7, v1;
	v2 =	vmul.f32 v7, v8;
	v7 =	vld [tilespmem:s10+$0x40]  }
0x141: {  	[tilespmem:s10+$0x610] =	vst v0;
	v0 =	vld [tilespmem:s10+$0x240]  }
0x142: {  	v1 =	vadd.f32 v1, v6;
	v2 =	vsub.f32 v2, v5;
	v5 =	vld [tilespmem:s10+$0x840]  }
0x143: {  	v6 =	vmul.f32 v3, v9;
	v3 =	vmul.f32 v3, v4;
	v8 =	vld [tilespmem:s10+$0xA40]  }
0x144: {  	[tilespmem:s10+$0x420] =	vst v1;
	v1 =	vmul.f32 v10, v4;
	v4 =	vmul.f32 v10, v9;
	v9 =	vld [tilespmem:s10+$0x50]  }
0x145: {  	[tilespmem:s10+$0x620] =	vst v2;
	v2 =	vld [tilespmem:s10+$0x250]  }
0x146: {  	v1 =	vadd.f32 v1, v6;
	v3 =	vsub.f32 v4, v3;
	v4 =	vld [tilespmem:s10+$0x850]  }
0x147: {  	v6 =	vmul.f32 v5, v7;
	v5 =	vmul.f32 v5, v0;
	v10 =	vld [tilespmem:s10+$0xA50]  }
0x148: {  	[tilespmem:s10+$0x430] =	vst v1;
	v0 =	vmul.f32 v8, v0;
	v1 =	vmul.f32 v8, v7;
	v7 =	vld [tilespmem:s10+$0x60]  }
0x149: {  	[tilespmem:s10+$0x630] =	vst v3;
	v3 =	vld [tilespmem:s10+$0x260]  }
0x14a: {  	v0 =	vadd.f32 v0, v6;
	v1 =	vsub.f32 v1, v5;
	v5 =	vld [tilespmem:s10+$0x860]  }
0x14b: {  	v6 =	vmul.f32 v4, v9;
	v4 =	vmul.f32 v4, v2;
	v8 =	vld [tilespmem:s10+$0xA60]  }
0x14c: {  	[tilespmem:s10+$0x440] =	vst v0;
	v0 =	vmul.f32 v10, v2;
	v2 =	vmul.f32 v10, v9;
	v9 =	vld [tilespmem:s10+$0x70]  }
0x14d: {  	[tilespmem:s10+$0x640] =	vst v1;
	v1 =	vld [tilespmem:s10+$0x270]  }
0x14e: {  	v0 =	vadd.f32 v0, v6;
	v2 =	vsub.f32 v2, v4;
	v4 =	vld [tilespmem:s10+$0x870]  }
0x14f: {  	v6 =	vmul.f32 v5, v7;
	v5 =	vmul.f32 v5, v3;
	v10 =	vld [tilespmem:s10+$0xA70]  }
0x150: {  	[tilespmem:s10+$0x450] =	vst v0;
	v0 =	vmul.f32 v8, v3;
	v3 =	vmul.f32 v8, v7;
	v7 =	vld [tilespmem:s10+$0x80]  }
0x151: {  	[tilespmem:s10+$0x650] =	vst v2;
	v2 =	vld [tilespmem:s10+$0x280]  }
0x152: {  	v0 =	vadd.f32 v0, v6;
	v3 =	vsub.f32 v3, v5;
	v5 =	vld [tilespmem:s10+$0x880]  }
0x153: {  	v6 =	vmul.f32 v4, v9;
	v4 =	vmul.f32 v4, v1;
	v8 =	vld [tilespmem:s10+$0xA80]  }
0x154: {  	[tilespmem:s10+$0x460] =	vst v0;
	v0 =	vmul.f32 v10, v1;
	v1 =	vmul.f32 v10, v9;
	v9 =	vld [tilespmem:s10+$0x90]  }
0x155: {  	[tilespmem:s10+$0x660] =	vst v3;
	v3 =	vld [tilespmem:s10+$0x290]  }
0x156: {  	v0 =	vadd.f32 v0, v6;
	v1 =	vsub.f32 v1, v4;
	v4 =	vld [tilespmem:s10+$0x890]  }
0x157: {  	v6 =	vmul.f32 v5, v7;
	v5 =	vmul.f32 v5, v2;
	v10 =	vld [tilespmem:s10+$0xA90]  }
0x158: {  	[tilespmem:s10+$0x470] =	vst v0;
	v0 =	vmul.f32 v8, v2;
	v2 =	vmul.f32 v8, v7;
	v7 =	vld [tilespmem:s10+$0xA0]  }
0x159: {  	[tilespmem:s10+$0x670] =	vst v1;
	v1 =	vld [tilespmem:s10+$0x2A0]  }
0x15a: {  	v0 =	vadd.f32 v0, v6;
	v2 =	vsub.f32 v2, v5;
	v5 =	vld [tilespmem:s10+$0x8A0]  }
0x15b: {  	v6 =	vmul.f32 v4, v9;
	v4 =	vmul.f32 v4, v3;
	v8 =	vld [tilespmem:s10+$0xAA0]  }
0x15c: {  	[tilespmem:s10+$0x480] =	vst v0;
	v0 =	vmul.f32 v10, v3;
	v3 =	vmul.f32 v10, v9;
	v9 =	vld [tilespmem:s10+$0xB0]  }
0x15d: {  	[tilespmem:s10+$0x680] =	vst v2;
	v2 =	vld [tilespmem:s10+$0x2B0]  }
0x15e: {  	v0 =	vadd.f32 v0, v6;
	v3 =	vsub.f32 v3, v4;
	v4 =	vld [tilespmem:s10+$0x8B0]  }
0x15f: {  	v6 =	vmul.f32 v5, v7;
	v5 =	vmul.f32 v5, v1;
	v10 =	vld [tilespmem:s10+$0xAB0]  }
0x160: {  	[tilespmem:s10+$0x490] =	vst v0;
	v0 =	vmul.f32 v8, v1;
	v1 =	vmul.f32 v8, v7;
	v7 =	vld [tilespmem:s10+$0xC0]  }
0x161: {  	[tilespmem:s10+$0x690] =	vst v3;
	v3 =	vld [tilespmem:s10+$0x2C0]  }
0x162: {  	v0 =	vadd.f32 v0, v6;
	v1 =	vsub.f32 v1, v5;
	v5 =	vld [tilespmem:s10+$0x8C0]  }
0x163: {  	v6 =	vmul.f32 v4, v9;
	v4 =	vmul.f32 v4, v2;
	v8 =	vld [tilespmem:s10+$0xAC0]  }
0x164: {  	[tilespmem:s10+$0x4A0] =	vst v0;
	v0 =	vmul.f32 v10, v2;
	v2 =	vmul.f32 v10, v9;
	v9 =	vld [tilespmem:s10+$0xD0]  }
0x165: {  	[tilespmem:s10+$0x6A0] =	vst v1;
	v1 =	vld [tilespmem:s10+$0x2D0]  }
0x166: {  	v0 =	vadd.f32 v0, v6;
	v2 =	vsub.f32 v2, v4;
	v4 =	vld [tilespmem:s10+$0x8D0]  }
0x167: {  	v6 =	vmul.f32 v5, v7;
	v5 =	vmul.f32 v5, v3;
	v10 =	vld [tilespmem:s10+$0xAD0]  }
0x168: {  	[tilespmem:s10+$0x4B0] =	vst v0;
	v0 =	vmul.f32 v8, v3;
	v3 =	vmul.f32 v8, v7;
	v7 =	vld [tilespmem:s10+$0xE0]  }
0x169: {  	[tilespmem:s10+$0x6B0] =	vst v2;
	v2 =	vld [tilespmem:s10+$0x2E0]  }
0x16a: {  	v0 =	vadd.f32 v0, v6;
	v3 =	vsub.f32 v3, v5;
	v5 =	vld [tilespmem:s10+$0x8E0]  }
0x16b: {  	v6 =	vmul.f32 v4, v9;
	v4 =	vmul.f32 v4, v1;
	v8 =	vld [tilespmem:s10+$0xAE0]  }
0x16c: {  	[tilespmem:s10+$0x4C0] =	vst v0;
	v0 =	vmul.f32 v10, v1;
	v1 =	vmul.f32 v10, v9;
	v9 =	vld [tilespmem:s10+$0xF0]  }
0x16d: {  	[tilespmem:s10+$0x6C0] =	vst v3;
	v3 =	vld [tilespmem:s10+$0x2F0]  }
0x16e: {  	v0 =	vadd.f32 v0, v6;
	v1 =	vsub.f32 v1, v4;
	v4 =	vld [tilespmem:s10+$0x8F0]  }
0x16f: {  	v6 =	vmul.f32 v5, v7;
	v5 =	vmul.f32 v5, v2;
	v10 =	vld [tilespmem:s10+$0xAF0]  }
0x170: {  	[tilespmem:s10+$0x4D0] =	vst v0;
	v0 =	vmul.f32 v8, v2;
	v2 =	vmul.f32 v8, v7;
	v7 =	vld [tilespmem:s10+$0x100]  }
0x171: {  	[tilespmem:s10+$0x6D0] =	vst v1;
	v1 =	vld [tilespmem:s10+$0x300]  }
0x172: {  	v0 =	vadd.f32 v0, v6;
	v2 =	vsub.f32 v2, v5;
	v5 =	vld [tilespmem:s10+$0x900]  }
0x173: {  	v6 =	vmul.f32 v4, v9;
	v4 =	vmul.f32 v4, v3;
	v8 =	vld [tilespmem:s10+$0xB00]  }
0x174: {  	[tilespmem:s10+$0x4E0] =	vst v0;
	v0 =	vmul.f32 v10, v3;
	v3 =	vmul.f32 v10, v9;
	v9 =	vld [tilespmem:s10+$0x110]  }
0x175: {  	[tilespmem:s10+$0x6E0] =	vst v2;
	v2 =	vld [tilespmem:s10+$0x310]  }
0x176: {  	v0 =	vadd.f32 v0, v6;
	v3 =	vsub.f32 v3, v4;
	v4 =	vld [tilespmem:s10+$0x910]  }
0x177: {  	v6 =	vmul.f32 v5, v7;
	v5 =	vmul.f32 v5, v1;
	v10 =	vld [tilespmem:s10+$0xB10]  }
0x178: {  	[tilespmem:s10+$0x4F0] =	vst v0;
	v0 =	vmul.f32 v8, v1;
	v1 =	vmul.f32 v8, v7;
	v7 =	vld [tilespmem:s10+$0x120]  }
0x179: {  	[tilespmem:s10+$0x6F0] =	vst v3;
	v3 =	vld [tilespmem:s10+$0x320]  }
0x17a: {  	v0 =	vadd.f32 v0, v6;
	v1 =	vsub.f32 v1, v5;
	v5 =	vld [tilespmem:s10+$0x920]  }
0x17b: {  	v6 =	vmul.f32 v4, v9;
	v4 =	vmul.f32 v4, v2;
	v8 =	vld [tilespmem:s10+$0xB20]  }
0x17c: {  	[tilespmem:s10+$0x500] =	vst v0;
	v0 =	vmul.f32 v10, v2;
	v2 =	vmul.f32 v10, v9;
	v9 =	vld [tilespmem:s10+$0x130]  }
0x17d: {  	[tilespmem:s10+$0x700] =	vst v1;
	v1 =	vld [tilespmem:s10+$0x330]  }
0x17e: {  	v0 =	vadd.f32 v0, v6;
	v2 =	vsub.f32 v2, v4;
	v4 =	vld [tilespmem:s10+$0x930]  }
0x17f: {  	v6 =	vmul.f32 v5, v7;
	v5 =	vmul.f32 v5, v3;
	v10 =	vld [tilespmem:s10+$0xB30]  }
0x180: {  	[tilespmem:s10+$0x510] =	vst v0;
	v0 =	vmul.f32 v8, v3;
	v3 =	vmul.f32 v8, v7;
	v7 =	vld [tilespmem:s10+$0x140]  }
0x181: {  	[tilespmem:s10+$0x710] =	vst v2;
	v2 =	vld [tilespmem:s10+$0x340]  }
0x182: {  	v0 =	vadd.f32 v0, v6;
	v3 =	vsub.f32 v3, v5;
	v5 =	vld [tilespmem:s10+$0x940]  }
0x183: {  	v6 =	vmul.f32 v4, v9;
	v4 =	vmul.f32 v4, v1;
	v8 =	vld [tilespmem:s10+$0xB40]  }
0x184: {  	[tilespmem:s10+$0x520] =	vst v0;
	v0 =	vmul.f32 v10, v1;
	v1 =	vmul.f32 v10, v9;
	v9 =	vld [tilespmem:s10+$0x150]  }
0x185: {  	[tilespmem:s10+$0x720] =	vst v3;
	v3 =	vld [tilespmem:s10+$0x350]  }
0x186: {  	v0 =	vadd.f32 v0, v6;
	v1 =	vsub.f32 v1, v4;
	v4 =	vld [tilespmem:s10+$0x950]  }
0x187: {  	v6 =	vmul.f32 v5, v7;
	v5 =	vmul.f32 v5, v2;
	v10 =	vld [tilespmem:s10+$0xB50]  }
0x188: {  	[tilespmem:s10+$0x530] =	vst v0;
	v0 =	vmul.f32 v8, v2;
	v2 =	vmul.f32 v8, v7;
	v7 =	vld [tilespmem:s10+$0x160]  }
0x189: {  	[tilespmem:s10+$0x730] =	vst v1;
	v1 =	vld [tilespmem:s10+$0x360]  }
0x18a: {  	v0 =	vadd.f32 v0, v6;
	v2 =	vsub.f32 v2, v5;
	v5 =	vld [tilespmem:s10+$0x960]  }
0x18b: {  	v6 =	vmul.f32 v4, v9;
	v4 =	vmul.f32 v4, v3;
	v8 =	vld [tilespmem:s10+$0xB60]  }
0x18c: {  	[tilespmem:s10+$0x540] =	vst v0;
	v0 =	vmul.f32 v10, v3;
	v3 =	vmul.f32 v10, v9;
	v9 =	vld [tilespmem:s10+$0x170]  }
0x18d: {  	[tilespmem:s10+$0x740] =	vst v2;
	v2 =	vld [tilespmem:s10+$0x370]  }
0x18e: {  	v0 =	vadd.f32 v0, v6;
	v3 =	vsub.f32 v3, v4;
	v4 =	vld [tilespmem:s10+$0x970]  }
0x18f: {  	v6 =	vmul.f32 v5, v7;
	v5 =	vmul.f32 v5, v1;
	v10 =	vld [tilespmem:s10+$0xB70]  }
0x190: {  	[tilespmem:s10+$0x550] =	vst v0;
	v0 =	vmul.f32 v8, v1;
	v1 =	vmul.f32 v8, v7;
	v7 =	vld [tilespmem:s10+$0x180]  }
0x191: {  	[tilespmem:s10+$0x750] =	vst v3;
	v3 =	vld [tilespmem:s10+$0x380]  }
0x192: {  	v0 =	vadd.f32 v0, v6;
	v1 =	vsub.f32 v1, v5;
	v5 =	vld [tilespmem:s10+$0x980]  }
0x193: {  	v6 =	vmul.f32 v4, v9;
	v4 =	vmul.f32 v4, v2;
	v8 =	vld [tilespmem:s10+$0xB80]  }
0x194: {  	[tilespmem:s10+$0x560] =	vst v0;
	v0 =	vmul.f32 v10, v2;
	v2 =	vmul.f32 v10, v9;
	v9 =	vld [tilespmem:s10+$0x190]  }
0x195: {  	[tilespmem:s10+$0x760] =	vst v1;
	v1 =	vld [tilespmem:s10+$0x390]  }
0x196: {  	v0 =	vadd.f32 v0, v6;
	v2 =	vsub.f32 v2, v4;
	v4 =	vld [tilespmem:s10+$0x990]  }
0x197: {  	v6 =	vmul.f32 v5, v7;
	v5 =	vmul.f32 v5, v3;
	v10 =	vld [tilespmem:s10+$0xB90]  }
0x198: {  	[tilespmem:s10+$0x570] =	vst v0;
	v0 =	vmul.f32 v8, v3;
	v3 =	vmul.f32 v8, v7;
	v7 =	vld [tilespmem:s10+$0x1A0]  }
0x199: {  	[tilespmem:s10+$0x770] =	vst v2;
	v2 =	vld [tilespmem:s10+$0x3A0]  }
0x19a: {  	v0 =	vadd.f32 v0, v6;
	v3 =	vsub.f32 v3, v5;
	v5 =	vld [tilespmem:s10+$0x9A0]  }
0x19b: {  	v6 =	vmul.f32 v4, v9;
	v4 =	vmul.f32 v4, v1;
	v8 =	vld [tilespmem:s10+$0xBA0]  }
0x19c: {  	[tilespmem:s10+$0x580] =	vst v0;
	v0 =	vmul.f32 v10, v1;
	v1 =	vmul.f32 v10, v9;
	v9 =	vld [tilespmem:s10+$0x1B0]  }
0x19d: {  	[tilespmem:s10+$0x780] =	vst v3;
	v3 =	vld [tilespmem:s10+$0x3B0]  }
0x19e: {  	v0 =	vadd.f32 v0, v6;
	v1 =	vsub.f32 v1, v4;
	v4 =	vld [tilespmem:s10+$0x9B0]  }
0x19f: {  	v6 =	vmul.f32 v5, v7;
	v5 =	vmul.f32 v5, v2;
	v10 =	vld [tilespmem:s10+$0xBB0]  }
0x1a0: {  	[tilespmem:s10+$0x590] =	vst v0;
	v0 =	vmul.f32 v8, v2;
	v2 =	vmul.f32 v8, v7;
	v7 =	vld [tilespmem:s10+$0x1C0]  }
0x1a1: {  	[tilespmem:s10+$0x790] =	vst v1;
	v1 =	vld [tilespmem:s10+$0x3C0]  }
0x1a2: {  	v0 =	vadd.f32 v0, v6;
	v2 =	vsub.f32 v2, v5;
	v5 =	vld [tilespmem:s10+$0x9C0]  }
0x1a3: {  	v6 =	vmul.f32 v4, v9;
	v4 =	vmul.f32 v4, v3;
	v8 =	vld [tilespmem:s10+$0xBC0]  }
0x1a4: {  	[tilespmem:s10+$0x5A0] =	vst v0;
	v0 =	vmul.f32 v10, v3;
	v3 =	vmul.f32 v10, v9;
	v9 =	vld [tilespmem:s10+$0x1D0]  }
0x1a5: {  	[tilespmem:s10+$0x7A0] =	vst v2;
	v2 =	vld [tilespmem:s10+$0x3D0]  }
0x1a6: {  	v0 =	vadd.f32 v0, v6;
	v3 =	vsub.f32 v3, v4;
	v4 =	vld [tilespmem:s10+$0x9D0]  }
0x1a7: {  	v6 =	vmul.f32 v5, v7;
	v5 =	vmul.f32 v5, v1;
	v10 =	vld [tilespmem:s10+$0xBD0]  }
0x1a8: {  	[tilespmem:s10+$0x5B0] =	vst v0;
	v1 =	vmul.f32 v8, v1;
	v7 =	vmul.f32 v8, v7;
	v0 =	vld [tilespmem:s10+$0x1E0]  }
0x1a9: {  	[tilespmem:s10+$0x7B0] =	vst v3;
	v3 =	vld [tilespmem:s10+$0x3E0]  }
.Ltmp1:
0x1aa: {  	v8 =	vadd.f32 v1, v6;
	v7 =	vsub.f32 v7, v5;
	v5 =	vld [tilespmem:s10+$0x9E0];
	(pc) =	sbr.rel @p0 .LBB2_3-.Ltmp1, $4  }
0x1ab: {  	s12 =	sshra.s32 s11, $0x2;
	v11 =	vmul.f32 v4, v9;
	v12 =	vmul.f32 v4, v2;
	v6 =	vld [tilespmem:s10+$0xBE0]  }
0x1ac: {  	v1 =	vld [tilespmem:s12+$0x1F0];
	[tilespmem:s10+$0x5C0] =	vst v8;
	v8 =	vmul.f32 v10, v2;
	v9 =	vmul.f32 v10, v9  }
0x1ad: {  	v2 =	vld [tilespmem:s12+$0x3F0];
	[tilespmem:s10+$0x7C0] =	vst v7  }
0x1ae: {  	s11 =	sadd.s32 $0x1000, s11;
	v4 =	vld [tilespmem:s12+$0x9F0];
	v8 =	vadd.f32 v8, v11;
	v7 =	vsub.f32 v9, v12  }
0x1af: {  	v9 =	vld [tilespmem:s12+$0xBF0]  }
0x1b0: {  	v10 =	vld [tilespmem:s12+$0x0];
	v11 =	vmul.f32 v5, v0;
	[tilespmem:s10+$0x5D0] =	vst v8;
	v12 =	vmul.f32 v6, v3  }
0x1b1: {  	v20 =	vmul.f32 v5, v3;
	v21 =	vmul.f32 v6, v0;
	v8 =	vld [tilespmem:s12+$0x200];
	[tilespmem:s10+$0x7D0] =	vst v7  }
0x1b2: {  	v7 =	vld [tilespmem:s12+$0x800];
	v22 =	vadd.f32 v12, v11  }
0x1b3: {  	v23 =	vld [tilespmem:s12+$0xA00];
	v0 =	vsub.f32 v21, v20  }
0x1b4: {  	v24 =	vld [tilespmem:s12+$0x10];
	[tilespmem:s10+$0x5E0] =	vst v22  }
0x1b5: {  	v25 =	vld [tilespmem:s12+$0x210];
	[tilespmem:s10+$0x7E0] =	vst v0  }
0x1b6: {  	v0 =	vld [tilespmem:s12+$0x810]  }
0x1b7: {  	v31 =	vld [tilespmem:s12+$0xA10]  }
0x1b8: {  	v32 =	vld [tilespmem:s12+$0x20]  }
0x1b9: {  	v35 =	vld [tilespmem:s12+$0x220]  }
0x1ba: {  	v37 =	vld [tilespmem:s12+$0x820]  }
0x1bb: {  	v38 =	vld [tilespmem:s12+$0xA20]  }
0x1bc: {  	v39 =	vld [tilespmem:s12+$0x30]  }
0x1bd: {  	v42 =	vld [tilespmem:s12+$0x230]  }
0x1be: {  	v45 =	vld [tilespmem:s12+$0x830]  }
0x1bf: {  	v46 =	vld [tilespmem:s12+$0xA30]  }
0x1c0: {  	v47 =	vld [tilespmem:s12+$0x40]  }
0x1c1: {  	v50 =	vld [tilespmem:s12+$0x240]  }
0x1c2: {  	v51 =	vld [tilespmem:s12+$0x840]  }
0x1c3: {  	v52 =	vld [tilespmem:s12+$0xA40]  }
0x1c4: {  	v53 =	vld [tilespmem:s12+$0x50]  }
0x1c5: {  	v56 =	vld [tilespmem:s12+$0x250]  }
0x1c6: {  	v58 =	vld [tilespmem:s12+$0x850]  }
0x1c7: {  	v59 =	vld [tilespmem:s12+$0xA50]  }
0x1c8: {  	v60 =	vld [tilespmem:s12+$0x60]  }
0x1c9: {  	v63 =	vld [tilespmem:s12+$0x260]  }
0x1ca: {  	v12 =	vld [tilespmem:s12+$0x860]  }
0x1cb: {  	v13 =	vld [tilespmem:s12+$0xA60]  }
0x1cc: {  	v14 =	vld [tilespmem:s12+$0x70]  }
0x1cd: {  	v17 =	vld [tilespmem:s12+$0x270]  }
0x1ce: {  	v18 =	vld [tilespmem:s12+$0x870]  }
0x1cf: {  	v27 =	vmul.f32 v4, v2;
	v26 =	vmul.f32 v9, v1;
	v19 =	vld [tilespmem:s12+$0xA70]  }
0x1d0: {  	v28 =	vmul.f32 v4, v1;
	v29 =	vmul.f32 v9, v2;
	v20 =	vld [tilespmem:s12+$0x80]  }
0x1d1: {  	v30 =	vsub.f32 v26, v27;
	v26 =	vld [tilespmem:s12+$0x90]  }
0x1d2: {  	v1 =	vadd.f32 v29, v28;
	v29 =	vld [tilespmem:s12+$0x290];
	v34 =	vmul.f32 v23, v8  }
0x1d3: {  	v36 =	vmul.f32 v7, v8;
	v6 =	vmul.f32 v23, v10;
	v23 =	vld [tilespmem:s12+$0x280]  }
0x1d4: {  	[tilespmem:s12+$0x7F0] =	vst v30;
	v30 =	vld [tilespmem:s12+$0x890]  }
0x1d5: {  	[tilespmem:s12+$0x5F0] =	vst v1;
	v1 =	vsub.f32 v6, v36;
	v36 =	vld [tilespmem:s12+$0x8A0]  }
0x1d6: {  	v40 =	vmul.f32 v0, v24;
	v43 =	vmul.f32 v31, v24;
	v24 =	vld [tilespmem:s12+$0x880]  }
0x1d7: {  	v41 =	vmul.f32 v31, v25;
	v0 =	vmul.f32 v0, v25;
	v25 =	vld [tilespmem:s12+$0xA80]  }
0x1d8: {  	v33 =	vmul.f32 v7, v10;
	v31 =	vld [tilespmem:s12+$0xA90]  }
0x1d9: {  	v48 =	vmul.f32 v37, v32;
	v7 =	vmul.f32 v38, v32;
	v32 =	vld [tilespmem:s12+$0xA0]  }
0x1da: {  	v49 =	vmul.f32 v38, v35;
	v4 =	vmul.f32 v37, v35;
	v35 =	vld [tilespmem:s12+$0x2A0]  }
0x1db: {  	v37 =	vld [tilespmem:s12+$0xAA0]  }
0x1dc: {  	v38 =	vld [tilespmem:s12+$0xB0]  }
0x1dd: {  	[tilespmem:s12+$0x600] =	vst v1;
	v55 =	vmul.f32 v46, v42;
	v1 =	vmul.f32 v45, v42;
	v42 =	vld [tilespmem:s12+$0x8B0]  }
0x1de: {  	v61 =	vmul.f32 v51, v47;
	v3 =	vmul.f32 v52, v47;
	v47 =	vld [tilespmem:s12+$0x2C0]  }
0x1df: {  	v44 =	vadd.f32 v41, v40;
	v41 =	vld [tilespmem:s12+$0x2B0]  }
0x1e0: {  	v0 =	vsub.f32 v43, v0;
	v43 =	vld [tilespmem:s12+$0xAB0]  }
0x1e1: {  	v2 =	vadd.f32 v34, v33;
	v54 =	vmul.f32 v45, v39;
	v5 =	vadd.f32 v49, v48;
	v48 =	vld [tilespmem:s12+$0x8C0]  }
0x1e2: {  	v49 =	vld [tilespmem:s12+$0xAC0]  }
0x1e3: {  	[tilespmem:s12+$0x400] =	vst v2;
	v2 =	vmul.f32 v46, v39;
	v57 =	vadd.f32 v55, v54;
	v54 =	vld [tilespmem:s12+$0x8D0]  }
0x1e4: {  	v62 =	vmul.f32 v52, v50;
	v55 =	vld [tilespmem:s12+$0xAD0]  }
0x1e5: {  	v21 =	vmul.f32 v12, v60;
	v1 =	vsub.f32 v2, v1;
	v2 =	vmul.f32 v13, v60;
	v60 =	vld [tilespmem:s12+$0x8E0]  }
0x1e6: {  	v6 =	vadd.f32 v62, v61;
	v61 =	vld [tilespmem:s12+$0xAE0]  }
0x1e7: {  	v62 =	vld [tilespmem:s12+$0xF0]  }
0x1e8: {  	v22 =	vmul.f32 v13, v63;
	v13 =	vld [tilespmem:s12+$0x2F0]  }
0x1e9: {  	[tilespmem:s12+$0x410] =	vst v44;
	v44 =	vld [tilespmem:s12+$0xC0]  }
0x1ea: {  	v4 =	vsub.f32 v7, v4;
	[tilespmem:s12+$0x610] =	vst v0;
	v0 =	vmul.f32 v51, v50;
	v50 =	vld [tilespmem:s12+$0xD0]  }
0x1eb: {  	v15 =	vmul.f32 v58, v53;
	[tilespmem:s12+$0x420] =	vst v5;
	v5 =	vmul.f32 v59, v53;
	v53 =	vld [tilespmem:s12+$0x2D0]  }
0x1ec: {  	v16 =	vmul.f32 v59, v56;
	[tilespmem:s12+$0x620] =	vst v4;
	v4 =	vmul.f32 v58, v56;
	v56 =	vld [tilespmem:s12+$0xE0]  }
0x1ed: {  	v59 =	vld [tilespmem:s12+$0x2E0]  }
0x1ee: {  	[tilespmem:s12+$0x440] =	vst v6;
	v6 =	vadd.f32 v16, v15;
	v15 =	vld [tilespmem:s12+$0xAF0]  }
0x1ef: {  	v16 =	vld [tilespmem:s12+$0x100]  }
0x1f0: {  	v27 =	vmul.f32 v18, v14;
	v0 =	vsub.f32 v3, v0;
	v3 =	vmul.f32 v19, v14;
	v14 =	vld [tilespmem:s12+$0x8F0]  }
0x1f1: {  	v28 =	vmul.f32 v19, v17;
	v19 =	vld [tilespmem:s12+$0x300]  }
0x1f2: {  	v33 =	vmul.f32 v24, v20;
	v4 =	vsub.f32 v5, v4;
	v5 =	vmul.f32 v25, v20;
	v20 =	vld [tilespmem:s12+$0x900]  }
0x1f3: {  	[tilespmem:s12+$0x450] =	vst v6;
	v6 =	vadd.f32 v22, v21;
	v21 =	vld [tilespmem:s12+$0xB00]  }
0x1f4: {  	[tilespmem:s12+$0x630] =	vst v1;
	v1 =	vmul.f32 v12, v63;
	v22 =	vld [tilespmem:s12+$0x110]  }
0x1f5: {  	v34 =	vmul.f32 v25, v23;
	v25 =	vld [tilespmem:s12+$0x310]  }
0x1f6: {  	v39 =	vmul.f32 v30, v26;
	v1 =	vsub.f32 v2, v1;
	v2 =	vmul.f32 v31, v26;
	v26 =	vld [tilespmem:s12+$0x910]  }
0x1f7: {  	v40 =	vmul.f32 v31, v29;
	v31 =	vld [tilespmem:s12+$0x320];
	[tilespmem:s12+$0x640] =	vst v0  }
0x1f8: {  	[tilespmem:s12+$0x460] =	vst v6;
	v0 =	vmul.f32 v18, v17;
	v6 =	vadd.f32 v28, v27;
	v27 =	vld [tilespmem:s12+$0xB10]  }
0x1f9: {  	v28 =	vld [tilespmem:s12+$0x120]  }
0x1fa: {  	v45 =	vmul.f32 v36, v32;
	v0 =	vsub.f32 v3, v0;
	v3 =	vmul.f32 v37, v32;
	v32 =	vld [tilespmem:s12+$0x920]  }
0x1fb: {  	[tilespmem:s12+$0x470] =	vst v6;
	v6 =	vadd.f32 v34, v33;
	v33 =	vld [tilespmem:s12+$0xB20]  }
0x1fc: {  	[tilespmem:s12+$0x650] =	vst v4;
	v4 =	vmul.f32 v24, v23;
	v34 =	vld [tilespmem:s12+$0x130]  }
0x1fd: {  	v46 =	vmul.f32 v37, v35;
	v51 =	vmul.f32 v42, v38;
	v37 =	vld [tilespmem:s12+$0x330]  }
0x1fe: {  	[tilespmem:s12+$0x660] =	vst v1;
	v1 =	vmul.f32 v30, v29;
	v4 =	vsub.f32 v5, v4;
	v5 =	vmul.f32 v43, v38;
	v38 =	vld [tilespmem:s12+$0x930]  }
0x1ff: {  	v52 =	vmul.f32 v43, v41;
	v43 =	vld [tilespmem:s12+$0x340]  }
0x200: {  	[tilespmem:s12+$0x430] =	vst v57;
	v57 =	vmul.f32 v48, v44;
	v1 =	vsub.f32 v2, v1;
	v2 =	vmul.f32 v49, v44;
	v44 =	vld [tilespmem:s12+$0x940]  }
0x201: {  	v58 =	vmul.f32 v49, v47;
	v49 =	vld [tilespmem:s12+$0x350]  }
0x202: {  	[tilespmem:s12+$0x480] =	vst v6;
	v6 =	vadd.f32 v40, v39;
	v39 =	vld [tilespmem:s12+$0xB30]  }
0x203: {  	[tilespmem:s12+$0x670] =	vst v0;
	v40 =	vld [tilespmem:s12+$0x140]  }
0x204: {  	v0 =	vmul.f32 v36, v35;
	[tilespmem:s12+$0x490] =	vst v6;
	v6 =	vadd.f32 v46, v45;
	v45 =	vld [tilespmem:s12+$0xB40]  }
0x205: {  	v63 =	vmul.f32 v54, v50;
	v46 =	vld [tilespmem:s12+$0x150]  }
0x206: {  	[tilespmem:s12+$0x680] =	vst v4;
	v4 =	vmul.f32 v42, v41;
	v0 =	vsub.f32 v3, v0;
	v3 =	vmul.f32 v55, v50;
	v50 =	vld [tilespmem:s12+$0x950]  }
0x207: {  	v12 =	vmul.f32 v55, v53;
	v17 =	vmul.f32 v60, v56;
	v55 =	vld [tilespmem:s12+$0x360]  }
0x208: {  	[tilespmem:s12+$0x690] =	vst v1;
	v1 =	vmul.f32 v48, v47;
	v4 =	vsub.f32 v5, v4;
	v5 =	vmul.f32 v61, v56;
	v56 =	vld [tilespmem:s12+$0x960]  }
0x209: {  	v18 =	vmul.f32 v61, v59;
	v61 =	vld [tilespmem:s12+$0x370]  }
0x20a: {  	v23 =	vmul.f32 v14, v62;
	v1 =	vsub.f32 v2, v1;
	v2 =	vmul.f32 v15, v62;
	v62 =	vld [tilespmem:s12+$0x970]  }
0x20b: {  	v24 =	vmul.f32 v15, v13;
	v15 =	vld [tilespmem:s12+$0x380]  }
0x20c: {  	[tilespmem:s12+$0x4A0] =	vst v6;
	v6 =	vadd.f32 v52, v51;
	v51 =	vld [tilespmem:s12+$0xB50]  }
0x20d: {  	[tilespmem:s12+$0x6A0] =	vst v0;
	v52 =	vld [tilespmem:s12+$0x160]  }
0x20e: {  	v0 =	vmul.f32 v54, v53;
	[tilespmem:s12+$0x4B0] =	vst v6;
	v6 =	vadd.f32 v58, v57;
	v57 =	vld [tilespmem:s12+$0xB60]  }
0x20f: {  	v29 =	vmul.f32 v20, v16;
	v58 =	vld [tilespmem:s12+$0x170]  }
0x210: {  	[tilespmem:s12+$0x6B0] =	vst v4;
	v4 =	vmul.f32 v60, v59;
	v0 =	vsub.f32 v3, v0;
	v3 =	vmul.f32 v21, v16;
	v16 =	vld [tilespmem:s12+$0x980]  }
0x211: {  	v30 =	vmul.f32 v21, v19;
	v35 =	vmul.f32 v26, v22;
	v21 =	vld [tilespmem:s12+$0x390]  }
0x212: {  	[tilespmem:s12+$0x6C0] =	vst v1;
	v1 =	vmul.f32 v14, v13;
	v4 =	vsub.f32 v5, v4;
	v5 =	vmul.f32 v27, v22;
	v22 =	vld [tilespmem:s12+$0x990]  }
0x213: {  	v36 =	vmul.f32 v27, v25;
	v27 =	vld [tilespmem:s12+$0x3A0]  }
0x214: {  	v41 =	vmul.f32 v32, v28;
	v1 =	vsub.f32 v2, v1;
	v2 =	vmul.f32 v33, v28;
	v28 =	vld [tilespmem:s12+$0x9A0]  }
0x215: {  	v42 =	vmul.f32 v33, v31;
	v33 =	vld [tilespmem:s12+$0x3B0];
	[tilespmem:s12+$0x4C0] =	vst v6  }
0x216: {  	v6 =	vadd.f32 v12, v63;
	[tilespmem:s12+$0x6D0] =	vst v0;
	v63 =	vld [tilespmem:s12+$0xB70]  }
0x217: {  	[tilespmem:s12+$0x6E0] =	vst v4;
	v0 =	vmul.f32 v20, v19;
	v12 =	vld [tilespmem:s12+$0x180]  }
0x218: {  	v4 =	vmul.f32 v26, v25;
	[tilespmem:s12+$0x4D0] =	vst v6;
	v6 =	vadd.f32 v18, v17;
	v17 =	vld [tilespmem:s12+$0xB80]  }
0x219: {  	v47 =	vmul.f32 v38, v34;
	[tilespmem:s12+$0x6F0] =	vst v1;
	v0 =	vsub.f32 v3, v0;
	v18 =	vld [tilespmem:s12+$0x190]  }
0x21a: {  	v1 =	vmul.f32 v32, v31;
	v4 =	vsub.f32 v5, v4;
	v3 =	vmul.f32 v39, v34;
	v34 =	vld [tilespmem:s12+$0x9B0];
	[tilespmem:s12+$0x4E0] =	vst v6  }
0x21b: {  	v48 =	vmul.f32 v39, v37;
	v53 =	vmul.f32 v44, v40;
	v39 =	vld [tilespmem:s12+$0x3C0];
	v6 =	vadd.f32 v24, v23;
	[tilespmem:s12+$0x700] =	vst v0  }
0x21c: {  	v1 =	vsub.f32 v2, v1;
	v5 =	vmul.f32 v45, v40;
	v40 =	vld [tilespmem:s12+$0x9C0];
	[tilespmem:s12+$0x710] =	vst v4;
	v0 =	vmul.f32 v38, v37  }
0x21d: {  	v54 =	vmul.f32 v45, v43;
	v45 =	vld [tilespmem:s12+$0x3D0];
	v4 =	vmul.f32 v44, v43;
	[tilespmem:s12+$0x4F0] =	vst v6;
	v6 =	vadd.f32 v30, v29  }
0x21e: {  	v59 =	vmul.f32 v50, v46;
	v2 =	vmul.f32 v51, v46;
	v46 =	vld [tilespmem:s12+$0x9D0];
	[tilespmem:s12+$0x720] =	vst v1;
	v0 =	vsub.f32 v3, v0  }
0x21f: {  	v1 =	vmul.f32 v50, v49;
	v23 =	vld [tilespmem:s12+$0xB90];
	v4 =	vsub.f32 v5, v4;
	[tilespmem:s12+$0x500] =	vst v6  }
0x220: {  	v24 =	vld [tilespmem:s12+$0x1A0];
	v6 =	vadd.f32 v36, v35;
	[tilespmem:s12+$0x730] =	vst v0  }
0x221: {  	v1 =	vsub.f32 v2, v1;
	v3 =	vmul.f32 v57, v52;
	v29 =	vld [tilespmem:s12+$0xBA0];
	[tilespmem:s12+$0x740] =	vst v4;
	v0 =	vmul.f32 v56, v55  }
0x222: {  	v5 =	vmul.f32 v63, v58;
	v30 =	vld [tilespmem:s12+$0x1B0];
	v4 =	vmul.f32 v62, v61;
	[tilespmem:s12+$0x510] =	vst v6;
	v6 =	vadd.f32 v42, v41  }
0x223: {  	[tilespmem:s12+$0x750] =	vst v1;
	v35 =	vld [tilespmem:s12+$0xBB0];
	v0 =	vsub.f32 v3, v0  }
0x224: {  	v2 =	vmul.f32 v17, v12;
	v1 =	vmul.f32 v16, v15;
	v36 =	vld [tilespmem:s12+$0x1C0];
	v4 =	vsub.f32 v5, v4;
	[tilespmem:s12+$0x520] =	vst v6  }
0x225: {  	v41 =	vld [tilespmem:s12+$0xBC0];
	v6 =	vadd.f32 v48, v47;
	[tilespmem:s12+$0x760] =	vst v0  }
0x226: {  	v1 =	vsub.f32 v2, v1;
	v3 =	vmul.f32 v23, v18;
	v42 =	vld [tilespmem:s12+$0x1D0];
	[tilespmem:s12+$0x770] =	vst v4;
	v0 =	vmul.f32 v22, v21  }
0x227: {  	v5 =	vmul.f32 v29, v24;
	v4 =	vmul.f32 v28, v27;
	v47 =	vld [tilespmem:s12+$0xBD0];
	[tilespmem:s12+$0x530] =	vst v6;
	v6 =	vadd.f32 v54, v53  }
0x228: {  	v60 =	vmul.f32 v51, v49;
	v51 =	vld [tilespmem:s12+$0xBE0];
	[tilespmem:s12+$0x780] =	vst v1;
	v0 =	vsub.f32 v3, v0  }
0x229: {  	v49 =	vld [tilespmem:s12+$0x3E0];
	v1 =	vmul.f32 v34, v33;
	v2 =	vmul.f32 v35, v30;
	v4 =	vsub.f32 v5, v4;
	[tilespmem:s12+$0x540] =	vst v6  }
0x22a: {  	v13 =	vmul.f32 v56, v52;
	v14 =	vmul.f32 v57, v55;
	v50 =	vld [tilespmem:s12+$0x9E0];
	v6 =	vadd.f32 v60, v59;
	[tilespmem:s12+$0x790] =	vst v0  }
0x22b: {  	v48 =	vld [tilespmem:s12+$0x1E0];
	v1 =	vsub.f32 v2, v1;
	v3 =	vmul.f32 v41, v36;
	[tilespmem:s12+$0x7A0] =	vst v4;
	v0 =	vmul.f32 v40, v39  }
0x22c: {  	v54 =	vmul.f32 v46, v42;
	v55 =	vmul.f32 v47, v45;
	[tilespmem:s12+$0x550] =	vst v6;
	v6 =	vadd.f32 v14, v13  }
0x22d: {  	v19 =	vmul.f32 v62, v58;
	v20 =	vmul.f32 v63, v61;
	[tilespmem:s12+$0x7B0] =	vst v1;
	v0 =	vsub.f32 v3, v0  }
0x22e: {  	v56 =	vmul.f32 v46, v45;
	v57 =	vmul.f32 v47, v42;
	v58 =	vadd.f32 v55, v54;
	[tilespmem:s12+$0x560] =	vst v6  }
0x22f: {  	v25 =	vmul.f32 v16, v12;
	v26 =	vmul.f32 v17, v15;
	v6 =	vadd.f32 v20, v19;
	[tilespmem:s12+$0x7C0] =	vst v0  }
0x230: {  	v60 =	vmul.f32 v51, v49;
	v59 =	vmul.f32 v50, v48;
	v61 =	vsub.f32 v57, v56;
	[tilespmem:s12+$0x5D0] =	vst v58  }
0x231: {  	v31 =	vmul.f32 v22, v18;
	v32 =	vmul.f32 v23, v21;
	[tilespmem:s12+$0x570] =	vst v6;
	v6 =	vadd.f32 v26, v25  }
0x232: {  	v1 =	vmul.f32 v50, v49;
	v2 =	vmul.f32 v51, v48;
	v62 =	vadd.f32 v60, v59;
	[tilespmem:s12+$0x7D0] =	vst v61  }
0x233: {  	v37 =	vmul.f32 v28, v24;
	v38 =	vmul.f32 v29, v27;
	[tilespmem:s12+$0x580] =	vst v6;
	v6 =	vadd.f32 v32, v31  }
0x234: {  	v52 =	vmul.f32 v40, v36;
	v13 =	vmul.f32 v41, v39;
	v63 =	vsub.f32 v2, v1;
	[tilespmem:s12+$0x5E0] =	vst v62  }
0x235: {  	v43 =	vmul.f32 v34, v30;
	v44 =	vmul.f32 v35, v33;
	[tilespmem:s12+$0x590] =	vst v6;
	v6 =	vadd.f32 v38, v37  }
0x236: {  	v53 =	vadd.f32 v13, v52;
	[tilespmem:s12+$0x7E0] =	vst v63  }
0x237: {  	s9 =	sadd.s32 $0x1, s9;
	[tilespmem:s12+$0x5A0] =	vst v6;
	v6 =	vadd.f32 v44, v43  }
0x238: {  	p0 =	sne.s32 s9, s5;
	[tilespmem:s12+$0x5C0] =	vst v53  }
.Ltmp2:
0x239: {  	[tilespmem:s12+$0x5B0] =	vst v6;
	(pc) =	sbr.rel @p0 .LBB2_2-.Ltmp2, $4  }
0x23a: {  	[hbm4b:s3+s6] =	stream.strided.scatter [tilespmem:s2], [sflag:$0x1], $0xFC00, s7, s6, $0x38;
	[tilespmem:$0x10000] =	vst v63  }
0x23b: {  	_ =	swait.ge [sflag:s8], $0xFC00  }
0x23c: {  	[sflag:s8] =	ssyncset.done $0x0  }
0x23d: {  	[sflag:s8] =	ssyncadd.s32 $0xFFFF0400  }
.LBB2_5:
0x23e: {  	_ =	sfence.sel $0x180000  }
0x23f: {  	[bflag:$0x0] =	sbarrier.arrive $0xFFFF  }
0x240: {  	p0 =	sne.s32 s1, $0x0;
	_ =	strace $0x90000047  }
0x241: {  	s0 =	sadd.s32 @!p0 $0x100000, s0;
	[bflag:$0x2] =	sbarrier.arrive $0xFFFF  }
0x242: {  	[sflag:s0] =	ssyncadd.tile.s32 @!p0 $0x1;
	_ =	shalt  }
.Lfunc_end2:
_tile_overlayer_lowered:
.L_overlay_start_2:
0x243: {  	(tag) =	ssettag $0x2  }
0x244: {  	s0 =	rddreg [dreg:$0x0];
	s2 =	stileid.u32  }
0x245: {  	s1 =	rddreg [dreg:$0x1];
	p0 =	sne.s32 s2, $0x0  }
0x246: {  	s3 =	rddreg [dreg:$0x2];
	[bflag:$0x3] =	sbarrier.arrive $0xFFFF;
	s2 =	simm.s32 @!p0 $0x1C01  }
0x247: {  	[timem:s3], [sflag:s2] =	dma.local @!p0 [hbm:s0], s1  }
0x248: {  	s0 =	simm.s32 @!p0 $0x1  }
0x249: {  	_ =	swait.ge @!p0 [sflag:s0], s1  }
0x24a: {  	s1 =	ssub.s32 @!p0 $0x0, s1;
	[sflag:s0] =	ssyncset.done @!p0 $0x0  }
0x24b: {  	[sflag:s0] =	ssyncadd.s32 @!p0 s1  }
0x24c: {  	[bflag:$0x3] =	sbarrier.arrive $0xFFFF  }
0x24d: {  	_ =	shalt  }

</sc_bundles>
